<compile_context>
chip_gen: v7x
topology: tpu7x:2x2x1
jax: 0.10.2.dev20260603
libtpu: 0.0.44.dev20260713+nightly
codegen_flags: <defaults>
</compile_context>

<pallas_src>
import functools

import jax
import jax.numpy as jnp
from jax import lax
from jax.experimental import pallas as pl
from jax.experimental.pallas import tpu as pltpu
from jax.experimental.pallas import tpu_sc as plsc

N = 10000
E = 320000
D_IN = 128
D_H = 64

NC = 2
NS = 16
NW = NC * NS
CH = 128
NCHUNK = E // CH
NFULL = NCHUNK // NW
NEXTRA = NCHUNK - NFULL * NW
EPW = NFULL * CH
NBUF = 6
A = 10240
STRIPE = A // NS

_MESH = plsc.VectorSubcoreMesh(core_axis_name="c", subcore_axis_name="s")



@functools.partial(
    pl.kernel,
    out_type=jax.ShapeDtypeStruct((NC, A), jnp.float32),
    mesh=_MESH,
    compiler_params=pltpu.CompilerParams(
        needs_layout_passes=False, use_tc_tiling_on_sc=False),
    scratch_types=[
        pltpu.VMEM((EPW,), jnp.int32),
        pltpu.VMEM((CH,), jnp.int32),
        pltpu.VMEM((A,), jnp.float32),
        pltpu.VMEM((NS, STRIPE), jnp.float32),
        pltpu.VMEM((STRIPE,), jnp.float32),
        pltpu.VMEM_SHARED((NS, A), jnp.float32),
        pltpu.SemaphoreType.DMA,
    ],
)
def _sc_degree(ei_hbm, zeros_hbm, out_hbm, di_all, di_x, hist, red, outv,
               hist_sh, sem):
    c = lax.axis_index("c")
    s = lax.axis_index("s")
    wid = c * NS + s
    pltpu.sync_copy(ei_hbm.at[1, pl.ds(wid * EPW, EPW)], di_all)
    pltpu.sync_copy(zeros_hbm, hist)
    ones16 = jnp.full((16,), 1.0, jnp.float32)

    def body(j, carry):
        idx = di_all[pl.ds(j * 16, 16)]
        plsc.addupdate_scatter(hist, [idx], ones16)
        return carry

    lax.fori_loop(0, EPW // 16, body, 0)

    @pl.when(wid < NEXTRA)
    def _():
        pltpu.sync_copy(
            ei_hbm.at[1, pl.ds((NW * NFULL + wid) * CH, CH)], di_x)

        def xbody(j, carry):
            idx = di_x[pl.ds(j * 16, 16)]
            plsc.addupdate_scatter(hist, [idx], ones16)
            return carry

        lax.fori_loop(0, CH // 16, xbody, 0)
    pltpu.sync_copy(hist, hist_sh.at[s])
    plsc.subcore_barrier()
    pltpu.sync_copy(hist_sh.at[:, pl.ds(s * STRIPE, STRIPE)], red)

    def rbody(t, carry):
        acc = jnp.zeros((16,), jnp.float32)
        for r in range(NS):
            acc = acc + red[r, pl.ds(t * 16, 16)]
        outv[pl.ds(t * 16, 16)] = acc
        return carry

    lax.fori_loop(0, STRIPE // 16, rbody, 0)
    pltpu.sync_copy(outv, out_hbm.at[c, pl.ds(s * STRIPE, STRIPE)])


@functools.partial(
    pl.kernel,
    out_type=jax.ShapeDtypeStruct((NC, A, 2 * D_H), jnp.float32),
    mesh=_MESH,
    compiler_params=pltpu.CompilerParams(use_tc_tiling_on_sc=False),
    scratch_types=(
        [pltpu.VMEM((EPW,), jnp.int32)]
        + [pltpu.VMEM((CH,), jnp.int32) for _ in range(NBUF)]
        + [pltpu.VMEM((CH,), jnp.int32)]
        + [pltpu.VMEM((CH, D_H), jnp.float32) for _ in range(NBUF)]
        + [pltpu.VMEM_SHARED((A, D_H), jnp.float32)]
        + [pltpu.SemaphoreType.DMA for _ in range(2 * NBUF + 1)]
    ),
)
def _sc_edge_pass(y_hbm, ei_hbm, zeros_hbm, out_hbm, *scr):
    si_all = scr[0]
    dibs = scr[1:1 + NBUF]
    si_x = scr[1 + NBUF]
    rows_bufs = scr[2 + NBUF:2 + 2 * NBUF]
    acc_sh = scr[2 + 2 * NBUF]
    gsems = scr[3 + 2 * NBUF:3 + 3 * NBUF]
    dsems = scr[3 + 3 * NBUF:3 + 4 * NBUF]
    ssem = scr[3 + 4 * NBUF]
    c = lax.axis_index("c")
    s = lax.axis_index("s")
    wid = c * NS + s
    ebase = wid * EPW
    pltpu.sync_copy(ei_hbm.at[0, pl.ds(ebase, EPW)], si_all)
    pltpu.sync_copy(zeros_hbm, acc_sh.at[pl.ds(s * STRIPE, STRIPE)])

    def dbl(k, carry):
        v = si_all[pl.ds(k * 16, 16)]
        si_all[pl.ds(k * 16, 16)] = v + v
        return carry

    lax.fori_loop(0, EPW // 16, dbl, 0)
    plsc.subcore_barrier()

    def body(m, carry):
        gds, dds, sds = [], [], []
        for b in range(NBUF):
            j = m * NBUF + b
            dds.append(pltpu.async_copy(
                ei_hbm.at[1, pl.ds(ebase + j * CH, CH)], dibs[b], dsems[b]))
            gds.append(pltpu.async_copy(
                y_hbm.at[si_all.at[pl.ds(j * CH, CH)]], rows_bufs[b],
                gsems[b]))
        for b in range(NBUF):
            gds[b].wait()
            dds[b].wait()
            sds.append(pltpu.async_copy(
                rows_bufs[b], acc_sh.at[dibs[b]], ssem, add=True))
        for b in range(NBUF):
            sds[b].wait()
        return carry

    lax.fori_loop(0, NFULL // NBUF, body, 0)

    @pl.when(wid < NEXTRA)
    def _():
        xoff = (NW * NFULL + wid) * CH
        pltpu.sync_copy(ei_hbm.at[0, pl.ds(xoff, CH)], si_x)

        def dblx(k, carry):
            v = si_x[pl.ds(k * 16, 16)]
            si_x[pl.ds(k * 16, 16)] = v + v
            return carry

        lax.fori_loop(0, CH // 16, dblx, 0)
        pltpu.sync_copy(ei_hbm.at[1, pl.ds(xoff, CH)], dibs[0])
        pltpu.async_copy(y_hbm.at[si_x], rows_bufs[0], gsems[0]).wait()
        pltpu.sync_copy(rows_bufs[0], acc_sh.at[dibs[0]], add=True)

    plsc.subcore_barrier()
    pltpu.sync_copy(acc_sh.at[pl.ds(s * STRIPE, STRIPE)],
                    out_hbm.at[c, pl.ds(s * STRIPE, STRIPE), pl.ds(0, D_H)])



_R = 2000


def _tc_lin1_body(x_ref, w_ref, d0_ref, d1_ref, y_ref, dinv_ref):
    deg = d0_ref[...] + d1_ref[...] + 1.0
    dinv = lax.rsqrt(deg)
    xl = jnp.dot(x_ref[...], w_ref[...], preferred_element_type=jnp.float32)
    y_ref[...] = jnp.concatenate(
        [dinv * xl, jnp.zeros((_R, D_H), jnp.float32)], axis=1)
    dinv_ref[...] = dinv


def _tc_lin1(x, W1, d0, d1):
    grid = (N // _R,)
    return pl.pallas_call(
        _tc_lin1_body,
        grid=grid,
        in_specs=[
            pl.BlockSpec((_R, D_IN), lambda i: (i, 0)),
            pl.BlockSpec((D_IN, D_H), lambda i: (0, 0)),
            pl.BlockSpec((_R, 1), lambda i: (i, 0)),
            pl.BlockSpec((_R, 1), lambda i: (i, 0)),
        ],
        out_specs=[
            pl.BlockSpec((_R, 2 * D_H), lambda i: (i, 0)),
            pl.BlockSpec((_R, 1), lambda i: (i, 0)),
        ],
        out_shape=[
            jax.ShapeDtypeStruct((N, 2 * D_H), jnp.float32),
            jax.ShapeDtypeStruct((N, 1), jnp.float32),
        ],
    )(x, W1, d0, d1)


def _tc_mid_body(q0_ref, q1_ref, y_ref, dinv_ref, b_ref, w_ref, y2_ref):
    dinv = dinv_ref[...]
    msg = (q0_ref[0] + q1_ref[0])[:, :D_H] + y_ref[:, :D_H]
    h = dinv * msg + b_ref[...]
    h = jnp.maximum(h, 0.0)
    y2 = dinv * jnp.dot(h, w_ref[...], preferred_element_type=jnp.float32)
    y2_ref[...] = jnp.concatenate(
        [y2, jnp.zeros((_R, D_H), jnp.float32)], axis=1)


def _tc_mid(q, y1, dinv, b1, W2):
    grid = (N // _R,)
    return pl.pallas_call(
        _tc_mid_body,
        grid=grid,
        in_specs=[
            pl.BlockSpec((1, _R, 2 * D_H), lambda i: (0, i, 0)),
            pl.BlockSpec((1, _R, 2 * D_H), lambda i: (1, i, 0)),
            pl.BlockSpec((_R, 2 * D_H), lambda i: (i, 0)),
            pl.BlockSpec((_R, 1), lambda i: (i, 0)),
            pl.BlockSpec((1, D_H), lambda i: (0, 0)),
            pl.BlockSpec((D_H, D_H), lambda i: (0, 0)),
        ],
        out_specs=pl.BlockSpec((_R, 2 * D_H), lambda i: (i, 0)),
        out_shape=jax.ShapeDtypeStruct((N, 2 * D_H), jnp.float32),
    )(q, q, y1, dinv, b1, W2)


def _tc_fin_body(r0_ref, r1_ref, y_ref, dinv_ref, b_ref, o_ref):
    msg = (r0_ref[0] + r1_ref[0])[:, :D_H] + y_ref[:, :D_H]
    h = dinv_ref[...] * msg + b_ref[...]
    o_ref[...] = jnp.maximum(h, 0.0)


def _tc_fin(r, y2, dinv, b2):
    grid = (N // _R,)
    return pl.pallas_call(
        _tc_fin_body,
        grid=grid,
        in_specs=[
            pl.BlockSpec((1, _R, 2 * D_H), lambda i: (0, i, 0)),
            pl.BlockSpec((1, _R, 2 * D_H), lambda i: (1, i, 0)),
            pl.BlockSpec((_R, 2 * D_H), lambda i: (i, 0)),
            pl.BlockSpec((_R, 1), lambda i: (i, 0)),
            pl.BlockSpec((1, D_H), lambda i: (0, 0)),
        ],
        out_specs=pl.BlockSpec((_R, D_H), lambda i: (i, 0)),
        out_shape=jax.ShapeDtypeStruct((N, D_H), jnp.float32),
    )(r, r, y2, dinv, b2)



def kernel(x, edge_index, W1, b1, W2, b2):
    zeros_r = jnp.zeros((STRIPE, D_H), jnp.float32)
    zeros_a = jnp.zeros((A,), jnp.float32)

    degp = _sc_degree(edge_index, zeros_a)
    d0 = jnp.reshape(degp[0, :N], (N, 1))
    d1 = jnp.reshape(degp[1, :N], (N, 1))
    y1, dinv = _tc_lin1(x, W1, d0, d1)

    q = _sc_edge_pass(jnp.reshape(y1, (2 * N, D_H)), edge_index, zeros_r)
    y2 = _tc_mid(q, y1, dinv, jnp.reshape(b1, (1, D_H)), W2)

    r = _sc_edge_pass(jnp.reshape(y2, (2 * N, D_H)), edge_index, zeros_r)
    out = _tc_fin(r, y2, dinv, jnp.reshape(b2, (1, D_H)))
    return out

# --- scband reference (transcript-rebuilt; emitter-appended) ---
"""Pipeline reference for scband-link-predictor-model-7834020348027 (READ-ONLY COPY).

The authoritative reference and input builder live on the scoring server;
editing this copy changes nothing except your own understanding.
"""

import jax, jax.numpy as jnp
import numpy as np

N = 10000
E = 320000
D_IN = 128
D_H = 64


def setup_inputs(seed: int = 0) -> dict:
    key = jax.random.key(seed)
    k1, k2, k3, k4 = jax.random.split(key, 4)
    x = jax.random.normal(k1, (N, D_IN), dtype=jnp.float32)
    edge_index = jax.random.randint(k2, (2, E), 0, N, dtype=jnp.int32)
    # GCNConv layer params (glorot-ish init)
    W1 = jax.random.normal(k3, (D_IN, D_H), dtype=jnp.float32) * (1.0 / np.sqrt(D_IN))
    b1 = jnp.zeros((D_H,), dtype=jnp.float32)
    W2 = jax.random.normal(k4, (D_H, D_H), dtype=jnp.float32) * (1.0 / np.sqrt(D_H))
    b2 = jnp.zeros((D_H,), dtype=jnp.float32)
    return {"x": x, "edge_index": edge_index, "W1": W1, "b1": b1, "W2": W2, "b2": b2}


def _gcn_layer(x, W, b, src, dst, num_nodes):
    # linear transform
    x_lin = x @ W
    # add self-loops
    loop = jnp.arange(num_nodes, dtype=src.dtype)
    src_f = jnp.concatenate([src, loop])
    dst_f = jnp.concatenate([dst, loop])
    # symmetric normalization: deg^{-1/2}[src] * deg^{-1/2}[dst]
    deg = jnp.zeros((num_nodes,), dtype=x_lin.dtype).at[dst_f].add(1.0)
    dinv = jax.lax.rsqrt(jnp.maximum(deg, 1e-12))
    norm = dinv[src_f] * dinv[dst_f]
    # gather messages, scale, scatter-add to destination nodes
    msgs = x_lin[src_f] * norm[:, None]
    out = jnp.zeros((num_nodes, x_lin.shape[1]), dtype=x_lin.dtype).at[dst_f].add(msgs)
    return out + b


def reference(x, edge_index, W1, b1, W2, b2):
    src = edge_index[0]
    dst = edge_index[1]
    h = _gcn_layer(x, W1, b1, src, dst, N)
    h = jax.nn.relu(h)
    # dropout p=0.0 (identity)
    h = _gcn_layer(h, W2, b2, src, dst, N)
    h = jax.nn.relu(h)
    return h

if __name__ == "__main__":
    import jax
    _d = setup_inputs()
    print(jax.jit(kernel)(*tuple(_d.values())))

</pallas_src>

<mosaic_0001>
#map = affine_map<(d0, d1) -> (0, 0)>
#map1 = affine_map<(d0, d1) -> (0, 0, 0)>
module attributes {stable_mosaic.version = 14 : i64} {
  func.func @_sc_edge_pass(%arg0: i32, %arg1: i32, %arg2: memref<20000x64xf32, #tpu.memory_space<hbm>>, %arg3: memref<2x320000xi32, #tpu.memory_space<hbm>>, %arg4: memref<640x64xf32, #tpu.memory_space<hbm>>, %arg5: memref<2x10240x128xf32, #tpu.memory_space<hbm>>, %arg6: memref<9984xi32, #tpu.memory_space<vmem>>, %arg7: memref<128xi32, #tpu.memory_space<vmem>>, %arg8: memref<128xi32, #tpu.memory_space<vmem>>, %arg9: memref<128xi32, #tpu.memory_space<vmem>>, %arg10: memref<128xi32, #tpu.memory_space<vmem>>, %arg11: memref<128xi32, #tpu.memory_space<vmem>>, %arg12: memref<128xi32, #tpu.memory_space<vmem>>, %arg13: memref<128xi32, #tpu.memory_space<vmem>>, %arg14: memref<128x64xf32, #tpu.memory_space<vmem>>, %arg15: memref<128x64xf32, #tpu.memory_space<vmem>>, %arg16: memref<128x64xf32, #tpu.memory_space<vmem>>, %arg17: memref<128x64xf32, #tpu.memory_space<vmem>>, %arg18: memref<128x64xf32, #tpu.memory_space<vmem>>, %arg19: memref<128x64xf32, #tpu.memory_space<vmem>>, %arg20: memref<10240x64xf32, #tpu.memory_space<vmem_shared>>, %arg21: memref<!tpu.dma_semaphore, #tpu.memory_space<semaphore_mem>>, %arg22: memref<!tpu.dma_semaphore, #tpu.memory_space<semaphore_mem>>, %arg23: memref<!tpu.dma_semaphore, #tpu.memory_space<semaphore_mem>>, %arg24: memref<!tpu.dma_semaphore, #tpu.memory_space<semaphore_mem>>, %arg25: memref<!tpu.dma_semaphore, #tpu.memory_space<semaphore_mem>>, %arg26: memref<!tpu.dma_semaphore, #tpu.memory_space<semaphore_mem>>, %arg27: memref<!tpu.dma_semaphore, #tpu.memory_space<semaphore_mem>>, %arg28: memref<!tpu.dma_semaphore, #tpu.memory_space<semaphore_mem>>, %arg29: memref<!tpu.dma_semaphore, #tpu.memory_space<semaphore_mem>>, %arg30: memref<!tpu.dma_semaphore, #tpu.memory_space<semaphore_mem>>, %arg31: memref<!tpu.dma_semaphore, #tpu.memory_space<semaphore_mem>>, %arg32: memref<!tpu.dma_semaphore, #tpu.memory_space<semaphore_mem>>, %arg33: memref<!tpu.dma_semaphore, #tpu.memory_space<semaphore_mem>>) attributes {dimension_semantics = [#tpu.dimension_semantics<core_parallel>, #tpu.dimension_semantics<subcore_parallel>], iteration_bounds = array<i64: 2, 16>, scalar_prefetch = 0 : i64, scratch_operands = 28 : i64, tpu.core_type = #tpu.core_type<sc_vector_subcore>, window_params = [{transform_indices = #map}, {transform_indices = #map}, {transform_indices = #map}, {transform_indices = #map1}]} {
    %mul3A = arith.constant 16 : i32
    %mul3A_0 = arith.muli %arg0, %mul3A : i32
    %add3A = arith.addi %mul3A_0, %arg1 : i32
    %mul3A_1 = arith.constant 9984 : i32
    %mul3A_2 = arith.muli %add3A, %mul3A_1 : i32
    %run_scoped3A = arith.constant 0 : i32
    "tpu.region"() ({
      %run_scoped3A_23 = tpu.sem_alloc : memref<!tpu.dma_semaphore, #tpu.memory_space<semaphore_mem>>
      %dma_start3A = tpu.memref_slice %arg3[%run_scoped3A, %mul3A_2] : memref<2x320000xi32, #tpu.memory_space<hbm>> -> memref<1x9984xi32, #tpu.memory_space<hbm>>
      %dma_start3A_24 = tpu.memref_squeeze %dma_start3A : memref<1x9984xi32, #tpu.memory_space<hbm>> -> memref<9984xi32, #tpu.memory_space<hbm>>
      %dma_start3A_25 = tpu.memref_slice %arg3[%run_scoped3A, %mul3A_2] : memref<2x320000xi32, #tpu.memory_space<hbm>> -> memref<1x9984xi32, #tpu.memory_space<hbm>>
      %dma_start3A_26 = tpu.memref_squeeze %dma_start3A_25 : memref<1x9984xi32, #tpu.memory_space<hbm>> -> memref<9984xi32, #tpu.memory_space<hbm>>
      tpu.enqueue_dma source(%dma_start3A_26 : memref<9984xi32, #tpu.memory_space<hbm>>) target(%arg6 : memref<9984xi32, #tpu.memory_space<vmem>>) target_semaphore(%run_scoped3A_23 : memref<!tpu.dma_semaphore, #tpu.memory_space<semaphore_mem>>)
      %dma_wait3A = tpu.memref_slice %arg3[%run_scoped3A, %mul3A_2] : memref<2x320000xi32, #tpu.memory_space<hbm>> -> memref<1x9984xi32, #tpu.memory_space<hbm>>
      %dma_wait3A_27 = tpu.memref_squeeze %dma_wait3A : memref<1x9984xi32, #tpu.memory_space<hbm>> -> memref<9984xi32, #tpu.memory_space<hbm>>
      %dma_wait3A_28 = tpu.memref_slice %arg3[%run_scoped3A, %mul3A_2] : memref<2x320000xi32, #tpu.memory_space<hbm>> -> memref<1x9984xi32, #tpu.memory_space<hbm>>
      %dma_wait3A_29 = tpu.memref_squeeze %dma_wait3A_28 : memref<1x9984xi32, #tpu.memory_space<hbm>> -> memref<9984xi32, #tpu.memory_space<hbm>>
      tpu.wait_dma2 semaphore(%run_scoped3A_23 : memref<!tpu.dma_semaphore, #tpu.memory_space<semaphore_mem>>) src(%dma_wait3A_29 : memref<9984xi32, #tpu.memory_space<hbm>>) dst(%arg6 : memref<9984xi32, #tpu.memory_space<vmem>>)
      tpu.yield
    }) : () -> ()
    %mul3A_3 = arith.constant 640 : i32
    %mul3A_4 = arith.muli %arg1, %mul3A_3 : i32
    "tpu.region"() ({
      %run_scoped3A_23 = tpu.sem_alloc : memref<!tpu.dma_semaphore, #tpu.memory_space<semaphore_mem>>
      %dma_start3A = arith.constant 0 : i32
      %dma_start3A_24 = tpu.memref_slice %arg20[%mul3A_4, %dma_start3A] : memref<10240x64xf32, #tpu.memory_space<vmem_shared>> -> memref<640x64xf32, #tpu.memory_space<vmem_shared>>
      tpu.enqueue_dma source(%arg4 : memref<640x64xf32, #tpu.memory_space<hbm>>) target(%dma_start3A_24 : memref<640x64xf32, #tpu.memory_space<vmem_shared>>) target_semaphore(%run_scoped3A_23 : memref<!tpu.dma_semaphore, #tpu.memory_space<semaphore_mem>>)
      %dma_wait3A = arith.constant 0 : i32
      %dma_wait3A_25 = tpu.memref_slice %arg20[%mul3A_4, %dma_wait3A] : memref<10240x64xf32, #tpu.memory_space<vmem_shared>> -> memref<640x64xf32, #tpu.memory_space<vmem_shared>>
      tpu.wait_dma2 semaphore(%run_scoped3A_23 : memref<!tpu.dma_semaphore, #tpu.memory_space<semaphore_mem>>) src(%arg4 : memref<640x64xf32, #tpu.memory_space<hbm>>) dst(%dma_wait3A_25 : memref<640x64xf32, #tpu.memory_space<vmem_shared>>)
      tpu.yield
    }) : () -> ()
    %scan3A = arith.constant 0 : i32
    %scan3A_5 = arith.constant 0 : i32
    %scan3A_6 = arith.constant 624 : i32
    %scan3A_7 = arith.addi %scan3A_5, %scan3A_6 : i32
    %scan3A_8 = arith.constant 1 : i32
    scf.for %scan3A_23 = %scan3A_5 to %scan3A_7 step %scan3A_8  : i32 {
      %mul3A_24 = arith.constant 16 : i32
      %mul3A_25 = arith.muli %scan3A_23, %mul3A_24 : i32
      %get3A = arith.index_cast %mul3A_25 : i32 to index
      %get3A_26 = tpu.vector_load %arg6[%get3A] {strides = array<i32>} : memref<9984xi32, #tpu.memory_space<vmem>>, vector<16xi32>,
      %add3A_27 = arith.addi %get3A_26, %get3A_26 : vector<16xi32>
      %mul3A_28 = arith.constant 16 : i32
      %mul3A_29 = arith.muli %scan3A_23, %mul3A_28 : i32
      %swap3A = arith.index_cast %mul3A_29 : i32 to index
      %swap3A_30 = tpu.vector_load %arg6[%swap3A] {strides = array<i32>} : memref<9984xi32, #tpu.memory_space<vmem>>, vector<16xi32>,
      %swap3A_31 = vector.shape_cast %swap3A_30 : vector<16xi32> to vector<16xi32>
      %swap3A_32 = vector.shape_cast %add3A_27 : vector<16xi32> to vector<16xi32>
      tpu.vector_store %arg6[%swap3A], %swap3A_32 {strides = array<i32>} : memref<9984xi32, #tpu.memory_space<vmem>>, vector<16xi32>,
    }
    %scan3A_9 = arith.constant 624 : i32
    %barrier3A = arith.constant 0 : index
    tpu.barrier barrier_id(%barrier3A)
    %scan3A_10 = arith.constant 0 : i32
    %scan3A_11 = arith.constant 0 : i32
    %scan3A_12 = arith.constant 13 : i32
    %scan3A_13 = arith.addi %scan3A_11, %scan3A_12 : i32
    %scan3A_14 = arith.constant 1 : i32
    scf.for %scan3A_23 = %scan3A_11 to %scan3A_13 step %scan3A_14  : i32 {
      %mul3A_24 = arith.constant 6 : i32
      %mul3A_25 = arith.muli %scan3A_23, %mul3A_24 : i32
      %add3A_26 = arith.constant 0 : i32
      %add3A_27 = arith.addi %mul3A_25, %add3A_26 : i32
      %mul3A_28 = arith.constant 128 : i32
      %mul3A_29 = arith.muli %add3A_27, %mul3A_28 : i32
      %add3A_30 = arith.addi %mul3A_2, %mul3A_29 : i32
      %dma_start3A = arith.constant 1 : i32
      %dma_start3A_31 = tpu.memref_slice %arg3[%dma_start3A, %add3A_30] : memref<2x320000xi32, #tpu.memory_space<hbm>> -> memref<1x128xi32, #tpu.memory_space<hbm>>
      %dma_start3A_32 = tpu.memref_squeeze %dma_start3A_31 : memref<1x128xi32, #tpu.memory_space<hbm>> -> memref<128xi32, #tpu.memory_space<hbm>>
      %dma_start3A_33 = tpu.memref_slice %arg3[%dma_start3A, %add3A_30] : memref<2x320000xi32, #tpu.memory_space<hbm>> -> memref<1x128xi32, #tpu.memory_space<hbm>>
      %dma_start3A_34 = tpu.memref_squeeze %dma_start3A_33 : memref<1x128xi32, #tpu.memory_space<hbm>> -> memref<128xi32, #tpu.memory_space<hbm>>
      tpu.enqueue_dma source(%dma_start3A_34 : memref<128xi32, #tpu.memory_space<hbm>>) target(%arg7 : memref<128xi32, #tpu.memory_space<vmem>>) target_semaphore(%arg27 : memref<!tpu.dma_semaphore, #tpu.memory_space<semaphore_mem>>)
      %mul3A_35 = arith.constant 128 : i32
      %mul3A_36 = arith.muli %add3A_27, %mul3A_35 : i32
      %dma_start3A_37 = tpu.memref_slice %arg6[%mul3A_36] : memref<9984xi32, #tpu.memory_space<vmem>> -> memref<128xi32, #tpu.memory_space<vmem>>
      %dma_start3A_38 = arith.constant 0 : i32
      %dma_start3A_39 = arith.constant 0 : i32
      %dma_start3A_40 = tpu.memref_slice %arg2[%dma_start3A_38, %dma_start3A_39] : memref<20000x64xf32, #tpu.memory_space<hbm>> -> memref<20000x64xf32, #tpu.memory_space<hbm>>
      tpu.enqueue_indirect_dma source(%dma_start3A_40 : memref<20000x64xf32, #tpu.memory_space<hbm>>) target(%arg14 : memref<128x64xf32, #tpu.memory_space<vmem>>) offsets(%dma_start3A_37 : memref<128xi32, #tpu.memory_space<vmem>>) semaphore(%arg21 : memref<!tpu.dma_semaphore, #tpu.memory_space<semaphore_mem>>)
      %mul3A_41 = arith.constant 6 : i32
      %mul3A_42 = arith.muli %scan3A_23, %mul3A_41 : i32
      %add3A_43 = arith.constant 1 : i32
      %add3A_44 = arith.addi %mul3A_42, %add3A_43 : i32
      %mul3A_45 = arith.constant 128 : i32
      %mul3A_46 = arith.muli %add3A_44, %mul3A_45 : i32
      %add3A_47 = arith.addi %mul3A_2, %mul3A_46 : i32
      %dma_start3A_48 = arith.constant 1 : i32
      %dma_start3A_49 = tpu.memref_slice %arg3[%dma_start3A_48, %add3A_47] : memref<2x320000xi32, #tpu.memory_space<hbm>> -> memref<1x128xi32, #tpu.memory_space<hbm>>
      %dma_start3A_50 = tpu.memref_squeeze %dma_start3A_49 : memref<1x128xi32, #tpu.memory_space<hbm>> -> memref<128xi32, #tpu.memory_space<hbm>>
      %dma_start3A_51 = tpu.memref_slice %arg3[%dma_start3A_48, %add3A_47] : memref<2x320000xi32, #tpu.memory_space<hbm>> -> memref<1x128xi32, #tpu.memory_space<hbm>>
      %dma_start3A_52 = tpu.memref_squeeze %dma_start3A_51 : memref<1x128xi32, #tpu.memory_space<hbm>> -> memref<128xi32, #tpu.memory_space<hbm>>
      tpu.enqueue_dma source(%dma_start3A_52 : memref<128xi32, #tpu.memory_space<hbm>>) target(%arg8 : memref<128xi32, #tpu.memory_space<vmem>>) target_semaphore(%arg28 : memref<!tpu.dma_semaphore, #tpu.memory_space<semaphore_mem>>)
      %mul3A_53 = arith.constant 128 : i32
      %mul3A_54 = arith.muli %add3A_44, %mul3A_53 : i32
      %dma_start3A_55 = tpu.memref_slice %arg6[%mul3A_54] : memref<9984xi32, #tpu.memory_space<vmem>> -> memref<128xi32, #tpu.memory_space<vmem>>
      %dma_start3A_56 = arith.constant 0 : i32
      %dma_start3A_57 = arith.constant 0 : i32
      %dma_start3A_58 = tpu.memref_slice %arg2[%dma_start3A_56, %dma_start3A_57] : memref<20000x64xf32, #tpu.memory_space<hbm>> -> memref<20000x64xf32, #tpu.memory_space<hbm>>
      tpu.enqueue_indirect_dma source(%dma_start3A_58 : memref<20000x64xf32, #tpu.memory_space<hbm>>) target(%arg15 : memref<128x64xf32, #tpu.memory_space<vmem>>) offsets(%dma_start3A_55 : memref<128xi32, #tpu.memory_space<vmem>>) semaphore(%arg22 : memref<!tpu.dma_semaphore, #tpu.memory_space<semaphore_mem>>)
      %mul3A_59 = arith.constant 6 : i32
      %mul3A_60 = arith.muli %scan3A_23, %mul3A_59 : i32
      %add3A_61 = arith.constant 2 : i32
      %add3A_62 = arith.addi %mul3A_60, %add3A_61 : i32
      %mul3A_63 = arith.constant 128 : i32
      %mul3A_64 = arith.muli %add3A_62, %mul3A_63 : i32
      %add3A_65 = arith.addi %mul3A_2, %mul3A_64 : i32
      %dma_start3A_66 = arith.constant 1 : i32
      %dma_start3A_67 = tpu.memref_slice %arg3[%dma_start3A_66, %add3A_65] : memref<2x320000xi32, #tpu.memory_space<hbm>> -> memref<1x128xi32, #tpu.memory_space<hbm>>
      %dma_start3A_68 = tpu.memref_squeeze %dma_start3A_67 : memref<1x128xi32, #tpu.memory_space<hbm>> -> memref<128xi32, #tpu.memory_space<hbm>>
      %dma_start3A_69 = tpu.memref_slice %arg3[%dma_start3A_66, %add3A_65] : memref<2x320000xi32, #tpu.memory_space<hbm>> -> memref<1x128xi32, #tpu.memory_space<hbm>>
      %dma_start3A_70 = tpu.memref_squeeze %dma_start3A_69 : memref<1x128xi32, #tpu.memory_space<hbm>> -> memref<128xi32, #tpu.memory_space<hbm>>
      tpu.enqueue_dma source(%dma_start3A_70 : memref<128xi32, #tpu.memory_space<hbm>>) target(%arg9 : memref<128xi32, #tpu.memory_space<vmem>>) target_semaphore(%arg29 : memref<!tpu.dma_semaphore, #tpu.memory_space<semaphore_mem>>)
      %mul3A_71 = arith.constant 128 : i32
      %mul3A_72 = arith.muli %add3A_62, %mul3A_71 : i32
      %dma_start3A_73 = tpu.memref_slice %arg6[%mul3A_72] : memref<9984xi32, #tpu.memory_space<vmem>> -> memref<128xi32, #tpu.memory_space<vmem>>
      %dma_start3A_74 = arith.constant 0 : i32
      %dma_start3A_75 = arith.constant 0 : i32
      %dma_start3A_76 = tpu.memref_slice %arg2[%dma_start3A_74, %dma_start3A_75] : memref<20000x64xf32, #tpu.memory_space<hbm>> -> memref<20000x64xf32, #tpu.memory_space<hbm>>
      tpu.enqueue_indirect_dma source(%dma_start3A_76 : memref<20000x64xf32, #tpu.memory_space<hbm>>) target(%arg16 : memref<128x64xf32, #tpu.memory_space<vmem>>) offsets(%dma_start3A_73 : memref<128xi32, #tpu.memory_space<vmem>>) semaphore(%arg23 : memref<!tpu.dma_semaphore, #tpu.memory_space<semaphore_mem>>)
      %mul3A_77 = arith.constant 6 : i32
      %mul3A_78 = arith.muli %scan3A_23, %mul3A_77 : i32
      %add3A_79 = arith.constant 3 : i32
      %add3A_80 = arith.addi %mul3A_78, %add3A_79 : i32
      %mul3A_81 = arith.constant 128 : i32
      %mul3A_82 = arith.muli %add3A_80, %mul3A_81 : i32
      %add3A_83 = arith.addi %mul3A_2, %mul3A_82 : i32
      %dma_start3A_84 = arith.constant 1 : i32
      %dma_start3A_85 = tpu.memref_slice %arg3[%dma_start3A_84, %add3A_83] : memref<2x320000xi32, #tpu.memory_space<hbm>> -> memref<1x128xi32, #tpu.memory_space<hbm>>
      %dma_start3A_86 = tpu.memref_squeeze %dma_start3A_85 : memref<1x128xi32, #tpu.memory_space<hbm>> -> memref<128xi32, #tpu.memory_space<hbm>>
      %dma_start3A_87 = tpu.memref_slice %arg3[%dma_start3A_84, %add3A_83] : memref<2x320000xi32, #tpu.memory_space<hbm>> -> memref<1x128xi32, #tpu.memory_space<hbm>>
      %dma_start3A_88 = tpu.memref_squeeze %dma_start3A_87 : memref<1x128xi32, #tpu.memory_space<hbm>> -> memref<128xi32, #tpu.memory_space<hbm>>
      tpu.enqueue_dma source(%dma_start3A_88 : memref<128xi32, #tpu.memory_space<hbm>>) target(%arg10 : memref<128xi32, #tpu.memory_space<vmem>>) target_semaphore(%arg30 : memref<!tpu.dma_semaphore, #tpu.memory_space<semaphore_mem>>)
      %mul3A_89 = arith.constant 128 : i32
      %mul3A_90 = arith.muli %add3A_80, %mul3A_89 : i32
      %dma_start3A_91 = tpu.memref_slice %arg6[%mul3A_90] : memref<9984xi32, #tpu.memory_space<vmem>> -> memref<128xi32, #tpu.memory_space<vmem>>
      %dma_start3A_92 = arith.constant 0 : i32
      %dma_start3A_93 = arith.constant 0 : i32
      %dma_start3A_94 = tpu.memref_slice %arg2[%dma_start3A_92, %dma_start3A_93] : memref<20000x64xf32, #tpu.memory_space<hbm>> -> memref<20000x64xf32, #tpu.memory_space<hbm>>
      tpu.enqueue_indirect_dma source(%dma_start3A_94 : memref<20000x64xf32, #tpu.memory_space<hbm>>) target(%arg17 : memref<128x64xf32, #tpu.memory_space<vmem>>) offsets(%dma_start3A_91 : memref<128xi32, #tpu.memory_space<vmem>>) semaphore(%arg24 : memref<!tpu.dma_semaphore, #tpu.memory_space<semaphore_mem>>)
      %mul3A_95 = arith.constant 6 : i32
      %mul3A_96 = arith.muli %scan3A_23, %mul3A_95 : i32
      %add3A_97 = arith.constant 4 : i32
      %add3A_98 = arith.addi %mul3A_96, %add3A_97 : i32
      %mul3A_99 = arith.constant 128 : i32
      %mul3A_100 = arith.muli %add3A_98, %mul3A_99 : i32
      %add3A_101 = arith.addi %mul3A_2, %mul3A_100 : i32
      %dma_start3A_102 = arith.constant 1 : i32
      %dma_start3A_103 = tpu.memref_slice %arg3[%dma_start3A_102, %add3A_101] : memref<2x320000xi32, #tpu.memory_space<hbm>> -> memref<1x128xi32, #tpu.memory_space<hbm>>
      %dma_start3A_104 = tpu.memref_squeeze %dma_start3A_103 : memref<1x128xi32, #tpu.memory_space<hbm>> -> memref<128xi32, #tpu.memory_space<hbm>>
      %dma_start3A_105 = tpu.memref_slice %arg3[%dma_start3A_102, %add3A_101] : memref<2x320000xi32, #tpu.memory_space<hbm>> -> memref<1x128xi32, #tpu.memory_space<hbm>>
      %dma_start3A_106 = tpu.memref_squeeze %dma_start3A_105 : memref<1x128xi32, #tpu.memory_space<hbm>> -> memref<128xi32, #tpu.memory_space<hbm>>
      tpu.enqueue_dma source(%dma_start3A_106 : memref<128xi32, #tpu.memory_space<hbm>>) target(%arg11 : memref<128xi32, #tpu.memory_space<vmem>>) target_semaphore(%arg31 : memref<!tpu.dma_semaphore, #tpu.memory_space<semaphore_mem>>)
      %mul3A_107 = arith.constant 128 : i32
      %mul3A_108 = arith.muli %add3A_98, %mul3A_107 : i32
      %dma_start3A_109 = tpu.memref_slice %arg6[%mul3A_108] : memref<9984xi32, #tpu.memory_space<vmem>> -> memref<128xi32, #tpu.memory_space<vmem>>
      %dma_start3A_110 = arith.constant 0 : i32
      %dma_start3A_111 = arith.constant 0 : i32
      %dma_start3A_112 = tpu.memref_slice %arg2[%dma_start3A_110, %dma_start3A_111] : memref<20000x64xf32, #tpu.memory_space<hbm>> -> memref<20000x64xf32, #tpu.memory_space<hbm>>
      tpu.enqueue_indirect_dma source(%dma_start3A_112 : memref<20000x64xf32, #tpu.memory_space<hbm>>) target(%arg18 : memref<128x64xf32, #tpu.memory_space<vmem>>) offsets(%dma_start3A_109 : memref<128xi32, #tpu.memory_space<vmem>>) semaphore(%arg25 : memref<!tpu.dma_semaphore, #tpu.memory_space<semaphore_mem>>)
      %mul3A_113 = arith.constant 6 : i32
      %mul3A_114 = arith.muli %scan3A_23, %mul3A_113 : i32
      %add3A_115 = arith.constant 5 : i32
      %add3A_116 = arith.addi %mul3A_114, %add3A_115 : i32
      %mul3A_117 = arith.constant 128 : i32
      %mul3A_118 = arith.muli %add3A_116, %mul3A_117 : i32
      %add3A_119 = arith.addi %mul3A_2, %mul3A_118 : i32
      %dma_start3A_120 = arith.constant 1 : i32
      %dma_start3A_121 = tpu.memref_slice %arg3[%dma_start3A_120, %add3A_119] : memref<2x320000xi32, #tpu.memory_space<hbm>> -> memref<1x128xi32, #tpu.memory_space<hbm>>
      %dma_start3A_122 = tpu.memref_squeeze %dma_start3A_121 : memref<1x128xi32, #tpu.memory_space<hbm>> -> memref<128xi32, #tpu.memory_space<hbm>>
      %dma_start3A_123 = tpu.memref_slice %arg3[%dma_start3A_120, %add3A_119] : memref<2x320000xi32, #tpu.memory_space<hbm>> -> memref<1x128xi32, #tpu.memory_space<hbm>>
      %dma_start3A_124 = tpu.memref_squeeze %dma_start3A_123 : memref<1x128xi32, #tpu.memory_space<hbm>> -> memref<128xi32, #tpu.memory_space<hbm>>
      tpu.enqueue_dma source(%dma_start3A_124 : memref<128xi32, #tpu.memory_space<hbm>>) target(%arg12 : memref<128xi32, #tpu.memory_space<vmem>>) target_semaphore(%arg32 : memref<!tpu.dma_semaphore, #tpu.memory_space<semaphore_mem>>)
      %mul3A_125 = arith.constant 128 : i32
      %mul3A_126 = arith.muli %add3A_116, %mul3A_125 : i32
      %dma_start3A_127 = tpu.memref_slice %arg6[%mul3A_126] : memref<9984xi32, #tpu.memory_space<vmem>> -> memref<128xi32, #tpu.memory_space<vmem>>
      %dma_start3A_128 = arith.constant 0 : i32
      %dma_start3A_129 = arith.constant 0 : i32
      %dma_start3A_130 = tpu.memref_slice %arg2[%dma_start3A_128, %dma_start3A_129] : memref<20000x64xf32, #tpu.memory_space<hbm>> -> memref<20000x64xf32, #tpu.memory_space<hbm>>
      tpu.enqueue_indirect_dma source(%dma_start3A_130 : memref<20000x64xf32, #tpu.memory_space<hbm>>) target(%arg19 : memref<128x64xf32, #tpu.memory_space<vmem>>) offsets(%dma_start3A_127 : memref<128xi32, #tpu.memory_space<vmem>>) semaphore(%arg26 : memref<!tpu.dma_semaphore, #tpu.memory_space<semaphore_mem>>)
      %dma_wait3A = tpu.memref_slice %arg6[%mul3A_36] : memref<9984xi32, #tpu.memory_space<vmem>> -> memref<128xi32, #tpu.memory_space<vmem>>
      %dma_wait3A_131 = arith.constant 0 : i32
      %dma_wait3A_132 = arith.constant 0 : i32
      %dma_wait3A_133 = tpu.memref_slice %arg2[%dma_wait3A_131, %dma_wait3A_132] : memref<20000x64xf32, #tpu.memory_space<hbm>> -> memref<20000x64xf32, #tpu.memory_space<hbm>>
      tpu.wait_indirect_dma semaphore(%arg21 : memref<!tpu.dma_semaphore, #tpu.memory_space<semaphore_mem>>) src(%dma_wait3A_133 : memref<20000x64xf32, #tpu.memory_space<hbm>>) dst(%arg14 : memref<128x64xf32, #tpu.memory_space<vmem>>)
      %dma_wait3A_134 = arith.constant 1 : i32
      %dma_wait3A_135 = tpu.memref_slice %arg3[%dma_wait3A_134, %add3A_30] : memref<2x320000xi32, #tpu.memory_space<hbm>> -> memref<1x128xi32, #tpu.memory_space<hbm>>
      %dma_wait3A_136 = tpu.memref_squeeze %dma_wait3A_135 : memref<1x128xi32, #tpu.memory_space<hbm>> -> memref<128xi32, #tpu.memory_space<hbm>>
      %dma_wait3A_137 = tpu.memref_slice %arg3[%dma_wait3A_134, %add3A_30] : memref<2x320000xi32, #tpu.memory_space<hbm>> -> memref<1x128xi32, #tpu.memory_space<hbm>>
      %dma_wait3A_138 = tpu.memref_squeeze %dma_wait3A_137 : memref<1x128xi32, #tpu.memory_space<hbm>> -> memref<128xi32, #tpu.memory_space<hbm>>
      tpu.wait_dma2 semaphore(%arg27 : memref<!tpu.dma_semaphore, #tpu.memory_space<semaphore_mem>>) src(%dma_wait3A_138 : memref<128xi32, #tpu.memory_space<hbm>>) dst(%arg7 : memref<128xi32, #tpu.memory_space<vmem>>)
      %dma_start3A_139 = arith.constant 0 : i32
      %dma_start3A_140 = arith.constant 0 : i32
      %dma_start3A_141 = tpu.memref_slice %arg20[%dma_start3A_139, %dma_start3A_140] : memref<10240x64xf32, #tpu.memory_space<vmem_shared>> -> memref<10240x64xf32, #tpu.memory_space<vmem_shared>>
      tpu.enqueue_indirect_dma source(%arg14 : memref<128x64xf32, #tpu.memory_space<vmem>>) target(%dma_start3A_141 : memref<10240x64xf32, #tpu.memory_space<vmem_shared>>) offsets(%arg7 : memref<128xi32, #tpu.memory_space<vmem>>) semaphore(%arg33 : memref<!tpu.dma_semaphore, #tpu.memory_space<semaphore_mem>>) {add = true}
      %dma_wait3A_142 = tpu.memref_slice %arg6[%mul3A_54] : memref<9984xi32, #tpu.memory_space<vmem>> -> memref<128xi32, #tpu.memory_space<vmem>>
      %dma_wait3A_143 = arith.constant 0 : i32
      %dma_wait3A_144 = arith.constant 0 : i32
      %dma_wait3A_145 = tpu.memref_slice %arg2[%dma_wait3A_143, %dma_wait3A_144] : memref<20000x64xf32, #tpu.memory_space<hbm>> -> memref<20000x64xf32, #tpu.memory_space<hbm>>
      tpu.wait_indirect_dma semaphore(%arg22 : memref<!tpu.dma_semaphore, #tpu.memory_space<semaphore_mem>>) src(%dma_wait3A_145 : memref<20000x64xf32, #tpu.memory_space<hbm>>) dst(%arg15 : memref<128x64xf32, #tpu.memory_space<vmem>>)
      %dma_wait3A_146 = arith.constant 1 : i32
      %dma_wait3A_147 = tpu.memref_slice %arg3[%dma_wait3A_146, %add3A_47] : memref<2x320000xi32, #tpu.memory_space<hbm>> -> memref<1x128xi32, #tpu.memory_space<hbm>>
      %dma_wait3A_148 = tpu.memref_squeeze %dma_wait3A_147 : memref<1x128xi32, #tpu.memory_space<hbm>> -> memref<128xi32, #tpu.memory_space<hbm>>
      %dma_wait3A_149 = tpu.memref_slice %arg3[%dma_wait3A_146, %add3A_47] : memref<2x320000xi32, #tpu.memory_space<hbm>> -> memref<1x128xi32, #tpu.memory_space<hbm>>
      %dma_wait3A_150 = tpu.memref_squeeze %dma_wait3A_149 : memref<1x128xi32, #tpu.memory_space<hbm>> -> memref<128xi32, #tpu.memory_space<hbm>>
      tpu.wait_dma2 semaphore(%arg28 : memref<!tpu.dma_semaphore, #tpu.memory_space<semaphore_mem>>) src(%dma_wait3A_150 : memref<128xi32, #tpu.memory_space<hbm>>) dst(%arg8 : memref<128xi32, #tpu.memory_space<vmem>>)
      %dma_start3A_151 = arith.constant 0 : i32
      %dma_start3A_152 = arith.constant 0 : i32
      %dma_start3A_153 = tpu.memref_slice %arg20[%dma_start3A_151, %dma_start3A_152] : memref<10240x64xf32, #tpu.memory_space<vmem_shared>> -> memref<10240x64xf32, #tpu.memory_space<vmem_shared>>
      tpu.enqueue_indirect_dma source(%arg15 : memref<128x64xf32, #tpu.memory_space<vmem>>) target(%dma_start3A_153 : memref<10240x64xf32, #tpu.memory_space<vmem_shared>>) offsets(%arg8 : memref<128xi32, #tpu.memory_space<vmem>>) semaphore(%arg33 : memref<!tpu.dma_semaphore, #tpu.memory_space<semaphore_mem>>) {add = true}
      %dma_wait3A_154 = tpu.memref_slice %arg6[%mul3A_72] : memref<9984xi32, #tpu.memory_space<vmem>> -> memref<128xi32, #tpu.memory_space<vmem>>
      %dma_wait3A_155 = arith.constant 0 : i32
      %dma_wait3A_156 = arith.constant 0 : i32
      %dma_wait3A_157 = tpu.memref_slice %arg2[%dma_wait3A_155, %dma_wait3A_156] : memref<20000x64xf32, #tpu.memory_space<hbm>> -> memref<20000x64xf32, #tpu.memory_space<hbm>>
      tpu.wait_indirect_dma semaphore(%arg23 : memref<!tpu.dma_semaphore, #tpu.memory_space<semaphore_mem>>) src(%dma_wait3A_157 : memref<20000x64xf32, #tpu.memory_space<hbm>>) dst(%arg16 : memref<128x64xf32, #tpu.memory_space<vmem>>)
      %dma_wait3A_158 = arith.constant 1 : i32
      %dma_wait3A_159 = tpu.memref_slice %arg3[%dma_wait3A_158, %add3A_65] : memref<2x320000xi32, #tpu.memory_space<hbm>> -> memref<1x128xi32, #tpu.memory_space<hbm>>
      %dma_wait3A_160 = tpu.memref_squeeze %dma_wait3A_159 : memref<1x128xi32, #tpu.memory_space<hbm>> -> memref<128xi32, #tpu.memory_space<hbm>>
      %dma_wait3A_161 = tpu.memref_slice %arg3[%dma_wait3A_158, %add3A_65] : memref<2x320000xi32, #tpu.memory_space<hbm>> -> memref<1x128xi32, #tpu.memory_space<hbm>>
      %dma_wait3A_162 = tpu.memref_squeeze %dma_wait3A_161 : memref<1x128xi32, #tpu.memory_space<hbm>> -> memref<128xi32, #tpu.memory_space<hbm>>
      tpu.wait_dma2 semaphore(%arg29 : memref<!tpu.dma_semaphore, #tpu.memory_space<semaphore_mem>>) src(%dma_wait3A_162 : memref<128xi32, #tpu.memory_space<hbm>>) dst(%arg9 : memref<128xi32, #tpu.memory_space<vmem>>)
      %dma_start3A_163 = arith.constant 0 : i32
      %dma_start3A_164 = arith.constant 0 : i32
      %dma_start3A_165 = tpu.memref_slice %arg20[%dma_start3A_163, %dma_start3A_164] : memref<10240x64xf32, #tpu.memory_space<vmem_shared>> -> memref<10240x64xf32, #tpu.memory_space<vmem_shared>>
      tpu.enqueue_indirect_dma source(%arg16 : memref<128x64xf32, #tpu.memory_space<vmem>>) target(%dma_start3A_165 : memref<10240x64xf32, #tpu.memory_space<vmem_shared>>) offsets(%arg9 : memref<128xi32, #tpu.memory_space<vmem>>) semaphore(%arg33 : memref<!tpu.dma_semaphore, #tpu.memory_space<semaphore_mem>>) {add = true}
      %dma_wait3A_166 = tpu.memref_slice %arg6[%mul3A_90] : memref<9984xi32, #tpu.memory_space<vmem>> -> memref<128xi32, #tpu.memory_space<vmem>>
      %dma_wait3A_167 = arith.constant 0 : i32
      %dma_wait3A_168 = arith.constant 0 : i32
      %dma_wait3A_169 = tpu.memref_slice %arg2[%dma_wait3A_167, %dma_wait3A_168] : memref<20000x64xf32, #tpu.memory_space<hbm>> -> memref<20000x64xf32, #tpu.memory_space<hbm>>
      tpu.wait_indirect_dma semaphore(%arg24 : memref<!tpu.dma_semaphore, #tpu.memory_space<semaphore_mem>>) src(%dma_wait3A_169 : memref<20000x64xf32, #tpu.memory_space<hbm>>) dst(%arg17 : memref<128x64xf32, #tpu.memory_space<vmem>>)
      %dma_wait3A_170 = arith.constant 1 : i32
      %dma_wait3A_171 = tpu.memref_slice %arg3[%dma_wait3A_170, %add3A_83] : memref<2x320000xi32, #tpu.memory_space<hbm>> -> memref<1x128xi32, #tpu.memory_space<hbm>>
      %dma_wait3A_172 = tpu.memref_squeeze %dma_wait3A_171 : memref<1x128xi32, #tpu.memory_space<hbm>> -> memref<128xi32, #tpu.memory_space<hbm>>
      %dma_wait3A_173 = tpu.memref_slice %arg3[%dma_wait3A_170, %add3A_83] : memref<2x320000xi32, #tpu.memory_space<hbm>> -> memref<1x128xi32, #tpu.memory_space<hbm>>
      %dma_wait3A_174 = tpu.memref_squeeze %dma_wait3A_173 : memref<1x128xi32, #tpu.memory_space<hbm>> -> memref<128xi32, #tpu.memory_space<hbm>>
      tpu.wait_dma2 semaphore(%arg30 : memref<!tpu.dma_semaphore, #tpu.memory_space<semaphore_mem>>) src(%dma_wait3A_174 : memref<128xi32, #tpu.memory_space<hbm>>) dst(%arg10 : memref<128xi32, #tpu.memory_space<vmem>>)
      %dma_start3A_175 = arith.constant 0 : i32
      %dma_start3A_176 = arith.constant 0 : i32
      %dma_start3A_177 = tpu.memref_slice %arg20[%dma_start3A_175, %dma_start3A_176] : memref<10240x64xf32, #tpu.memory_space<vmem_shared>> -> memref<10240x64xf32, #tpu.memory_space<vmem_shared>>
      tpu.enqueue_indirect_dma source(%arg17 : memref<128x64xf32, #tpu.memory_space<vmem>>) target(%dma_start3A_177 : memref<10240x64xf32, #tpu.memory_space<vmem_shared>>) offsets(%arg10 : memref<128xi32, #tpu.memory_space<vmem>>) semaphore(%arg33 : memref<!tpu.dma_semaphore, #tpu.memory_space<semaphore_mem>>) {add = true}
      %dma_wait3A_178 = tpu.memref_slice %arg6[%mul3A_108] : memref<9984xi32, #tpu.memory_space<vmem>> -> memref<128xi32, #tpu.memory_space<vmem>>
      %dma_wait3A_179 = arith.constant 0 : i32
      %dma_wait3A_180 = arith.constant 0 : i32
      %dma_wait3A_181 = tpu.memref_slice %arg2[%dma_wait3A_179, %dma_wait3A_180] : memref<20000x64xf32, #tpu.memory_space<hbm>> -> memref<20000x64xf32, #tpu.memory_space<hbm>>
      tpu.wait_indirect_dma semaphore(%arg25 : memref<!tpu.dma_semaphore, #tpu.memory_space<semaphore_mem>>) src(%dma_wait3A_181 : memref<20000x64xf32, #tpu.memory_space<hbm>>) dst(%arg18 : memref<128x64xf32, #tpu.memory_space<vmem>>)
      %dma_wait3A_182 = arith.constant 1 : i32
      %dma_wait3A_183 = tpu.memref_slice %arg3[%dma_wait3A_182, %add3A_101] : memref<2x320000xi32, #tpu.memory_space<hbm>> -> memref<1x128xi32, #tpu.memory_space<hbm>>
      %dma_wait3A_184 = tpu.memref_squeeze %dma_wait3A_183 : memref<1x128xi32, #tpu.memory_space<hbm>> -> memref<128xi32, #tpu.memory_space<hbm>>
      %dma_wait3A_185 = tpu.memref_slice %arg3[%dma_wait3A_182, %add3A_101] : memref<2x320000xi32, #tpu.memory_space<hbm>> -> memref<1x128xi32, #tpu.memory_space<hbm>>
      %dma_wait3A_186 = tpu.memref_squeeze %dma_wait3A_185 : memref<1x128xi32, #tpu.memory_space<hbm>> -> memref<128xi32, #tpu.memory_space<hbm>>
      tpu.wait_dma2 semaphore(%arg31 : memref<!tpu.dma_semaphore, #tpu.memory_space<semaphore_mem>>) src(%dma_wait3A_186 : memref<128xi32, #tpu.memory_space<hbm>>) dst(%arg11 : memref<128xi32, #tpu.memory_space<vmem>>)
      %dma_start3A_187 = arith.constant 0 : i32
      %dma_start3A_188 = arith.constant 0 : i32
      %dma_start3A_189 = tpu.memref_slice %arg20[%dma_start3A_187, %dma_start3A_188] : memref<10240x64xf32, #tpu.memory_space<vmem_shared>> -> memref<10240x64xf32, #tpu.memory_space<vmem_shared>>
      tpu.enqueue_indirect_dma source(%arg18 : memref<128x64xf32, #tpu.memory_space<vmem>>) target(%dma_start3A_189 : memref<10240x64xf32, #tpu.memory_space<vmem_shared>>) offsets(%arg11 : memref<128xi32, #tpu.memory_space<vmem>>) semaphore(%arg33 : memref<!tpu.dma_semaphore, #tpu.memory_space<semaphore_mem>>) {add = true}
      %dma_wait3A_190 = tpu.memref_slice %arg6[%mul3A_126] : memref<9984xi32, #tpu.memory_space<vmem>> -> memref<128xi32, #tpu.memory_space<vmem>>
      %dma_wait3A_191 = arith.constant 0 : i32
      %dma_wait3A_192 = arith.constant 0 : i32
      %dma_wait3A_193 = tpu.memref_slice %arg2[%dma_wait3A_191, %dma_wait3A_192] : memref<20000x64xf32, #tpu.memory_space<hbm>> -> memref<20000x64xf32, #tpu.memory_space<hbm>>
      tpu.wait_indirect_dma semaphore(%arg26 : memref<!tpu.dma_semaphore, #tpu.memory_space<semaphore_mem>>) src(%dma_wait3A_193 : memref<20000x64xf32, #tpu.memory_space<hbm>>) dst(%arg19 : memref<128x64xf32, #tpu.memory_space<vmem>>)
      %dma_wait3A_194 = arith.constant 1 : i32
      %dma_wait3A_195 = tpu.memref_slice %arg3[%dma_wait3A_194, %add3A_119] : memref<2x320000xi32, #tpu.memory_space<hbm>> -> memref<1x128xi32, #tpu.memory_space<hbm>>
      %dma_wait3A_196 = tpu.memref_squeeze %dma_wait3A_195 : memref<1x128xi32, #tpu.memory_space<hbm>> -> memref<128xi32, #tpu.memory_space<hbm>>
      %dma_wait3A_197 = tpu.memref_slice %arg3[%dma_wait3A_194, %add3A_119] : memref<2x320000xi32, #tpu.memory_space<hbm>> -> memref<1x128xi32, #tpu.memory_space<hbm>>
      %dma_wait3A_198 = tpu.memref_squeeze %dma_wait3A_197 : memref<1x128xi32, #tpu.memory_space<hbm>> -> memref<128xi32, #tpu.memory_space<hbm>>
      tpu.wait_dma2 semaphore(%arg32 : memref<!tpu.dma_semaphore, #tpu.memory_space<semaphore_mem>>) src(%dma_wait3A_198 : memref<128xi32, #tpu.memory_space<hbm>>) dst(%arg12 : memref<128xi32, #tpu.memory_space<vmem>>)
      %dma_start3A_199 = arith.constant 0 : i32
      %dma_start3A_200 = arith.constant 0 : i32
      %dma_start3A_201 = tpu.memref_slice %arg20[%dma_start3A_199, %dma_start3A_200] : memref<10240x64xf32, #tpu.memory_space<vmem_shared>> -> memref<10240x64xf32, #tpu.memory_space<vmem_shared>>
      tpu.enqueue_indirect_dma source(%arg19 : memref<128x64xf32, #tpu.memory_space<vmem>>) target(%dma_start3A_201 : memref<10240x64xf32, #tpu.memory_space<vmem_shared>>) offsets(%arg12 : memref<128xi32, #tpu.memory_space<vmem>>) semaphore(%arg33 : memref<!tpu.dma_semaphore, #tpu.memory_space<semaphore_mem>>) {add = true}
      %dma_wait3A_202 = arith.constant 0 : i32
      %dma_wait3A_203 = arith.constant 0 : i32
      %dma_wait3A_204 = tpu.memref_slice %arg20[%dma_wait3A_202, %dma_wait3A_203] : memref<10240x64xf32, #tpu.memory_space<vmem_shared>> -> memref<10240x64xf32, #tpu.memory_space<vmem_shared>>
      tpu.wait_indirect_dma semaphore(%arg33 : memref<!tpu.dma_semaphore, #tpu.memory_space<semaphore_mem>>) src(%arg14 : memref<128x64xf32, #tpu.memory_space<vmem>>) dst(%dma_wait3A_204 : memref<10240x64xf32, #tpu.memory_space<vmem_shared>>)
      %dma_wait3A_205 = arith.constant 0 : i32
      %dma_wait3A_206 = arith.constant 0 : i32
      %dma_wait3A_207 = tpu.memref_slice %arg20[%dma_wait3A_205, %dma_wait3A_206] : memref<10240x64xf32, #tpu.memory_space<vmem_shared>> -> memref<10240x64xf32, #tpu.memory_space<vmem_shared>>
      tpu.wait_indirect_dma semaphore(%arg33 : memref<!tpu.dma_semaphore, #tpu.memory_space<semaphore_mem>>) src(%arg15 : memref<128x64xf32, #tpu.memory_space<vmem>>) dst(%dma_wait3A_207 : memref<10240x64xf32, #tpu.memory_space<vmem_shared>>)
      %dma_wait3A_208 = arith.constant 0 : i32
      %dma_wait3A_209 = arith.constant 0 : i32
      %dma_wait3A_210 = tpu.memref_slice %arg20[%dma_wait3A_208, %dma_wait3A_209] : memref<10240x64xf32, #tpu.memory_space<vmem_shared>> -> memref<10240x64xf32, #tpu.memory_space<vmem_shared>>
      tpu.wait_indirect_dma semaphore(%arg33 : memref<!tpu.dma_semaphore, #tpu.memory_space<semaphore_mem>>) src(%arg16 : memref<128x64xf32, #tpu.memory_space<vmem>>) dst(%dma_wait3A_210 : memref<10240x64xf32, #tpu.memory_space<vmem_shared>>)
      %dma_wait3A_211 = arith.constant 0 : i32
      %dma_wait3A_212 = arith.constant 0 : i32
      %dma_wait3A_213 = tpu.memref_slice %arg20[%dma_wait3A_211, %dma_wait3A_212] : memref<10240x64xf32, #tpu.memory_space<vmem_shared>> -> memref<10240x64xf32, #tpu.memory_space<vmem_shared>>
      tpu.wait_indirect_dma semaphore(%arg33 : memref<!tpu.dma_semaphore, #tpu.memory_space<semaphore_mem>>) src(%arg17 : memref<128x64xf32, #tpu.memory_space<vmem>>) dst(%dma_wait3A_213 : memref<10240x64xf32, #tpu.memory_space<vmem_shared>>)
      %dma_wait3A_214 = arith.constant 0 : i32
      %dma_wait3A_215 = arith.constant 0 : i32
      %dma_wait3A_216 = tpu.memref_slice %arg20[%dma_wait3A_214, %dma_wait3A_215] : memref<10240x64xf32, #tpu.memory_space<vmem_shared>> -> memref<10240x64xf32, #tpu.memory_space<vmem_shared>>
      tpu.wait_indirect_dma semaphore(%arg33 : memref<!tpu.dma_semaphore, #tpu.memory_space<semaphore_mem>>) src(%arg18 : memref<128x64xf32, #tpu.memory_space<vmem>>) dst(%dma_wait3A_216 : memref<10240x64xf32, #tpu.memory_space<vmem_shared>>)
      %dma_wait3A_217 = arith.constant 0 : i32
      %dma_wait3A_218 = arith.constant 0 : i32
      %dma_wait3A_219 = tpu.memref_slice %arg20[%dma_wait3A_217, %dma_wait3A_218] : memref<10240x64xf32, #tpu.memory_space<vmem_shared>> -> memref<10240x64xf32, #tpu.memory_space<vmem_shared>>
      tpu.wait_indirect_dma semaphore(%arg33 : memref<!tpu.dma_semaphore, #tpu.memory_space<semaphore_mem>>) src(%arg19 : memref<128x64xf32, #tpu.memory_space<vmem>>) dst(%dma_wait3A_219 : memref<10240x64xf32, #tpu.memory_space<vmem_shared>>)
    }
    %scan3A_15 = arith.constant 13 : i32
    %lt3A = arith.constant 4 : i32
    %lt3A_16 = arith.cmpi slt, %add3A, %lt3A : i32
    %convert_element_type3A = arith.extui %lt3A_16 : i1 to i32
    %cond3A = arith.constant 0 : i32
    %cond3A_17 = arith.cmpi ne, %convert_element_type3A, %cond3A : i32
    scf.if %cond3A_17 {
      %add3A_23 = arith.constant 2496 : i32
      %add3A_24 = arith.addi %add3A_23, %add3A : i32
      %mul3A_25 = arith.constant 128 : i32
      %mul3A_26 = arith.muli %add3A_24, %mul3A_25 : i32
      %run_scoped3A_27 = arith.constant 0 : i32
      "tpu.region"() ({
        %run_scoped3A_39 = tpu.sem_alloc : memref<!tpu.dma_semaphore, #tpu.memory_space<semaphore_mem>>
        %dma_start3A_40 = tpu.memref_slice %arg3[%run_scoped3A_27, %mul3A_26] : memref<2x320000xi32, #tpu.memory_space<hbm>> -> memref<1x128xi32, #tpu.memory_space<hbm>>
        %dma_start3A_41 = tpu.memref_squeeze %dma_start3A_40 : memref<1x128xi32, #tpu.memory_space<hbm>> -> memref<128xi32, #tpu.memory_space<hbm>>
        %dma_start3A_42 = tpu.memref_slice %arg3[%run_scoped3A_27, %mul3A_26] : memref<2x320000xi32, #tpu.memory_space<hbm>> -> memref<1x128xi32, #tpu.memory_space<hbm>>
        %dma_start3A_43 = tpu.memref_squeeze %dma_start3A_42 : memref<1x128xi32, #tpu.memory_space<hbm>> -> memref<128xi32, #tpu.memory_space<hbm>>
        tpu.enqueue_dma source(%dma_start3A_43 : memref<128xi32, #tpu.memory_space<hbm>>) target(%arg13 : memref<128xi32, #tpu.memory_space<vmem>>) target_semaphore(%run_scoped3A_39 : memref<!tpu.dma_semaphore, #tpu.memory_space<semaphore_mem>>)
        %dma_wait3A_44 = tpu.memref_slice %arg3[%run_scoped3A_27, %mul3A_26] : memref<2x320000xi32, #tpu.memory_space<hbm>> -> memref<1x128xi32, #tpu.memory_space<hbm>>
        %dma_wait3A_45 = tpu.memref_squeeze %dma_wait3A_44 : memref<1x128xi32, #tpu.memory_space<hbm>> -> memref<128xi32, #tpu.memory_space<hbm>>
        %dma_wait3A_46 = tpu.memref_slice %arg3[%run_scoped3A_27, %mul3A_26] : memref<2x320000xi32, #tpu.memory_space<hbm>> -> memref<1x128xi32, #tpu.memory_space<hbm>>
        %dma_wait3A_47 = tpu.memref_squeeze %dma_wait3A_46 : memref<1x128xi32, #tpu.memory_space<hbm>> -> memref<128xi32, #tpu.memory_space<hbm>>
        tpu.wait_dma2 semaphore(%run_scoped3A_39 : memref<!tpu.dma_semaphore, #tpu.memory_space<semaphore_mem>>) src(%dma_wait3A_47 : memref<128xi32, #tpu.memory_space<hbm>>) dst(%arg13 : memref<128xi32, #tpu.memory_space<vmem>>)
        tpu.yield
      }) : () -> ()
      %scan3A_28 = arith.constant 0 : i32
      %scan3A_29 = arith.constant 0 : i32
      %scan3A_30 = arith.constant 8 : i32
      %scan3A_31 = arith.addi %scan3A_29, %scan3A_30 : i32
      %scan3A_32 = arith.constant 1 : i32
      scf.for %scan3A_39 = %scan3A_29 to %scan3A_31 step %scan3A_32  : i32 {
        %mul3A_40 = arith.constant 16 : i32
        %mul3A_41 = arith.muli %scan3A_39, %mul3A_40 : i32
        %get3A = arith.index_cast %mul3A_41 : i32 to index
        %get3A_42 = tpu.vector_load %arg13[%get3A] {strides = array<i32>} : memref<128xi32, #tpu.memory_space<vmem>>, vector<16xi32>,
        %add3A_43 = arith.addi %get3A_42, %get3A_42 : vector<16xi32>
        %mul3A_44 = arith.constant 16 : i32
        %mul3A_45 = arith.muli %scan3A_39, %mul3A_44 : i32
        %swap3A = arith.index_cast %mul3A_45 : i32 to index
        %swap3A_46 = tpu.vector_load %arg13[%swap3A] {strides = array<i32>} : memref<128xi32, #tpu.memory_space<vmem>>, vector<16xi32>,
        %swap3A_47 = vector.shape_cast %swap3A_46 : vector<16xi32> to vector<16xi32>
        %swap3A_48 = vector.shape_cast %add3A_43 : vector<16xi32> to vector<16xi32>
        tpu.vector_store %arg13[%swap3A], %swap3A_48 {strides = array<i32>} : memref<128xi32, #tpu.memory_space<vmem>>, vector<16xi32>,
      }
      %scan3A_33 = arith.constant 8 : i32
      %run_scoped3A_34 = arith.constant 1 : i32
      "tpu.region"() ({
        %run_scoped3A_39 = tpu.sem_alloc : memref<!tpu.dma_semaphore, #tpu.memory_space<semaphore_mem>>
        %dma_start3A_40 = tpu.memref_slice %arg3[%run_scoped3A_34, %mul3A_26] : memref<2x320000xi32, #tpu.memory_space<hbm>> -> memref<1x128xi32, #tpu.memory_space<hbm>>
        %dma_start3A_41 = tpu.memref_squeeze %dma_start3A_40 : memref<1x128xi32, #tpu.memory_space<hbm>> -> memref<128xi32, #tpu.memory_space<hbm>>
        %dma_start3A_42 = tpu.memref_slice %arg3[%run_scoped3A_34, %mul3A_26] : memref<2x320000xi32, #tpu.memory_space<hbm>> -> memref<1x128xi32, #tpu.memory_space<hbm>>
        %dma_start3A_43 = tpu.memref_squeeze %dma_start3A_42 : memref<1x128xi32, #tpu.memory_space<hbm>> -> memref<128xi32, #tpu.memory_space<hbm>>
        tpu.enqueue_dma source(%dma_start3A_43 : memref<128xi32, #tpu.memory_space<hbm>>) target(%arg7 : memref<128xi32, #tpu.memory_space<vmem>>) target_semaphore(%run_scoped3A_39 : memref<!tpu.dma_semaphore, #tpu.memory_space<semaphore_mem>>)
        %dma_wait3A_44 = tpu.memref_slice %arg3[%run_scoped3A_34, %mul3A_26] : memref<2x320000xi32, #tpu.memory_space<hbm>> -> memref<1x128xi32, #tpu.memory_space<hbm>>
        %dma_wait3A_45 = tpu.memref_squeeze %dma_wait3A_44 : memref<1x128xi32, #tpu.memory_space<hbm>> -> memref<128xi32, #tpu.memory_space<hbm>>
        %dma_wait3A_46 = tpu.memref_slice %arg3[%run_scoped3A_34, %mul3A_26] : memref<2x320000xi32, #tpu.memory_space<hbm>> -> memref<1x128xi32, #tpu.memory_space<hbm>>
        %dma_wait3A_47 = tpu.memref_squeeze %dma_wait3A_46 : memref<1x128xi32, #tpu.memory_space<hbm>> -> memref<128xi32, #tpu.memory_space<hbm>>
        tpu.wait_dma2 semaphore(%run_scoped3A_39 : memref<!tpu.dma_semaphore, #tpu.memory_space<semaphore_mem>>) src(%dma_wait3A_47 : memref<128xi32, #tpu.memory_space<hbm>>) dst(%arg7 : memref<128xi32, #tpu.memory_space<vmem>>)
        tpu.yield
      }) : () -> ()
      %dma_start3A = arith.constant 0 : i32
      %dma_start3A_35 = arith.constant 0 : i32
      %dma_start3A_36 = tpu.memref_slice %arg2[%dma_start3A, %dma_start3A_35] : memref<20000x64xf32, #tpu.memory_space<hbm>> -> memref<20000x64xf32, #tpu.memory_space<hbm>>
      tpu.enqueue_indirect_dma source(%dma_start3A_36 : memref<20000x64xf32, #tpu.memory_space<hbm>>) target(%arg14 : memref<128x64xf32, #tpu.memory_space<vmem>>) offsets(%arg13 : memref<128xi32, #tpu.memory_space<vmem>>) semaphore(%arg21 : memref<!tpu.dma_semaphore, #tpu.memory_space<semaphore_mem>>)
      %dma_wait3A = arith.constant 0 : i32
      %dma_wait3A_37 = arith.constant 0 : i32
      %dma_wait3A_38 = tpu.memref_slice %arg2[%dma_wait3A, %dma_wait3A_37] : memref<20000x64xf32, #tpu.memory_space<hbm>> -> memref<20000x64xf32, #tpu.memory_space<hbm>>
      tpu.wait_indirect_dma semaphore(%arg21 : memref<!tpu.dma_semaphore, #tpu.memory_space<semaphore_mem>>) src(%dma_wait3A_38 : memref<20000x64xf32, #tpu.memory_space<hbm>>) dst(%arg14 : memref<128x64xf32, #tpu.memory_space<vmem>>)
      "tpu.region"() ({
        %run_scoped3A_39 = tpu.sem_alloc : memref<!tpu.dma_semaphore, #tpu.memory_space<semaphore_mem>>
        %dma_start3A_40 = arith.constant 0 : i32
        %dma_start3A_41 = arith.constant 0 : i32
        %dma_start3A_42 = tpu.memref_slice %arg20[%dma_start3A_40, %dma_start3A_41] : memref<10240x64xf32, #tpu.memory_space<vmem_shared>> -> memref<10240x64xf32, #tpu.memory_space<vmem_shared>>
        tpu.enqueue_indirect_dma source(%arg14 : memref<128x64xf32, #tpu.memory_space<vmem>>) target(%dma_start3A_42 : memref<10240x64xf32, #tpu.memory_space<vmem_shared>>) offsets(%arg7 : memref<128xi32, #tpu.memory_space<vmem>>) semaphore(%run_scoped3A_39 : memref<!tpu.dma_semaphore, #tpu.memory_space<semaphore_mem>>) {add = true}
        %dma_wait3A_43 = arith.constant 0 : i32
        %dma_wait3A_44 = arith.constant 0 : i32
        %dma_wait3A_45 = tpu.memref_slice %arg20[%dma_wait3A_43, %dma_wait3A_44] : memref<10240x64xf32, #tpu.memory_space<vmem_shared>> -> memref<10240x64xf32, #tpu.memory_space<vmem_shared>>
        tpu.wait_indirect_dma semaphore(%run_scoped3A_39 : memref<!tpu.dma_semaphore, #tpu.memory_space<semaphore_mem>>) src(%arg14 : memref<128x64xf32, #tpu.memory_space<vmem>>) dst(%dma_wait3A_45 : memref<10240x64xf32, #tpu.memory_space<vmem_shared>>)
        tpu.yield
      }) : () -> ()
    } else {
    }
    %barrier3A_18 = arith.constant 0 : index
    tpu.barrier barrier_id(%barrier3A_18)
    %mul3A_19 = arith.constant 640 : i32
    %mul3A_20 = arith.muli %arg1, %mul3A_19 : i32
    %mul3A_21 = arith.constant 640 : i32
    %mul3A_22 = arith.muli %arg1, %mul3A_21 : i32
    "tpu.region"() ({
      %run_scoped3A_23 = tpu.sem_alloc : memref<!tpu.dma_semaphore, #tpu.memory_space<semaphore_mem>>
      %dma_start3A = arith.constant 0 : i32
      %dma_start3A_24 = tpu.memref_slice %arg5[%arg0, %mul3A_22, %dma_start3A] : memref<2x10240x128xf32, #tpu.memory_space<hbm>> -> memref<1x640x64xf32, #tpu.memory_space<hbm>>
      %dma_start3A_25 = tpu.memref_squeeze %dma_start3A_24 : memref<1x640x64xf32, #tpu.memory_space<hbm>> -> memref<640x64xf32, #tpu.memory_space<hbm>>
      %dma_start3A_26 = arith.constant 0 : i32
      %dma_start3A_27 = tpu.memref_slice %arg20[%mul3A_20, %dma_start3A_26] : memref<10240x64xf32, #tpu.memory_space<vmem_shared>> -> memref<640x64xf32, #tpu.memory_space<vmem_shared>>
      tpu.enqueue_dma source(%dma_start3A_27 : memref<640x64xf32, #tpu.memory_space<vmem_shared>>) target(%dma_start3A_25 : memref<640x64xf32, #tpu.memory_space<hbm>>) target_semaphore(%run_scoped3A_23 : memref<!tpu.dma_semaphore, #tpu.memory_space<semaphore_mem>>)
      %dma_wait3A = arith.constant 0 : i32
      %dma_wait3A_28 = tpu.memref_slice %arg5[%arg0, %mul3A_22, %dma_wait3A] : memref<2x10240x128xf32, #tpu.memory_space<hbm>> -> memref<1x640x64xf32, #tpu.memory_space<hbm>>
      %dma_wait3A_29 = tpu.memref_squeeze %dma_wait3A_28 : memref<1x640x64xf32, #tpu.memory_space<hbm>> -> memref<640x64xf32, #tpu.memory_space<hbm>>
      %dma_wait3A_30 = arith.constant 0 : i32
      %dma_wait3A_31 = tpu.memref_slice %arg20[%mul3A_20, %dma_wait3A_30] : memref<10240x64xf32, #tpu.memory_space<vmem_shared>> -> memref<640x64xf32, #tpu.memory_space<vmem_shared>>
      tpu.wait_dma2 semaphore(%run_scoped3A_23 : memref<!tpu.dma_semaphore, #tpu.memory_space<semaphore_mem>>) src(%dma_wait3A_31 : memref<640x64xf32, #tpu.memory_space<vmem_shared>>) dst(%dma_wait3A_29 : memref<640x64xf32, #tpu.memory_space<hbm>>)
      tpu.yield
    }) : () -> ()
    return
  }
}

#map = affine_map<(d0, d1) -> (0, 0)>
#map1 = affine_map<(d0, d1) -> (0)>
module attributes {stable_mosaic.version = 14 : i64} {
  func.func @_sc_degree(%arg0: i32, %arg1: i32, %arg2: memref<2x320000xi32, #tpu.memory_space<hbm>>, %arg3: memref<10240xf32, #tpu.memory_space<hbm>>, %arg4: memref<2x10240xf32, #tpu.memory_space<hbm>>, %arg5: memref<9984xi32, #tpu.memory_space<vmem>>, %arg6: memref<128xi32, #tpu.memory_space<vmem>>, %arg7: memref<10240xf32, #tpu.memory_space<vmem>>, %arg8: memref<16x640xf32, #tpu.memory_space<vmem>>, %arg9: memref<640xf32, #tpu.memory_space<vmem>>, %arg10: memref<16x10240xf32, #tpu.memory_space<vmem_shared>>, %arg11: memref<!tpu.dma_semaphore, #tpu.memory_space<semaphore_mem>>) attributes {dimension_semantics = [#tpu.dimension_semantics<core_parallel>, #tpu.dimension_semantics<subcore_parallel>], iteration_bounds = array<i64: 2, 16>, scalar_prefetch = 0 : i64, scratch_operands = 7 : i64, tpu.core_type = #tpu.core_type<sc_vector_subcore>, window_params = [{transform_indices = #map}, {transform_indices = #map1}, {transform_indices = #map}]} {
    %mul3A = arith.constant 16 : i32
    %mul3A_0 = arith.muli %arg0, %mul3A : i32
    %add3A = arith.addi %mul3A_0, %arg1 : i32
    %mul3A_1 = arith.constant 9984 : i32
    %mul3A_2 = arith.muli %add3A, %mul3A_1 : i32
    %run_scoped3A = arith.constant 1 : i32
    "tpu.region"() ({
      %run_scoped3A_21 = tpu.sem_alloc : memref<!tpu.dma_semaphore, #tpu.memory_space<semaphore_mem>>
      %dma_start3A = tpu.memref_slice %arg2[%run_scoped3A, %mul3A_2] : memref<2x320000xi32, #tpu.memory_space<hbm>> -> memref<1x9984xi32, #tpu.memory_space<hbm>>
      %dma_start3A_22 = tpu.memref_squeeze %dma_start3A : memref<1x9984xi32, #tpu.memory_space<hbm>> -> memref<9984xi32, #tpu.memory_space<hbm>>
      %dma_start3A_23 = tpu.memref_slice %arg2[%run_scoped3A, %mul3A_2] : memref<2x320000xi32, #tpu.memory_space<hbm>> -> memref<1x9984xi32, #tpu.memory_space<hbm>>
      %dma_start3A_24 = tpu.memref_squeeze %dma_start3A_23 : memref<1x9984xi32, #tpu.memory_space<hbm>> -> memref<9984xi32, #tpu.memory_space<hbm>>
      tpu.enqueue_dma source(%dma_start3A_24 : memref<9984xi32, #tpu.memory_space<hbm>>) target(%arg5 : memref<9984xi32, #tpu.memory_space<vmem>>) target_semaphore(%run_scoped3A_21 : memref<!tpu.dma_semaphore, #tpu.memory_space<semaphore_mem>>)
      %dma_wait3A = tpu.memref_slice %arg2[%run_scoped3A, %mul3A_2] : memref<2x320000xi32, #tpu.memory_space<hbm>> -> memref<1x9984xi32, #tpu.memory_space<hbm>>
      %dma_wait3A_25 = tpu.memref_squeeze %dma_wait3A : memref<1x9984xi32, #tpu.memory_space<hbm>> -> memref<9984xi32, #tpu.memory_space<hbm>>
      %dma_wait3A_26 = tpu.memref_slice %arg2[%run_scoped3A, %mul3A_2] : memref<2x320000xi32, #tpu.memory_space<hbm>> -> memref<1x9984xi32, #tpu.memory_space<hbm>>
      %dma_wait3A_27 = tpu.memref_squeeze %dma_wait3A_26 : memref<1x9984xi32, #tpu.memory_space<hbm>> -> memref<9984xi32, #tpu.memory_space<hbm>>
      tpu.wait_dma2 semaphore(%run_scoped3A_21 : memref<!tpu.dma_semaphore, #tpu.memory_space<semaphore_mem>>) src(%dma_wait3A_27 : memref<9984xi32, #tpu.memory_space<hbm>>) dst(%arg5 : memref<9984xi32, #tpu.memory_space<vmem>>)
      tpu.yield
    }) : () -> ()
    "tpu.region"() ({
      %run_scoped3A_21 = tpu.sem_alloc : memref<!tpu.dma_semaphore, #tpu.memory_space<semaphore_mem>>
      tpu.enqueue_dma source(%arg3 : memref<10240xf32, #tpu.memory_space<hbm>>) target(%arg7 : memref<10240xf32, #tpu.memory_space<vmem>>) target_semaphore(%run_scoped3A_21 : memref<!tpu.dma_semaphore, #tpu.memory_space<semaphore_mem>>)
      tpu.wait_dma2 semaphore(%run_scoped3A_21 : memref<!tpu.dma_semaphore, #tpu.memory_space<semaphore_mem>>) src(%arg3 : memref<10240xf32, #tpu.memory_space<hbm>>) dst(%arg7 : memref<10240xf32, #tpu.memory_space<vmem>>)
      tpu.yield
    }) : () -> ()
    %broadcast_in_dim3A = arith.constant 1.000000e+00 : f32
    %broadcast_in_dim3A_3 = vector.broadcast %broadcast_in_dim3A : f32 to vector<16xf32>
    %scan3A = arith.constant 0 : i32
    %scan3A_4 = arith.constant 0 : i32
    %scan3A_5 = arith.constant 624 : i32
    %scan3A_6 = arith.addi %scan3A_4, %scan3A_5 : i32
    %scan3A_7 = arith.constant 1 : i32
    scf.for %scan3A_21 = %scan3A_4 to %scan3A_6 step %scan3A_7  : i32 {
      %mul3A_22 = arith.constant 16 : i32
      %mul3A_23 = arith.muli %scan3A_21, %mul3A_22 : i32
      %get3A = arith.index_cast %mul3A_23 : i32 to index
      %get3A_24 = tpu.vector_load %arg5[%get3A] {strides = array<i32>} : memref<9984xi32, #tpu.memory_space<vmem>>, vector<16xi32>,
      tpu.vector_store_idx %arg7[%get3A_24], %broadcast_in_dim3A_3 {add = true} : memref<10240xf32, #tpu.memory_space<vmem>>[vector<16xi32>], vector<16xf32>,
    }
    %scan3A_8 = arith.constant 624 : i32
    %lt3A = arith.constant 4 : i32
    %lt3A_9 = arith.cmpi slt, %add3A, %lt3A : i32
    %convert_element_type3A = arith.extui %lt3A_9 : i1 to i32
    %cond3A = arith.constant 0 : i32
    %cond3A_10 = arith.cmpi ne, %convert_element_type3A, %cond3A : i32
    scf.if %cond3A_10 {
      %add3A_21 = arith.constant 2496 : i32
      %add3A_22 = arith.addi %add3A_21, %add3A : i32
      %mul3A_23 = arith.constant 128 : i32
      %mul3A_24 = arith.muli %add3A_22, %mul3A_23 : i32
      %run_scoped3A_25 = arith.constant 1 : i32
      "tpu.region"() ({
        %run_scoped3A_32 = tpu.sem_alloc : memref<!tpu.dma_semaphore, #tpu.memory_space<semaphore_mem>>
        %dma_start3A = tpu.memref_slice %arg2[%run_scoped3A_25, %mul3A_24] : memref<2x320000xi32, #tpu.memory_space<hbm>> -> memref<1x128xi32, #tpu.memory_space<hbm>>
        %dma_start3A_33 = tpu.memref_squeeze %dma_start3A : memref<1x128xi32, #tpu.memory_space<hbm>> -> memref<128xi32, #tpu.memory_space<hbm>>
        %dma_start3A_34 = tpu.memref_slice %arg2[%run_scoped3A_25, %mul3A_24] : memref<2x320000xi32, #tpu.memory_space<hbm>> -> memref<1x128xi32, #tpu.memory_space<hbm>>
        %dma_start3A_35 = tpu.memref_squeeze %dma_start3A_34 : memref<1x128xi32, #tpu.memory_space<hbm>> -> memref<128xi32, #tpu.memory_space<hbm>>
        tpu.enqueue_dma source(%dma_start3A_35 : memref<128xi32, #tpu.memory_space<hbm>>) target(%arg6 : memref<128xi32, #tpu.memory_space<vmem>>) target_semaphore(%run_scoped3A_32 : memref<!tpu.dma_semaphore, #tpu.memory_space<semaphore_mem>>)
        %dma_wait3A = tpu.memref_slice %arg2[%run_scoped3A_25, %mul3A_24] : memref<2x320000xi32, #tpu.memory_space<hbm>> -> memref<1x128xi32, #tpu.memory_space<hbm>>
        %dma_wait3A_36 = tpu.memref_squeeze %dma_wait3A : memref<1x128xi32, #tpu.memory_space<hbm>> -> memref<128xi32, #tpu.memory_space<hbm>>
        %dma_wait3A_37 = tpu.memref_slice %arg2[%run_scoped3A_25, %mul3A_24] : memref<2x320000xi32, #tpu.memory_space<hbm>> -> memref<1x128xi32, #tpu.memory_space<hbm>>
        %dma_wait3A_38 = tpu.memref_squeeze %dma_wait3A_37 : memref<1x128xi32, #tpu.memory_space<hbm>> -> memref<128xi32, #tpu.memory_space<hbm>>
        tpu.wait_dma2 semaphore(%run_scoped3A_32 : memref<!tpu.dma_semaphore, #tpu.memory_space<semaphore_mem>>) src(%dma_wait3A_38 : memref<128xi32, #tpu.memory_space<hbm>>) dst(%arg6 : memref<128xi32, #tpu.memory_space<vmem>>)
        tpu.yield
      }) : () -> ()
      %scan3A_26 = arith.constant 0 : i32
      %scan3A_27 = arith.constant 0 : i32
      %scan3A_28 = arith.constant 8 : i32
      %scan3A_29 = arith.addi %scan3A_27, %scan3A_28 : i32
      %scan3A_30 = arith.constant 1 : i32
      scf.for %scan3A_32 = %scan3A_27 to %scan3A_29 step %scan3A_30  : i32 {
        %mul3A_33 = arith.constant 16 : i32
        %mul3A_34 = arith.muli %scan3A_32, %mul3A_33 : i32
        %get3A = arith.index_cast %mul3A_34 : i32 to index
        %get3A_35 = tpu.vector_load %arg6[%get3A] {strides = array<i32>} : memref<128xi32, #tpu.memory_space<vmem>>, vector<16xi32>,
        tpu.vector_store_idx %arg7[%get3A_35], %broadcast_in_dim3A_3 {add = true} : memref<10240xf32, #tpu.memory_space<vmem>>[vector<16xi32>], vector<16xf32>,
      }
      %scan3A_31 = arith.constant 8 : i32
    } else {
    }
    "tpu.region"() ({
      %run_scoped3A_21 = tpu.sem_alloc : memref<!tpu.dma_semaphore, #tpu.memory_space<semaphore_mem>>
      %dma_start3A = arith.constant 0 : i32
      %dma_start3A_22 = tpu.memref_slice %arg10[%arg1, %dma_start3A] : memref<16x10240xf32, #tpu.memory_space<vmem_shared>> -> memref<1x10240xf32, #tpu.memory_space<vmem_shared>>
      %dma_start3A_23 = tpu.memref_squeeze %dma_start3A_22 : memref<1x10240xf32, #tpu.memory_space<vmem_shared>> -> memref<10240xf32, #tpu.memory_space<vmem_shared>>
      %dma_start3A_24 = arith.constant 0 : i32
      %dma_start3A_25 = tpu.memref_slice %arg10[%arg1, %dma_start3A_24] : memref<16x10240xf32, #tpu.memory_space<vmem_shared>> -> memref<1x10240xf32, #tpu.memory_space<vmem_shared>>
      %dma_start3A_26 = tpu.memref_squeeze %dma_start3A_25 : memref<1x10240xf32, #tpu.memory_space<vmem_shared>> -> memref<10240xf32, #tpu.memory_space<vmem_shared>>
      tpu.enqueue_dma source(%arg7 : memref<10240xf32, #tpu.memory_space<vmem>>) target(%dma_start3A_26 : memref<10240xf32, #tpu.memory_space<vmem_shared>>) target_semaphore(%run_scoped3A_21 : memref<!tpu.dma_semaphore, #tpu.memory_space<semaphore_mem>>)
      %dma_wait3A = arith.constant 0 : i32
      %dma_wait3A_27 = tpu.memref_slice %arg10[%arg1, %dma_wait3A] : memref<16x10240xf32, #tpu.memory_space<vmem_shared>> -> memref<1x10240xf32, #tpu.memory_space<vmem_shared>>
      %dma_wait3A_28 = tpu.memref_squeeze %dma_wait3A_27 : memref<1x10240xf32, #tpu.memory_space<vmem_shared>> -> memref<10240xf32, #tpu.memory_space<vmem_shared>>
      %dma_wait3A_29 = arith.constant 0 : i32
      %dma_wait3A_30 = tpu.memref_slice %arg10[%arg1, %dma_wait3A_29] : memref<16x10240xf32, #tpu.memory_space<vmem_shared>> -> memref<1x10240xf32, #tpu.memory_space<vmem_shared>>
      %dma_wait3A_31 = tpu.memref_squeeze %dma_wait3A_30 : memref<1x10240xf32, #tpu.memory_space<vmem_shared>> -> memref<10240xf32, #tpu.memory_space<vmem_shared>>
      tpu.wait_dma2 semaphore(%run_scoped3A_21 : memref<!tpu.dma_semaphore, #tpu.memory_space<semaphore_mem>>) src(%arg7 : memref<10240xf32, #tpu.memory_space<vmem>>) dst(%dma_wait3A_31 : memref<10240xf32, #tpu.memory_space<vmem_shared>>)
      tpu.yield
    }) : () -> ()
    %barrier3A = arith.constant 0 : index
    tpu.barrier barrier_id(%barrier3A)
    %mul3A_11 = arith.constant 640 : i32
    %mul3A_12 = arith.muli %arg1, %mul3A_11 : i32
    "tpu.region"() ({
      %run_scoped3A_21 = tpu.sem_alloc : memref<!tpu.dma_semaphore, #tpu.memory_space<semaphore_mem>>
      %dma_start3A = arith.constant 0 : i32
      %dma_start3A_22 = tpu.memref_slice %arg10[%dma_start3A, %mul3A_12] : memref<16x10240xf32, #tpu.memory_space<vmem_shared>> -> memref<16x640xf32, #tpu.memory_space<vmem_shared>>
      %dma_start3A_23 = arith.constant 0 : i32
      %dma_start3A_24 = tpu.memref_slice %arg10[%dma_start3A_23, %mul3A_12] : memref<16x10240xf32, #tpu.memory_space<vmem_shared>> -> memref<16x640xf32, #tpu.memory_space<vmem_shared>>
      tpu.enqueue_dma source(%dma_start3A_24 : memref<16x640xf32, #tpu.memory_space<vmem_shared>>) target(%arg8 : memref<16x640xf32, #tpu.memory_space<vmem>>) target_semaphore(%run_scoped3A_21 : memref<!tpu.dma_semaphore, #tpu.memory_space<semaphore_mem>>)
      %dma_wait3A = arith.constant 0 : i32
      %dma_wait3A_25 = tpu.memref_slice %arg10[%dma_wait3A, %mul3A_12] : memref<16x10240xf32, #tpu.memory_space<vmem_shared>> -> memref<16x640xf32, #tpu.memory_space<vmem_shared>>
      %dma_wait3A_26 = arith.constant 0 : i32
      %dma_wait3A_27 = tpu.memref_slice %arg10[%dma_wait3A_26, %mul3A_12] : memref<16x10240xf32, #tpu.memory_space<vmem_shared>> -> memref<16x640xf32, #tpu.memory_space<vmem_shared>>
      tpu.wait_dma2 semaphore(%run_scoped3A_21 : memref<!tpu.dma_semaphore, #tpu.memory_space<semaphore_mem>>) src(%dma_wait3A_27 : memref<16x640xf32, #tpu.memory_space<vmem_shared>>) dst(%arg8 : memref<16x640xf32, #tpu.memory_space<vmem>>)
      tpu.yield
    }) : () -> ()
    %scan3A_13 = arith.constant 0 : i32
    %scan3A_14 = arith.constant 0 : i32
    %scan3A_15 = arith.constant 40 : i32
    %scan3A_16 = arith.addi %scan3A_14, %scan3A_15 : i32
    %scan3A_17 = arith.constant 1 : i32
    scf.for %scan3A_21 = %scan3A_14 to %scan3A_16 step %scan3A_17  : i32 {
      %broadcast_in_dim3A_22 = arith.constant 0.000000e+00 : f32
      %broadcast_in_dim3A_23 = vector.broadcast %broadcast_in_dim3A_22 : f32 to vector<16xf32>
      %mul3A_24 = arith.constant 16 : i32
      %mul3A_25 = arith.muli %scan3A_21, %mul3A_24 : i32
      %get3A = arith.constant 0 : i32
      %get3A_26 = arith.index_cast %get3A : i32 to index
      %get3A_27 = arith.index_cast %mul3A_25 : i32 to index
      %get3A_28 = tpu.vector_load %arg8[%get3A_26, %get3A_27] {strides = array<i32>} : memref<16x640xf32, #tpu.memory_space<vmem>>, vector<16xf32>,
      %add3A_29 = arith.addf %broadcast_in_dim3A_23, %get3A_28 : vector<16xf32>
      %mul3A_30 = arith.constant 16 : i32
      %mul3A_31 = arith.muli %scan3A_21, %mul3A_30 : i32
      %get3A_32 = arith.constant 1 : i32
      %get3A_33 = arith.index_cast %get3A_32 : i32 to index
      %get3A_34 = arith.index_cast %mul3A_31 : i32 to index
      %get3A_35 = tpu.vector_load %arg8[%get3A_33, %get3A_34] {strides = array<i32>} : memref<16x640xf32, #tpu.memory_space<vmem>>, vector<16xf32>,
      %add3A_36 = arith.addf %add3A_29, %get3A_35 : vector<16xf32>
      %mul3A_37 = arith.constant 16 : i32
      %mul3A_38 = arith.muli %scan3A_21, %mul3A_37 : i32
      %get3A_39 = arith.constant 2 : i32
      %get3A_40 = arith.index_cast %get3A_39 : i32 to index
      %get3A_41 = arith.index_cast %mul3A_38 : i32 to index
      %get3A_42 = tpu.vector_load %arg8[%get3A_40, %get3A_41] {strides = array<i32>} : memref<16x640xf32, #tpu.memory_space<vmem>>, vector<16xf32>,
      %add3A_43 = arith.addf %add3A_36, %get3A_42 : vector<16xf32>
      %mul3A_44 = arith.constant 16 : i32
      %mul3A_45 = arith.muli %scan3A_21, %mul3A_44 : i32
      %get3A_46 = arith.constant 3 : i32
      %get3A_47 = arith.index_cast %get3A_46 : i32 to index
      %get3A_48 = arith.index_cast %mul3A_45 : i32 to index
      %get3A_49 = tpu.vector_load %arg8[%get3A_47, %get3A_48] {strides = array<i32>} : memref<16x640xf32, #tpu.memory_space<vmem>>, vector<16xf32>,
      %add3A_50 = arith.addf %add3A_43, %get3A_49 : vector<16xf32>
      %mul3A_51 = arith.constant 16 : i32
      %mul3A_52 = arith.muli %scan3A_21, %mul3A_51 : i32
      %get3A_53 = arith.constant 4 : i32
      %get3A_54 = arith.index_cast %get3A_53 : i32 to index
      %get3A_55 = arith.index_cast %mul3A_52 : i32 to index
      %get3A_56 = tpu.vector_load %arg8[%get3A_54, %get3A_55] {strides = array<i32>} : memref<16x640xf32, #tpu.memory_space<vmem>>, vector<16xf32>,
      %add3A_57 = arith.addf %add3A_50, %get3A_56 : vector<16xf32>
      %mul3A_58 = arith.constant 16 : i32
      %mul3A_59 = arith.muli %scan3A_21, %mul3A_58 : i32
      %get3A_60 = arith.constant 5 : i32
      %get3A_61 = arith.index_cast %get3A_60 : i32 to index
      %get3A_62 = arith.index_cast %mul3A_59 : i32 to index
      %get3A_63 = tpu.vector_load %arg8[%get3A_61, %get3A_62] {strides = array<i32>} : memref<16x640xf32, #tpu.memory_space<vmem>>, vector<16xf32>,
      %add3A_64 = arith.addf %add3A_57, %get3A_63 : vector<16xf32>
      %mul3A_65 = arith.constant 16 : i32
      %mul3A_66 = arith.muli %scan3A_21, %mul3A_65 : i32
      %get3A_67 = arith.constant 6 : i32
      %get3A_68 = arith.index_cast %get3A_67 : i32 to index
      %get3A_69 = arith.index_cast %mul3A_66 : i32 to index
      %get3A_70 = tpu.vector_load %arg8[%get3A_68, %get3A_69] {strides = array<i32>} : memref<16x640xf32, #tpu.memory_space<vmem>>, vector<16xf32>,
      %add3A_71 = arith.addf %add3A_64, %get3A_70 : vector<16xf32>
      %mul3A_72 = arith.constant 16 : i32
      %mul3A_73 = arith.muli %scan3A_21, %mul3A_72 : i32
      %get3A_74 = arith.constant 7 : i32
      %get3A_75 = arith.index_cast %get3A_74 : i32 to index
      %get3A_76 = arith.index_cast %mul3A_73 : i32 to index
      %get3A_77 = tpu.vector_load %arg8[%get3A_75, %get3A_76] {strides = array<i32>} : memref<16x640xf32, #tpu.memory_space<vmem>>, vector<16xf32>,
      %add3A_78 = arith.addf %add3A_71, %get3A_77 : vector<16xf32>
      %mul3A_79 = arith.constant 16 : i32
      %mul3A_80 = arith.muli %scan3A_21, %mul3A_79 : i32
      %get3A_81 = arith.constant 8 : i32
      %get3A_82 = arith.index_cast %get3A_81 : i32 to index
      %get3A_83 = arith.index_cast %mul3A_80 : i32 to index
      %get3A_84 = tpu.vector_load %arg8[%get3A_82, %get3A_83] {strides = array<i32>} : memref<16x640xf32, #tpu.memory_space<vmem>>, vector<16xf32>,
      %add3A_85 = arith.addf %add3A_78, %get3A_84 : vector<16xf32>
      %mul3A_86 = arith.constant 16 : i32
      %mul3A_87 = arith.muli %scan3A_21, %mul3A_86 : i32
      %get3A_88 = arith.constant 9 : i32
      %get3A_89 = arith.index_cast %get3A_88 : i32 to index
      %get3A_90 = arith.index_cast %mul3A_87 : i32 to index
      %get3A_91 = tpu.vector_load %arg8[%get3A_89, %get3A_90] {strides = array<i32>} : memref<16x640xf32, #tpu.memory_space<vmem>>, vector<16xf32>,
      %add3A_92 = arith.addf %add3A_85, %get3A_91 : vector<16xf32>
      %mul3A_93 = arith.constant 16 : i32
      %mul3A_94 = arith.muli %scan3A_21, %mul3A_93 : i32
      %get3A_95 = arith.constant 10 : i32
      %get3A_96 = arith.index_cast %get3A_95 : i32 to index
      %get3A_97 = arith.index_cast %mul3A_94 : i32 to index
      %get3A_98 = tpu.vector_load %arg8[%get3A_96, %get3A_97] {strides = array<i32>} : memref<16x640xf32, #tpu.memory_space<vmem>>, vector<16xf32>,
      %add3A_99 = arith.addf %add3A_92, %get3A_98 : vector<16xf32>
      %mul3A_100 = arith.constant 16 : i32
      %mul3A_101 = arith.muli %scan3A_21, %mul3A_100 : i32
      %get3A_102 = arith.constant 11 : i32
      %get3A_103 = arith.index_cast %get3A_102 : i32 to index
      %get3A_104 = arith.index_cast %mul3A_101 : i32 to index
      %get3A_105 = tpu.vector_load %arg8[%get3A_103, %get3A_104] {strides = array<i32>} : memref<16x640xf32, #tpu.memory_space<vmem>>, vector<16xf32>,
      %add3A_106 = arith.addf %add3A_99, %get3A_105 : vector<16xf32>
      %mul3A_107 = arith.constant 16 : i32
      %mul3A_108 = arith.muli %scan3A_21, %mul3A_107 : i32
      %get3A_109 = arith.constant 12 : i32
      %get3A_110 = arith.index_cast %get3A_109 : i32 to index
      %get3A_111 = arith.index_cast %mul3A_108 : i32 to index
      %get3A_112 = tpu.vector_load %arg8[%get3A_110, %get3A_111] {strides = array<i32>} : memref<16x640xf32, #tpu.memory_space<vmem>>, vector<16xf32>,
      %add3A_113 = arith.addf %add3A_106, %get3A_112 : vector<16xf32>
      %mul3A_114 = arith.constant 16 : i32
      %mul3A_115 = arith.muli %scan3A_21, %mul3A_114 : i32
      %get3A_116 = arith.constant 13 : i32
      %get3A_117 = arith.index_cast %get3A_116 : i32 to index
      %get3A_118 = arith.index_cast %mul3A_115 : i32 to index
      %get3A_119 = tpu.vector_load %arg8[%get3A_117, %get3A_118] {strides = array<i32>} : memref<16x640xf32, #tpu.memory_space<vmem>>, vector<16xf32>,
      %add3A_120 = arith.addf %add3A_113, %get3A_119 : vector<16xf32>
      %mul3A_121 = arith.constant 16 : i32
      %mul3A_122 = arith.muli %scan3A_21, %mul3A_121 : i32
      %get3A_123 = arith.constant 14 : i32
      %get3A_124 = arith.index_cast %get3A_123 : i32 to index
      %get3A_125 = arith.index_cast %mul3A_122 : i32 to index
      %get3A_126 = tpu.vector_load %arg8[%get3A_124, %get3A_125] {strides = array<i32>} : memref<16x640xf32, #tpu.memory_space<vmem>>, vector<16xf32>,
      %add3A_127 = arith.addf %add3A_120, %get3A_126 : vector<16xf32>
      %mul3A_128 = arith.constant 16 : i32
      %mul3A_129 = arith.muli %scan3A_21, %mul3A_128 : i32
      %get3A_130 = arith.constant 15 : i32
      %get3A_131 = arith.index_cast %get3A_130 : i32 to index
      %get3A_132 = arith.index_cast %mul3A_129 : i32 to index
      %get3A_133 = tpu.vector_load %arg8[%get3A_131, %get3A_132] {strides = array<i32>} : memref<16x640xf32, #tpu.memory_space<vmem>>, vector<16xf32>,
      %add3A_134 = arith.addf %add3A_127, %get3A_133 : vector<16xf32>
      %mul3A_135 = arith.constant 16 : i32
      %mul3A_136 = arith.muli %scan3A_21, %mul3A_135 : i32
      %swap3A = arith.index_cast %mul3A_136 : i32 to index
      %swap3A_137 = tpu.vector_load %arg9[%swap3A] {strides = array<i32>} : memref<640xf32, #tpu.memory_space<vmem>>, vector<16xf32>,
      tpu.vector_store %arg9[%swap3A], %add3A_134 {strides = array<i32>} : memref<640xf32, #tpu.memory_space<vmem>>, vector<16xf32>,
    }
    %scan3A_18 = arith.constant 40 : i32
    %mul3A_19 = arith.constant 640 : i32
    %mul3A_20 = arith.muli %arg1, %mul3A_19 : i32
    "tpu.region"() ({
      %run_scoped3A_21 = tpu.sem_alloc : memref<!tpu.dma_semaphore, #tpu.memory_space<semaphore_mem>>
      %dma_start3A = tpu.memref_slice %arg4[%arg0, %mul3A_20] : memref<2x10240xf32, #tpu.memory_space<hbm>> -> memref<1x640xf32, #tpu.memory_space<hbm>>
      %dma_start3A_22 = tpu.memref_squeeze %dma_start3A : memref<1x640xf32, #tpu.memory_space<hbm>> -> memref<640xf32, #tpu.memory_space<hbm>>
      %dma_start3A_23 = tpu.memref_slice %arg4[%arg0, %mul3A_20] : memref<2x10240xf32, #tpu.memory_space<hbm>> -> memref<1x640xf32, #tpu.memory_space<hbm>>
      %dma_start3A_24 = tpu.memref_squeeze %dma_start3A_23 : memref<1x640xf32, #tpu.memory_space<hbm>> -> memref<640xf32, #tpu.memory_space<hbm>>
      tpu.enqueue_dma source(%arg9 : memref<640xf32, #tpu.memory_space<vmem>>) target(%dma_start3A_24 : memref<640xf32, #tpu.memory_space<hbm>>) target_semaphore(%run_scoped3A_21 : memref<!tpu.dma_semaphore, #tpu.memory_space<semaphore_mem>>)
      %dma_wait3A = tpu.memref_slice %arg4[%arg0, %mul3A_20] : memref<2x10240xf32, #tpu.memory_space<hbm>> -> memref<1x640xf32, #tpu.memory_space<hbm>>
      %dma_wait3A_25 = tpu.memref_squeeze %dma_wait3A : memref<1x640xf32, #tpu.memory_space<hbm>> -> memref<640xf32, #tpu.memory_space<hbm>>
      %dma_wait3A_26 = tpu.memref_slice %arg4[%arg0, %mul3A_20] : memref<2x10240xf32, #tpu.memory_space<hbm>> -> memref<1x640xf32, #tpu.memory_space<hbm>>
      %dma_wait3A_27 = tpu.memref_squeeze %dma_wait3A_26 : memref<1x640xf32, #tpu.memory_space<hbm>> -> memref<640xf32, #tpu.memory_space<hbm>>
      tpu.wait_dma2 semaphore(%run_scoped3A_21 : memref<!tpu.dma_semaphore, #tpu.memory_space<semaphore_mem>>) src(%arg9 : memref<640xf32, #tpu.memory_space<vmem>>) dst(%dma_wait3A_27 : memref<640xf32, #tpu.memory_space<hbm>>)
      tpu.yield
    }) : () -> ()
    return
  }
}

#map = affine_map<(d0, d1) -> (0, 0)>
#map1 = affine_map<(d0, d1) -> (0, 0, 0)>
module attributes {stable_mosaic.version = 14 : i64} {
  func.func @_sc_edge_pass(%arg0: i32, %arg1: i32, %arg2: memref<20000x64xf32, #tpu.memory_space<hbm>>, %arg3: memref<2x320000xi32, #tpu.memory_space<hbm>>, %arg4: memref<640x64xf32, #tpu.memory_space<hbm>>, %arg5: memref<2x10240x128xf32, #tpu.memory_space<hbm>>, %arg6: memref<9984xi32, #tpu.memory_space<vmem>>, %arg7: memref<128xi32, #tpu.memory_space<vmem>>, %arg8: memref<128xi32, #tpu.memory_space<vmem>>, %arg9: memref<128xi32, #tpu.memory_space<vmem>>, %arg10: memref<128xi32, #tpu.memory_space<vmem>>, %arg11: memref<128xi32, #tpu.memory_space<vmem>>, %arg12: memref<128xi32, #tpu.memory_space<vmem>>, %arg13: memref<128xi32, #tpu.memory_space<vmem>>, %arg14: memref<128x64xf32, #tpu.memory_space<vmem>>, %arg15: memref<128x64xf32, #tpu.memory_space<vmem>>, %arg16: memref<128x64xf32, #tpu.memory_space<vmem>>, %arg17: memref<128x64xf32, #tpu.memory_space<vmem>>, %arg18: memref<128x64xf32, #tpu.memory_space<vmem>>, %arg19: memref<128x64xf32, #tpu.memory_space<vmem>>, %arg20: memref<10240x64xf32, #tpu.memory_space<vmem_shared>>, %arg21: memref<!tpu.dma_semaphore, #tpu.memory_space<semaphore_mem>>, %arg22: memref<!tpu.dma_semaphore, #tpu.memory_space<semaphore_mem>>, %arg23: memref<!tpu.dma_semaphore, #tpu.memory_space<semaphore_mem>>, %arg24: memref<!tpu.dma_semaphore, #tpu.memory_space<semaphore_mem>>, %arg25: memref<!tpu.dma_semaphore, #tpu.memory_space<semaphore_mem>>, %arg26: memref<!tpu.dma_semaphore, #tpu.memory_space<semaphore_mem>>, %arg27: memref<!tpu.dma_semaphore, #tpu.memory_space<semaphore_mem>>, %arg28: memref<!tpu.dma_semaphore, #tpu.memory_space<semaphore_mem>>, %arg29: memref<!tpu.dma_semaphore, #tpu.memory_space<semaphore_mem>>, %arg30: memref<!tpu.dma_semaphore, #tpu.memory_space<semaphore_mem>>, %arg31: memref<!tpu.dma_semaphore, #tpu.memory_space<semaphore_mem>>, %arg32: memref<!tpu.dma_semaphore, #tpu.memory_space<semaphore_mem>>, %arg33: memref<!tpu.dma_semaphore, #tpu.memory_space<semaphore_mem>>) attributes {dimension_semantics = [#tpu.dimension_semantics<core_parallel>, #tpu.dimension_semantics<subcore_parallel>], iteration_bounds = array<i64: 2, 16>, scalar_prefetch = 0 : i64, scratch_operands = 28 : i64, tpu.core_type = #tpu.core_type<sc_vector_subcore>, window_params = [{transform_indices = #map}, {transform_indices = #map}, {transform_indices = #map}, {transform_indices = #map1}]} {
    %mul3A = arith.constant 16 : i32
    %mul3A_0 = arith.muli %arg0, %mul3A : i32
    %add3A = arith.addi %mul3A_0, %arg1 : i32
    %mul3A_1 = arith.constant 9984 : i32
    %mul3A_2 = arith.muli %add3A, %mul3A_1 : i32
    %run_scoped3A = arith.constant 0 : i32
    "tpu.region"() ({
      %run_scoped3A_23 = tpu.sem_alloc : memref<!tpu.dma_semaphore, #tpu.memory_space<semaphore_mem>>
      %dma_start3A = tpu.memref_slice %arg3[%run_scoped3A, %mul3A_2] : memref<2x320000xi32, #tpu.memory_space<hbm>> -> memref<1x9984xi32, #tpu.memory_space<hbm>>
      %dma_start3A_24 = tpu.memref_squeeze %dma_start3A : memref<1x9984xi32, #tpu.memory_space<hbm>> -> memref<9984xi32, #tpu.memory_space<hbm>>
      %dma_start3A_25 = tpu.memref_slice %arg3[%run_scoped3A, %mul3A_2] : memref<2x320000xi32, #tpu.memory_space<hbm>> -> memref<1x9984xi32, #tpu.memory_space<hbm>>
      %dma_start3A_26 = tpu.memref_squeeze %dma_start3A_25 : memref<1x9984xi32, #tpu.memory_space<hbm>> -> memref<9984xi32, #tpu.memory_space<hbm>>
      tpu.enqueue_dma source(%dma_start3A_26 : memref<9984xi32, #tpu.memory_space<hbm>>) target(%arg6 : memref<9984xi32, #tpu.memory_space<vmem>>) target_semaphore(%run_scoped3A_23 : memref<!tpu.dma_semaphore, #tpu.memory_space<semaphore_mem>>)
      %dma_wait3A = tpu.memref_slice %arg3[%run_scoped3A, %mul3A_2] : memref<2x320000xi32, #tpu.memory_space<hbm>> -> memref<1x9984xi32, #tpu.memory_space<hbm>>
      %dma_wait3A_27 = tpu.memref_squeeze %dma_wait3A : memref<1x9984xi32, #tpu.memory_space<hbm>> -> memref<9984xi32, #tpu.memory_space<hbm>>
      %dma_wait3A_28 = tpu.memref_slice %arg3[%run_scoped3A, %mul3A_2] : memref<2x320000xi32, #tpu.memory_space<hbm>> -> memref<1x9984xi32, #tpu.memory_space<hbm>>
      %dma_wait3A_29 = tpu.memref_squeeze %dma_wait3A_28 : memref<1x9984xi32, #tpu.memory_space<hbm>> -> memref<9984xi32, #tpu.memory_space<hbm>>
      tpu.wait_dma2 semaphore(%run_scoped3A_23 : memref<!tpu.dma_semaphore, #tpu.memory_space<semaphore_mem>>) src(%dma_wait3A_29 : memref<9984xi32, #tpu.memory_space<hbm>>) dst(%arg6 : memref<9984xi32, #tpu.memory_space<vmem>>)
      tpu.yield
    }) : () -> ()
    %mul3A_3 = arith.constant 640 : i32
    %mul3A_4 = arith.muli %arg1, %mul3A_3 : i32
    "tpu.region"() ({
      %run_scoped3A_23 = tpu.sem_alloc : memref<!tpu.dma_semaphore, #tpu.memory_space<semaphore_mem>>
      %dma_start3A = arith.constant 0 : i32
      %dma_start3A_24 = tpu.memref_slice %arg20[%mul3A_4, %dma_start3A] : memref<10240x64xf32, #tpu.memory_space<vmem_shared>> -> memref<640x64xf32, #tpu.memory_space<vmem_shared>>
      tpu.enqueue_dma source(%arg4 : memref<640x64xf32, #tpu.memory_space<hbm>>) target(%dma_start3A_24 : memref<640x64xf32, #tpu.memory_space<vmem_shared>>) target_semaphore(%run_scoped3A_23 : memref<!tpu.dma_semaphore, #tpu.memory_space<semaphore_mem>>)
      %dma_wait3A = arith.constant 0 : i32
      %dma_wait3A_25 = tpu.memref_slice %arg20[%mul3A_4, %dma_wait3A] : memref<10240x64xf32, #tpu.memory_space<vmem_shared>> -> memref<640x64xf32, #tpu.memory_space<vmem_shared>>
      tpu.wait_dma2 semaphore(%run_scoped3A_23 : memref<!tpu.dma_semaphore, #tpu.memory_space<semaphore_mem>>) src(%arg4 : memref<640x64xf32, #tpu.memory_space<hbm>>) dst(%dma_wait3A_25 : memref<640x64xf32, #tpu.memory_space<vmem_shared>>)
      tpu.yield
    }) : () -> ()
    %scan3A = arith.constant 0 : i32
    %scan3A_5 = arith.constant 0 : i32
    %scan3A_6 = arith.constant 624 : i32
    %scan3A_7 = arith.addi %scan3A_5, %scan3A_6 : i32
    %scan3A_8 = arith.constant 1 : i32
    scf.for %scan3A_23 = %scan3A_5 to %scan3A_7 step %scan3A_8  : i32 {
      %mul3A_24 = arith.constant 16 : i32
      %mul3A_25 = arith.muli %scan3A_23, %mul3A_24 : i32
      %get3A = arith.index_cast %mul3A_25 : i32 to index
      %get3A_26 = tpu.vector_load %arg6[%get3A] {strides = array<i32>} : memref<9984xi32, #tpu.memory_space<vmem>>, vector<16xi32>,
      %add3A_27 = arith.addi %get3A_26, %get3A_26 : vector<16xi32>
      %mul3A_28 = arith.constant 16 : i32
      %mul3A_29 = arith.muli %scan3A_23, %mul3A_28 : i32
      %swap3A = arith.index_cast %mul3A_29 : i32 to index
      %swap3A_30 = tpu.vector_load %arg6[%swap3A] {strides = array<i32>} : memref<9984xi32, #tpu.memory_space<vmem>>, vector<16xi32>,
      %swap3A_31 = vector.shape_cast %swap3A_30 : vector<16xi32> to vector<16xi32>
      %swap3A_32 = vector.shape_cast %add3A_27 : vector<16xi32> to vector<16xi32>
      tpu.vector_store %arg6[%swap3A], %swap3A_32 {strides = array<i32>} : memref<9984xi32, #tpu.memory_space<vmem>>, vector<16xi32>,
    }
    %scan3A_9 = arith.constant 624 : i32
    %barrier3A = arith.constant 0 : index
    tpu.barrier barrier_id(%barrier3A)
    %scan3A_10 = arith.constant 0 : i32
    %scan3A_11 = arith.constant 0 : i32
    %scan3A_12 = arith.constant 13 : i32
    %scan3A_13 = arith.addi %scan3A_11, %scan3A_12 : i32
    %scan3A_14 = arith.constant 1 : i32
    scf.for %scan3A_23 = %scan3A_11 to %scan3A_13 step %scan3A_14  : i32 {
      %mul3A_24 = arith.constant 6 : i32
      %mul3A_25 = arith.muli %scan3A_23, %mul3A_24 : i32
      %add3A_26 = arith.constant 0 : i32
      %add3A_27 = arith.addi %mul3A_25, %add3A_26 : i32
      %mul3A_28 = arith.constant 128 : i32
      %mul3A_29 = arith.muli %add3A_27, %mul3A_28 : i32
      %add3A_30 = arith.addi %mul3A_2, %mul3A_29 : i32
      %dma_start3A = arith.constant 1 : i32
      %dma_start3A_31 = tpu.memref_slice %arg3[%dma_start3A, %add3A_30] : memref<2x320000xi32, #tpu.memory_space<hbm>> -> memref<1x128xi32, #tpu.memory_space<hbm>>
      %dma_start3A_32 = tpu.memref_squeeze %dma_start3A_31 : memref<1x128xi32, #tpu.memory_space<hbm>> -> memref<128xi32, #tpu.memory_space<hbm>>
      %dma_start3A_33 = tpu.memref_slice %arg3[%dma_start3A, %add3A_30] : memref<2x320000xi32, #tpu.memory_space<hbm>> -> memref<1x128xi32, #tpu.memory_space<hbm>>
      %dma_start3A_34 = tpu.memref_squeeze %dma_start3A_33 : memref<1x128xi32, #tpu.memory_space<hbm>> -> memref<128xi32, #tpu.memory_space<hbm>>
      tpu.enqueue_dma source(%dma_start3A_34 : memref<128xi32, #tpu.memory_space<hbm>>) target(%arg7 : memref<128xi32, #tpu.memory_space<vmem>>) target_semaphore(%arg27 : memref<!tpu.dma_semaphore, #tpu.memory_space<semaphore_mem>>)
      %mul3A_35 = arith.constant 128 : i32
      %mul3A_36 = arith.muli %add3A_27, %mul3A_35 : i32
      %dma_start3A_37 = tpu.memref_slice %arg6[%mul3A_36] : memref<9984xi32, #tpu.memory_space<vmem>> -> memref<128xi32, #tpu.memory_space<vmem>>
      %dma_start3A_38 = arith.constant 0 : i32
      %dma_start3A_39 = arith.constant 0 : i32
      %dma_start3A_40 = tpu.memref_slice %arg2[%dma_start3A_38, %dma_start3A_39] : memref<20000x64xf32, #tpu.memory_space<hbm>> -> memref<20000x64xf32, #tpu.memory_space<hbm>>
      tpu.enqueue_indirect_dma source(%dma_start3A_40 : memref<20000x64xf32, #tpu.memory_space<hbm>>) target(%arg14 : memref<128x64xf32, #tpu.memory_space<vmem>>) offsets(%dma_start3A_37 : memref<128xi32, #tpu.memory_space<vmem>>) semaphore(%arg21 : memref<!tpu.dma_semaphore, #tpu.memory_space<semaphore_mem>>)
      %mul3A_41 = arith.constant 6 : i32
      %mul3A_42 = arith.muli %scan3A_23, %mul3A_41 : i32
      %add3A_43 = arith.constant 1 : i32
      %add3A_44 = arith.addi %mul3A_42, %add3A_43 : i32
      %mul3A_45 = arith.constant 128 : i32
      %mul3A_46 = arith.muli %add3A_44, %mul3A_45 : i32
      %add3A_47 = arith.addi %mul3A_2, %mul3A_46 : i32
      %dma_start3A_48 = arith.constant 1 : i32
      %dma_start3A_49 = tpu.memref_slice %arg3[%dma_start3A_48, %add3A_47] : memref<2x320000xi32, #tpu.memory_space<hbm>> -> memref<1x128xi32, #tpu.memory_space<hbm>>
      %dma_start3A_50 = tpu.memref_squeeze %dma_start3A_49 : memref<1x128xi32, #tpu.memory_space<hbm>> -> memref<128xi32, #tpu.memory_space<hbm>>
      %dma_start3A_51 = tpu.memref_slice %arg3[%dma_start3A_48, %add3A_47] : memref<2x320000xi32, #tpu.memory_space<hbm>> -> memref<1x128xi32, #tpu.memory_space<hbm>>
      %dma_start3A_52 = tpu.memref_squeeze %dma_start3A_51 : memref<1x128xi32, #tpu.memory_space<hbm>> -> memref<128xi32, #tpu.memory_space<hbm>>
      tpu.enqueue_dma source(%dma_start3A_52 : memref<128xi32, #tpu.memory_space<hbm>>) target(%arg8 : memref<128xi32, #tpu.memory_space<vmem>>) target_semaphore(%arg28 : memref<!tpu.dma_semaphore, #tpu.memory_space<semaphore_mem>>)
      %mul3A_53 = arith.constant 128 : i32
      %mul3A_54 = arith.muli %add3A_44, %mul3A_53 : i32
      %dma_start3A_55 = tpu.memref_slice %arg6[%mul3A_54] : memref<9984xi32, #tpu.memory_space<vmem>> -> memref<128xi32, #tpu.memory_space<vmem>>
      %dma_start3A_56 = arith.constant 0 : i32
      %dma_start3A_57 = arith.constant 0 : i32
      %dma_start3A_58 = tpu.memref_slice %arg2[%dma_start3A_56, %dma_start3A_57] : memref<20000x64xf32, #tpu.memory_space<hbm>> -> memref<20000x64xf32, #tpu.memory_space<hbm>>
      tpu.enqueue_indirect_dma source(%dma_start3A_58 : memref<20000x64xf32, #tpu.memory_space<hbm>>) target(%arg15 : memref<128x64xf32, #tpu.memory_space<vmem>>) offsets(%dma_start3A_55 : memref<128xi32, #tpu.memory_space<vmem>>) semaphore(%arg22 : memref<!tpu.dma_semaphore, #tpu.memory_space<semaphore_mem>>)
      %mul3A_59 = arith.constant 6 : i32
      %mul3A_60 = arith.muli %scan3A_23, %mul3A_59 : i32
      %add3A_61 = arith.constant 2 : i32
      %add3A_62 = arith.addi %mul3A_60, %add3A_61 : i32
      %mul3A_63 = arith.constant 128 : i32
      %mul3A_64 = arith.muli %add3A_62, %mul3A_63 : i32
      %add3A_65 = arith.addi %mul3A_2, %mul3A_64 : i32
      %dma_start3A_66 = arith.constant 1 : i32
      %dma_start3A_67 = tpu.memref_slice %arg3[%dma_start3A_66, %add3A_65] : memref<2x320000xi32, #tpu.memory_space<hbm>> -> memref<1x128xi32, #tpu.memory_space<hbm>>
      %dma_start3A_68 = tpu.memref_squeeze %dma_start3A_67 : memref<1x128xi32, #tpu.memory_space<hbm>> -> memref<128xi32, #tpu.memory_space<hbm>>
      %dma_start3A_69 = tpu.memref_slice %arg3[%dma_start3A_66, %add3A_65] : memref<2x320000xi32, #tpu.memory_space<hbm>> -> memref<1x128xi32, #tpu.memory_space<hbm>>
      %dma_start3A_70 = tpu.memref_squeeze %dma_start3A_69 : memref<1x128xi32, #tpu.memory_space<hbm>> -> memref<128xi32, #tpu.memory_space<hbm>>
      tpu.enqueue_dma source(%dma_start3A_70 : memref<128xi32, #tpu.memory_space<hbm>>) target(%arg9 : memref<128xi32, #tpu.memory_space<vmem>>) target_semaphore(%arg29 : memref<!tpu.dma_semaphore, #tpu.memory_space<semaphore_mem>>)
      %mul3A_71 = arith.constant 128 : i32
      %mul3A_72 = arith.muli %add3A_62, %mul3A_71 : i32
      %dma_start3A_73 = tpu.memref_slice %arg6[%mul3A_72] : memref<9984xi32, #tpu.memory_space<vmem>> -> memref<128xi32, #tpu.memory_space<vmem>>
      %dma_start3A_74 = arith.constant 0 : i32
      %dma_start3A_75 = arith.constant 0 : i32
      %dma_start3A_76 = tpu.memref_slice %arg2[%dma_start3A_74, %dma_start3A_75] : memref<20000x64xf32, #tpu.memory_space<hbm>> -> memref<20000x64xf32, #tpu.memory_space<hbm>>
      tpu.enqueue_indirect_dma source(%dma_start3A_76 : memref<20000x64xf32, #tpu.memory_space<hbm>>) target(%arg16 : memref<128x64xf32, #tpu.memory_space<vmem>>) offsets(%dma_start3A_73 : memref<128xi32, #tpu.memory_space<vmem>>) semaphore(%arg23 : memref<!tpu.dma_semaphore, #tpu.memory_space<semaphore_mem>>)
      %mul3A_77 = arith.constant 6 : i32
      %mul3A_78 = arith.muli %scan3A_23, %mul3A_77 : i32
      %add3A_79 = arith.constant 3 : i32
      %add3A_80 = arith.addi %mul3A_78, %add3A_79 : i32
      %mul3A_81 = arith.constant 128 : i32
      %mul3A_82 = arith.muli %add3A_80, %mul3A_81 : i32
      %add3A_83 = arith.addi %mul3A_2, %mul3A_82 : i32
      %dma_start3A_84 = arith.constant 1 : i32
      %dma_start3A_85 = tpu.memref_slice %arg3[%dma_start3A_84, %add3A_83] : memref<2x320000xi32, #tpu.memory_space<hbm>> -> memref<1x128xi32, #tpu.memory_space<hbm>>
      %dma_start3A_86 = tpu.memref_squeeze %dma_start3A_85 : memref<1x128xi32, #tpu.memory_space<hbm>> -> memref<128xi32, #tpu.memory_space<hbm>>
      %dma_start3A_87 = tpu.memref_slice %arg3[%dma_start3A_84, %add3A_83] : memref<2x320000xi32, #tpu.memory_space<hbm>> -> memref<1x128xi32, #tpu.memory_space<hbm>>
      %dma_start3A_88 = tpu.memref_squeeze %dma_start3A_87 : memref<1x128xi32, #tpu.memory_space<hbm>> -> memref<128xi32, #tpu.memory_space<hbm>>
      tpu.enqueue_dma source(%dma_start3A_88 : memref<128xi32, #tpu.memory_space<hbm>>) target(%arg10 : memref<128xi32, #tpu.memory_space<vmem>>) target_semaphore(%arg30 : memref<!tpu.dma_semaphore, #tpu.memory_space<semaphore_mem>>)
      %mul3A_89 = arith.constant 128 : i32
      %mul3A_90 = arith.muli %add3A_80, %mul3A_89 : i32
      %dma_start3A_91 = tpu.memref_slice %arg6[%mul3A_90] : memref<9984xi32, #tpu.memory_space<vmem>> -> memref<128xi32, #tpu.memory_space<vmem>>
      %dma_start3A_92 = arith.constant 0 : i32
      %dma_start3A_93 = arith.constant 0 : i32
      %dma_start3A_94 = tpu.memref_slice %arg2[%dma_start3A_92, %dma_start3A_93] : memref<20000x64xf32, #tpu.memory_space<hbm>> -> memref<20000x64xf32, #tpu.memory_space<hbm>>
      tpu.enqueue_indirect_dma source(%dma_start3A_94 : memref<20000x64xf32, #tpu.memory_space<hbm>>) target(%arg17 : memref<128x64xf32, #tpu.memory_space<vmem>>) offsets(%dma_start3A_91 : memref<128xi32, #tpu.memory_space<vmem>>) semaphore(%arg24 : memref<!tpu.dma_semaphore, #tpu.memory_space<semaphore_mem>>)
      %mul3A_95 = arith.constant 6 : i32
      %mul3A_96 = arith.muli %scan3A_23, %mul3A_95 : i32
      %add3A_97 = arith.constant 4 : i32
      %add3A_98 = arith.addi %mul3A_96, %add3A_97 : i32
      %mul3A_99 = arith.constant 128 : i32
      %mul3A_100 = arith.muli %add3A_98, %mul3A_99 : i32
      %add3A_101 = arith.addi %mul3A_2, %mul3A_100 : i32
      %dma_start3A_102 = arith.constant 1 : i32
      %dma_start3A_103 = tpu.memref_slice %arg3[%dma_start3A_102, %add3A_101] : memref<2x320000xi32, #tpu.memory_space<hbm>> -> memref<1x128xi32, #tpu.memory_space<hbm>>
      %dma_start3A_104 = tpu.memref_squeeze %dma_start3A_103 : memref<1x128xi32, #tpu.memory_space<hbm>> -> memref<128xi32, #tpu.memory_space<hbm>>
      %dma_start3A_105 = tpu.memref_slice %arg3[%dma_start3A_102, %add3A_101] : memref<2x320000xi32, #tpu.memory_space<hbm>> -> memref<1x128xi32, #tpu.memory_space<hbm>>
      %dma_start3A_106 = tpu.memref_squeeze %dma_start3A_105 : memref<1x128xi32, #tpu.memory_space<hbm>> -> memref<128xi32, #tpu.memory_space<hbm>>
      tpu.enqueue_dma source(%dma_start3A_106 : memref<128xi32, #tpu.memory_space<hbm>>) target(%arg11 : memref<128xi32, #tpu.memory_space<vmem>>) target_semaphore(%arg31 : memref<!tpu.dma_semaphore, #tpu.memory_space<semaphore_mem>>)
      %mul3A_107 = arith.constant 128 : i32
      %mul3A_108 = arith.muli %add3A_98, %mul3A_107 : i32
      %dma_start3A_109 = tpu.memref_slice %arg6[%mul3A_108] : memref<9984xi32, #tpu.memory_space<vmem>> -> memref<128xi32, #tpu.memory_space<vmem>>
      %dma_start3A_110 = arith.constant 0 : i32
      %dma_start3A_111 = arith.constant 0 : i32
      %dma_start3A_112 = tpu.memref_slice %arg2[%dma_start3A_110, %dma_start3A_111] : memref<20000x64xf32, #tpu.memory_space<hbm>> -> memref<20000x64xf32, #tpu.memory_space<hbm>>
      tpu.enqueue_indirect_dma source(%dma_start3A_112 : memref<20000x64xf32, #tpu.memory_space<hbm>>) target(%arg18 : memref<128x64xf32, #tpu.memory_space<vmem>>) offsets(%dma_start3A_109 : memref<128xi32, #tpu.memory_space<vmem>>) semaphore(%arg25 : memref<!tpu.dma_semaphore, #tpu.memory_space<semaphore_mem>>)
      %mul3A_113 = arith.constant 6 : i32
      %mul3A_114 = arith.muli %scan3A_23, %mul3A_113 : i32
      %add3A_115 = arith.constant 5 : i32
      %add3A_116 = arith.addi %mul3A_114, %add3A_115 : i32
      %mul3A_117 = arith.constant 128 : i32
      %mul3A_118 = arith.muli %add3A_116, %mul3A_117 : i32
      %add3A_119 = arith.addi %mul3A_2, %mul3A_118 : i32
      %dma_start3A_120 = arith.constant 1 : i32
      %dma_start3A_121 = tpu.memref_slice %arg3[%dma_start3A_120, %add3A_119] : memref<2x320000xi32, #tpu.memory_space<hbm>> -> memref<1x128xi32, #tpu.memory_space<hbm>>
      %dma_start3A_122 = tpu.memref_squeeze %dma_start3A_121 : memref<1x128xi32, #tpu.memory_space<hbm>> -> memref<128xi32, #tpu.memory_space<hbm>>
      %dma_start3A_123 = tpu.memref_slice %arg3[%dma_start3A_120, %add3A_119] : memref<2x320000xi32, #tpu.memory_space<hbm>> -> memref<1x128xi32, #tpu.memory_space<hbm>>
      %dma_start3A_124 = tpu.memref_squeeze %dma_start3A_123 : memref<1x128xi32, #tpu.memory_space<hbm>> -> memref<128xi32, #tpu.memory_space<hbm>>
      tpu.enqueue_dma source(%dma_start3A_124 : memref<128xi32, #tpu.memory_space<hbm>>) target(%arg12 : memref<128xi32, #tpu.memory_space<vmem>>) target_semaphore(%arg32 : memref<!tpu.dma_semaphore, #tpu.memory_space<semaphore_mem>>)
      %mul3A_125 = arith.constant 128 : i32
      %mul3A_126 = arith.muli %add3A_116, %mul3A_125 : i32
      %dma_start3A_127 = tpu.memref_slice %arg6[%mul3A_126] : memref<9984xi32, #tpu.memory_space<vmem>> -> memref<128xi32, #tpu.memory_space<vmem>>
      %dma_start3A_128 = arith.constant 0 : i32
      %dma_start3A_129 = arith.constant 0 : i32
      %dma_start3A_130 = tpu.memref_slice %arg2[%dma_start3A_128, %dma_start3A_129] : memref<20000x64xf32, #tpu.memory_space<hbm>> -> memref<20000x64xf32, #tpu.memory_space<hbm>>
      tpu.enqueue_indirect_dma source(%dma_start3A_130 : memref<20000x64xf32, #tpu.memory_space<hbm>>) target(%arg19 : memref<128x64xf32, #tpu.memory_space<vmem>>) offsets(%dma_start3A_127 : memref<128xi32, #tpu.memory_space<vmem>>) semaphore(%arg26 : memref<!tpu.dma_semaphore, #tpu.memory_space<semaphore_mem>>)
      %dma_wait3A = tpu.memref_slice %arg6[%mul3A_36] : memref<9984xi32, #tpu.memory_space<vmem>> -> memref<128xi32, #tpu.memory_space<vmem>>
      %dma_wait3A_131 = arith.constant 0 : i32
      %dma_wait3A_132 = arith.constant 0 : i32
      %dma_wait3A_133 = tpu.memref_slice %arg2[%dma_wait3A_131, %dma_wait3A_132] : memref<20000x64xf32, #tpu.memory_space<hbm>> -> memref<20000x64xf32, #tpu.memory_space<hbm>>
      tpu.wait_indirect_dma semaphore(%arg21 : memref<!tpu.dma_semaphore, #tpu.memory_space<semaphore_mem>>) src(%dma_wait3A_133 : memref<20000x64xf32, #tpu.memory_space<hbm>>) dst(%arg14 : memref<128x64xf32, #tpu.memory_space<vmem>>)
      %dma_wait3A_134 = arith.constant 1 : i32
      %dma_wait3A_135 = tpu.memref_slice %arg3[%dma_wait3A_134, %add3A_30] : memref<2x320000xi32, #tpu.memory_space<hbm>> -> memref<1x128xi32, #tpu.memory_space<hbm>>
      %dma_wait3A_136 = tpu.memref_squeeze %dma_wait3A_135 : memref<1x128xi32, #tpu.memory_space<hbm>> -> memref<128xi32, #tpu.memory_space<hbm>>
      %dma_wait3A_137 = tpu.memref_slice %arg3[%dma_wait3A_134, %add3A_30] : memref<2x320000xi32, #tpu.memory_space<hbm>> -> memref<1x128xi32, #tpu.memory_space<hbm>>
      %dma_wait3A_138 = tpu.memref_squeeze %dma_wait3A_137 : memref<1x128xi32, #tpu.memory_space<hbm>> -> memref<128xi32, #tpu.memory_space<hbm>>
      tpu.wait_dma2 semaphore(%arg27 : memref<!tpu.dma_semaphore, #tpu.memory_space<semaphore_mem>>) src(%dma_wait3A_138 : memref<128xi32, #tpu.memory_space<hbm>>) dst(%arg7 : memref<128xi32, #tpu.memory_space<vmem>>)
      %dma_start3A_139 = arith.constant 0 : i32
      %dma_start3A_140 = arith.constant 0 : i32
      %dma_start3A_141 = tpu.memref_slice %arg20[%dma_start3A_139, %dma_start3A_140] : memref<10240x64xf32, #tpu.memory_space<vmem_shared>> -> memref<10240x64xf32, #tpu.memory_space<vmem_shared>>
      tpu.enqueue_indirect_dma source(%arg14 : memref<128x64xf32, #tpu.memory_space<vmem>>) target(%dma_start3A_141 : memref<10240x64xf32, #tpu.memory_space<vmem_shared>>) offsets(%arg7 : memref<128xi32, #tpu.memory_space<vmem>>) semaphore(%arg33 : memref<!tpu.dma_semaphore, #tpu.memory_space<semaphore_mem>>) {add = true}
      %dma_wait3A_142 = tpu.memref_slice %arg6[%mul3A_54] : memref<9984xi32, #tpu.memory_space<vmem>> -> memref<128xi32, #tpu.memory_space<vmem>>
      %dma_wait3A_143 = arith.constant 0 : i32
      %dma_wait3A_144 = arith.constant 0 : i32
      %dma_wait3A_145 = tpu.memref_slice %arg2[%dma_wait3A_143, %dma_wait3A_144] : memref<20000x64xf32, #tpu.memory_space<hbm>> -> memref<20000x64xf32, #tpu.memory_space<hbm>>
      tpu.wait_indirect_dma semaphore(%arg22 : memref<!tpu.dma_semaphore, #tpu.memory_space<semaphore_mem>>) src(%dma_wait3A_145 : memref<20000x64xf32, #tpu.memory_space<hbm>>) dst(%arg15 : memref<128x64xf32, #tpu.memory_space<vmem>>)
      %dma_wait3A_146 = arith.constant 1 : i32
      %dma_wait3A_147 = tpu.memref_slice %arg3[%dma_wait3A_146, %add3A_47] : memref<2x320000xi32, #tpu.memory_space<hbm>> -> memref<1x128xi32, #tpu.memory_space<hbm>>
      %dma_wait3A_148 = tpu.memref_squeeze %dma_wait3A_147 : memref<1x128xi32, #tpu.memory_space<hbm>> -> memref<128xi32, #tpu.memory_space<hbm>>
      %dma_wait3A_149 = tpu.memref_slice %arg3[%dma_wait3A_146, %add3A_47] : memref<2x320000xi32, #tpu.memory_space<hbm>> -> memref<1x128xi32, #tpu.memory_space<hbm>>
      %dma_wait3A_150 = tpu.memref_squeeze %dma_wait3A_149 : memref<1x128xi32, #tpu.memory_space<hbm>> -> memref<128xi32, #tpu.memory_space<hbm>>
      tpu.wait_dma2 semaphore(%arg28 : memref<!tpu.dma_semaphore, #tpu.memory_space<semaphore_mem>>) src(%dma_wait3A_150 : memref<128xi32, #tpu.memory_space<hbm>>) dst(%arg8 : memref<128xi32, #tpu.memory_space<vmem>>)
      %dma_start3A_151 = arith.constant 0 : i32
      %dma_start3A_152 = arith.constant 0 : i32
      %dma_start3A_153 = tpu.memref_slice %arg20[%dma_start3A_151, %dma_start3A_152] : memref<10240x64xf32, #tpu.memory_space<vmem_shared>> -> memref<10240x64xf32, #tpu.memory_space<vmem_shared>>
      tpu.enqueue_indirect_dma source(%arg15 : memref<128x64xf32, #tpu.memory_space<vmem>>) target(%dma_start3A_153 : memref<10240x64xf32, #tpu.memory_space<vmem_shared>>) offsets(%arg8 : memref<128xi32, #tpu.memory_space<vmem>>) semaphore(%arg33 : memref<!tpu.dma_semaphore, #tpu.memory_space<semaphore_mem>>) {add = true}
      %dma_wait3A_154 = tpu.memref_slice %arg6[%mul3A_72] : memref<9984xi32, #tpu.memory_space<vmem>> -> memref<128xi32, #tpu.memory_space<vmem>>
      %dma_wait3A_155 = arith.constant 0 : i32
      %dma_wait3A_156 = arith.constant 0 : i32
      %dma_wait3A_157 = tpu.memref_slice %arg2[%dma_wait3A_155, %dma_wait3A_156] : memref<20000x64xf32, #tpu.memory_space<hbm>> -> memref<20000x64xf32, #tpu.memory_space<hbm>>
      tpu.wait_indirect_dma semaphore(%arg23 : memref<!tpu.dma_semaphore, #tpu.memory_space<semaphore_mem>>) src(%dma_wait3A_157 : memref<20000x64xf32, #tpu.memory_space<hbm>>) dst(%arg16 : memref<128x64xf32, #tpu.memory_space<vmem>>)
      %dma_wait3A_158 = arith.constant 1 : i32
      %dma_wait3A_159 = tpu.memref_slice %arg3[%dma_wait3A_158, %add3A_65] : memref<2x320000xi32, #tpu.memory_space<hbm>> -> memref<1x128xi32, #tpu.memory_space<hbm>>
      %dma_wait3A_160 = tpu.memref_squeeze %dma_wait3A_159 : memref<1x128xi32, #tpu.memory_space<hbm>> -> memref<128xi32, #tpu.memory_space<hbm>>
      %dma_wait3A_161 = tpu.memref_slice %arg3[%dma_wait3A_158, %add3A_65] : memref<2x320000xi32, #tpu.memory_space<hbm>> -> memref<1x128xi32, #tpu.memory_space<hbm>>
      %dma_wait3A_162 = tpu.memref_squeeze %dma_wait3A_161 : memref<1x128xi32, #tpu.memory_space<hbm>> -> memref<128xi32, #tpu.memory_space<hbm>>
      tpu.wait_dma2 semaphore(%arg29 : memref<!tpu.dma_semaphore, #tpu.memory_space<semaphore_mem>>) src(%dma_wait3A_162 : memref<128xi32, #tpu.memory_space<hbm>>) dst(%arg9 : memref<128xi32, #tpu.memory_space<vmem>>)
      %dma_start3A_163 = arith.constant 0 : i32
      %dma_start3A_164 = arith.constant 0 : i32
      %dma_start3A_165 = tpu.memref_slice %arg20[%dma_start3A_163, %dma_start3A_164] : memref<10240x64xf32, #tpu.memory_space<vmem_shared>> -> memref<10240x64xf32, #tpu.memory_space<vmem_shared>>
      tpu.enqueue_indirect_dma source(%arg16 : memref<128x64xf32, #tpu.memory_space<vmem>>) target(%dma_start3A_165 : memref<10240x64xf32, #tpu.memory_space<vmem_shared>>) offsets(%arg9 : memref<128xi32, #tpu.memory_space<vmem>>) semaphore(%arg33 : memref<!tpu.dma_semaphore, #tpu.memory_space<semaphore_mem>>) {add = true}
      %dma_wait3A_166 = tpu.memref_slice %arg6[%mul3A_90] : memref<9984xi32, #tpu.memory_space<vmem>> -> memref<128xi32, #tpu.memory_space<vmem>>
      %dma_wait3A_167 = arith.constant 0 : i32
      %dma_wait3A_168 = arith.constant 0 : i32
      %dma_wait3A_169 = tpu.memref_slice %arg2[%dma_wait3A_167, %dma_wait3A_168] : memref<20000x64xf32, #tpu.memory_space<hbm>> -> memref<20000x64xf32, #tpu.memory_space<hbm>>
      tpu.wait_indirect_dma semaphore(%arg24 : memref<!tpu.dma_semaphore, #tpu.memory_space<semaphore_mem>>) src(%dma_wait3A_169 : memref<20000x64xf32, #tpu.memory_space<hbm>>) dst(%arg17 : memref<128x64xf32, #tpu.memory_space<vmem>>)
      %dma_wait3A_170 = arith.constant 1 : i32
      %dma_wait3A_171 = tpu.memref_slice %arg3[%dma_wait3A_170, %add3A_83] : memref<2x320000xi32, #tpu.memory_space<hbm>> -> memref<1x128xi32, #tpu.memory_space<hbm>>
      %dma_wait3A_172 = tpu.memref_squeeze %dma_wait3A_171 : memref<1x128xi32, #tpu.memory_space<hbm>> -> memref<128xi32, #tpu.memory_space<hbm>>
      %dma_wait3A_173 = tpu.memref_slice %arg3[%dma_wait3A_170, %add3A_83] : memref<2x320000xi32, #tpu.memory_space<hbm>> -> memref<1x128xi32, #tpu.memory_space<hbm>>
      %dma_wait3A_174 = tpu.memref_squeeze %dma_wait3A_173 : memref<1x128xi32, #tpu.memory_space<hbm>> -> memref<128xi32, #tpu.memory_space<hbm>>
      tpu.wait_dma2 semaphore(%arg30 : memref<!tpu.dma_semaphore, #tpu.memory_space<semaphore_mem>>) src(%dma_wait3A_174 : memref<128xi32, #tpu.memory_space<hbm>>) dst(%arg10 : memref<128xi32, #tpu.memory_space<vmem>>)
      %dma_start3A_175 = arith.constant 0 : i32
      %dma_start3A_176 = arith.constant 0 : i32
      %dma_start3A_177 = tpu.memref_slice %arg20[%dma_start3A_175, %dma_start3A_176] : memref<10240x64xf32, #tpu.memory_space<vmem_shared>> -> memref<10240x64xf32, #tpu.memory_space<vmem_shared>>
      tpu.enqueue_indirect_dma source(%arg17 : memref<128x64xf32, #tpu.memory_space<vmem>>) target(%dma_start3A_177 : memref<10240x64xf32, #tpu.memory_space<vmem_shared>>) offsets(%arg10 : memref<128xi32, #tpu.memory_space<vmem>>) semaphore(%arg33 : memref<!tpu.dma_semaphore, #tpu.memory_space<semaphore_mem>>) {add = true}
      %dma_wait3A_178 = tpu.memref_slice %arg6[%mul3A_108] : memref<9984xi32, #tpu.memory_space<vmem>> -> memref<128xi32, #tpu.memory_space<vmem>>
      %dma_wait3A_179 = arith.constant 0 : i32
      %dma_wait3A_180 = arith.constant 0 : i32
      %dma_wait3A_181 = tpu.memref_slice %arg2[%dma_wait3A_179, %dma_wait3A_180] : memref<20000x64xf32, #tpu.memory_space<hbm>> -> memref<20000x64xf32, #tpu.memory_space<hbm>>
      tpu.wait_indirect_dma semaphore(%arg25 : memref<!tpu.dma_semaphore, #tpu.memory_space<semaphore_mem>>) src(%dma_wait3A_181 : memref<20000x64xf32, #tpu.memory_space<hbm>>) dst(%arg18 : memref<128x64xf32, #tpu.memory_space<vmem>>)
      %dma_wait3A_182 = arith.constant 1 : i32
      %dma_wait3A_183 = tpu.memref_slice %arg3[%dma_wait3A_182, %add3A_101] : memref<2x320000xi32, #tpu.memory_space<hbm>> -> memref<1x128xi32, #tpu.memory_space<hbm>>
      %dma_wait3A_184 = tpu.memref_squeeze %dma_wait3A_183 : memref<1x128xi32, #tpu.memory_space<hbm>> -> memref<128xi32, #tpu.memory_space<hbm>>
      %dma_wait3A_185 = tpu.memref_slice %arg3[%dma_wait3A_182, %add3A_101] : memref<2x320000xi32, #tpu.memory_space<hbm>> -> memref<1x128xi32, #tpu.memory_space<hbm>>
      %dma_wait3A_186 = tpu.memref_squeeze %dma_wait3A_185 : memref<1x128xi32, #tpu.memory_space<hbm>> -> memref<128xi32, #tpu.memory_space<hbm>>
      tpu.wait_dma2 semaphore(%arg31 : memref<!tpu.dma_semaphore, #tpu.memory_space<semaphore_mem>>) src(%dma_wait3A_186 : memref<128xi32, #tpu.memory_space<hbm>>) dst(%arg11 : memref<128xi32, #tpu.memory_space<vmem>>)
      %dma_start3A_187 = arith.constant 0 : i32
      %dma_start3A_188 = arith.constant 0 : i32
      %dma_start3A_189 = tpu.memref_slice %arg20[%dma_start3A_187, %dma_start3A_188] : memref<10240x64xf32, #tpu.memory_space<vmem_shared>> -> memref<10240x64xf32, #tpu.memory_space<vmem_shared>>
      tpu.enqueue_indirect_dma source(%arg18 : memref<128x64xf32, #tpu.memory_space<vmem>>) target(%dma_start3A_189 : memref<10240x64xf32, #tpu.memory_space<vmem_shared>>) offsets(%arg11 : memref<128xi32, #tpu.memory_space<vmem>>) semaphore(%arg33 : memref<!tpu.dma_semaphore, #tpu.memory_space<semaphore_mem>>) {add = true}
      %dma_wait3A_190 = tpu.memref_slice %arg6[%mul3A_126] : memref<9984xi32, #tpu.memory_space<vmem>> -> memref<128xi32, #tpu.memory_space<vmem>>
      %dma_wait3A_191 = arith.constant 0 : i32
      %dma_wait3A_192 = arith.constant 0 : i32
      %dma_wait3A_193 = tpu.memref_slice %arg2[%dma_wait3A_191, %dma_wait3A_192] : memref<20000x64xf32, #tpu.memory_space<hbm>> -> memref<20000x64xf32, #tpu.memory_space<hbm>>
      tpu.wait_indirect_dma semaphore(%arg26 : memref<!tpu.dma_semaphore, #tpu.memory_space<semaphore_mem>>) src(%dma_wait3A_193 : memref<20000x64xf32, #tpu.memory_space<hbm>>) dst(%arg19 : memref<128x64xf32, #tpu.memory_space<vmem>>)
      %dma_wait3A_194 = arith.constant 1 : i32
      %dma_wait3A_195 = tpu.memref_slice %arg3[%dma_wait3A_194, %add3A_119] : memref<2x320000xi32, #tpu.memory_space<hbm>> -> memref<1x128xi32, #tpu.memory_space<hbm>>
      %dma_wait3A_196 = tpu.memref_squeeze %dma_wait3A_195 : memref<1x128xi32, #tpu.memory_space<hbm>> -> memref<128xi32, #tpu.memory_space<hbm>>
      %dma_wait3A_197 = tpu.memref_slice %arg3[%dma_wait3A_194, %add3A_119] : memref<2x320000xi32, #tpu.memory_space<hbm>> -> memref<1x128xi32, #tpu.memory_space<hbm>>
      %dma_wait3A_198 = tpu.memref_squeeze %dma_wait3A_197 : memref<1x128xi32, #tpu.memory_space<hbm>> -> memref<128xi32, #tpu.memory_space<hbm>>
      tpu.wait_dma2 semaphore(%arg32 : memref<!tpu.dma_semaphore, #tpu.memory_space<semaphore_mem>>) src(%dma_wait3A_198 : memref<128xi32, #tpu.memory_space<hbm>>) dst(%arg12 : memref<128xi32, #tpu.memory_space<vmem>>)
      %dma_start3A_199 = arith.constant 0 : i32
      %dma_start3A_200 = arith.constant 0 : i32
      %dma_start3A_201 = tpu.memref_slice %arg20[%dma_start3A_199, %dma_start3A_200] : memref<10240x64xf32, #tpu.memory_space<vmem_shared>> -> memref<10240x64xf32, #tpu.memory_space<vmem_shared>>
      tpu.enqueue_indirect_dma source(%arg19 : memref<128x64xf32, #tpu.memory_space<vmem>>) target(%dma_start3A_201 : memref<10240x64xf32, #tpu.memory_space<vmem_shared>>) offsets(%arg12 : memref<128xi32, #tpu.memory_space<vmem>>) semaphore(%arg33 : memref<!tpu.dma_semaphore, #tpu.memory_space<semaphore_mem>>) {add = true}
      %dma_wait3A_202 = arith.constant 0 : i32
      %dma_wait3A_203 = arith.constant 0 : i32
      %dma_wait3A_204 = tpu.memref_slice %arg20[%dma_wait3A_202, %dma_wait3A_203] : memref<10240x64xf32, #tpu.memory_space<vmem_shared>> -> memref<10240x64xf32, #tpu.memory_space<vmem_shared>>
      tpu.wait_indirect_dma semaphore(%arg33 : memref<!tpu.dma_semaphore, #tpu.memory_space<semaphore_mem>>) src(%arg14 : memref<128x64xf32, #tpu.memory_space<vmem>>) dst(%dma_wait3A_204 : memref<10240x64xf32, #tpu.memory_space<vmem_shared>>)
      %dma_wait3A_205 = arith.constant 0 : i32
      %dma_wait3A_206 = arith.constant 0 : i32
      %dma_wait3A_207 = tpu.memref_slice %arg20[%dma_wait3A_205, %dma_wait3A_206] : memref<10240x64xf32, #tpu.memory_space<vmem_shared>> -> memref<10240x64xf32, #tpu.memory_space<vmem_shared>>
      tpu.wait_indirect_dma semaphore(%arg33 : memref<!tpu.dma_semaphore, #tpu.memory_space<semaphore_mem>>) src(%arg15 : memref<128x64xf32, #tpu.memory_space<vmem>>) dst(%dma_wait3A_207 : memref<10240x64xf32, #tpu.memory_space<vmem_shared>>)
      %dma_wait3A_208 = arith.constant 0 : i32
      %dma_wait3A_209 = arith.constant 0 : i32
      %dma_wait3A_210 = tpu.memref_slice %arg20[%dma_wait3A_208, %dma_wait3A_209] : memref<10240x64xf32, #tpu.memory_space<vmem_shared>> -> memref<10240x64xf32, #tpu.memory_space<vmem_shared>>
      tpu.wait_indirect_dma semaphore(%arg33 : memref<!tpu.dma_semaphore, #tpu.memory_space<semaphore_mem>>) src(%arg16 : memref<128x64xf32, #tpu.memory_space<vmem>>) dst(%dma_wait3A_210 : memref<10240x64xf32, #tpu.memory_space<vmem_shared>>)
      %dma_wait3A_211 = arith.constant 0 : i32
      %dma_wait3A_212 = arith.constant 0 : i32
      %dma_wait3A_213 = tpu.memref_slice %arg20[%dma_wait3A_211, %dma_wait3A_212] : memref<10240x64xf32, #tpu.memory_space<vmem_shared>> -> memref<10240x64xf32, #tpu.memory_space<vmem_shared>>
      tpu.wait_indirect_dma semaphore(%arg33 : memref<!tpu.dma_semaphore, #tpu.memory_space<semaphore_mem>>) src(%arg17 : memref<128x64xf32, #tpu.memory_space<vmem>>) dst(%dma_wait3A_213 : memref<10240x64xf32, #tpu.memory_space<vmem_shared>>)
      %dma_wait3A_214 = arith.constant 0 : i32
      %dma_wait3A_215 = arith.constant 0 : i32
      %dma_wait3A_216 = tpu.memref_slice %arg20[%dma_wait3A_214, %dma_wait3A_215] : memref<10240x64xf32, #tpu.memory_space<vmem_shared>> -> memref<10240x64xf32, #tpu.memory_space<vmem_shared>>
      tpu.wait_indirect_dma semaphore(%arg33 : memref<!tpu.dma_semaphore, #tpu.memory_space<semaphore_mem>>) src(%arg18 : memref<128x64xf32, #tpu.memory_space<vmem>>) dst(%dma_wait3A_216 : memref<10240x64xf32, #tpu.memory_space<vmem_shared>>)
      %dma_wait3A_217 = arith.constant 0 : i32
      %dma_wait3A_218 = arith.constant 0 : i32
      %dma_wait3A_219 = tpu.memref_slice %arg20[%dma_wait3A_217, %dma_wait3A_218] : memref<10240x64xf32, #tpu.memory_space<vmem_shared>> -> memref<10240x64xf32, #tpu.memory_space<vmem_shared>>
      tpu.wait_indirect_dma semaphore(%arg33 : memref<!tpu.dma_semaphore, #tpu.memory_space<semaphore_mem>>) src(%arg19 : memref<128x64xf32, #tpu.memory_space<vmem>>) dst(%dma_wait3A_219 : memref<10240x64xf32, #tpu.memory_space<vmem_shared>>)
    }
    %scan3A_15 = arith.constant 13 : i32
    %lt3A = arith.constant 4 : i32
    %lt3A_16 = arith.cmpi slt, %add3A, %lt3A : i32
    %convert_element_type3A = arith.extui %lt3A_16 : i1 to i32
    %cond3A = arith.constant 0 : i32
    %cond3A_17 = arith.cmpi ne, %convert_element_type3A, %cond3A : i32
    scf.if %cond3A_17 {
      %add3A_23 = arith.constant 2496 : i32
      %add3A_24 = arith.addi %add3A_23, %add3A : i32
      %mul3A_25 = arith.constant 128 : i32
      %mul3A_26 = arith.muli %add3A_24, %mul3A_25 : i32
      %run_scoped3A_27 = arith.constant 0 : i32
      "tpu.region"() ({
        %run_scoped3A_39 = tpu.sem_alloc : memref<!tpu.dma_semaphore, #tpu.memory_space<semaphore_mem>>
        %dma_start3A_40 = tpu.memref_slice %arg3[%run_scoped3A_27, %mul3A_26] : memref<2x320000xi32, #tpu.memory_space<hbm>> -> memref<1x128xi32, #tpu.memory_space<hbm>>
        %dma_start3A_41 = tpu.memref_squeeze %dma_start3A_40 : memref<1x128xi32, #tpu.memory_space<hbm>> -> memref<128xi32, #tpu.memory_space<hbm>>
        %dma_start3A_42 = tpu.memref_slice %arg3[%run_scoped3A_27, %mul3A_26] : memref<2x320000xi32, #tpu.memory_space<hbm>> -> memref<1x128xi32, #tpu.memory_space<hbm>>
        %dma_start3A_43 = tpu.memref_squeeze %dma_start3A_42 : memref<1x128xi32, #tpu.memory_space<hbm>> -> memref<128xi32, #tpu.memory_space<hbm>>
        tpu.enqueue_dma source(%dma_start3A_43 : memref<128xi32, #tpu.memory_space<hbm>>) target(%arg13 : memref<128xi32, #tpu.memory_space<vmem>>) target_semaphore(%run_scoped3A_39 : memref<!tpu.dma_semaphore, #tpu.memory_space<semaphore_mem>>)
        %dma_wait3A_44 = tpu.memref_slice %arg3[%run_scoped3A_27, %mul3A_26] : memref<2x320000xi32, #tpu.memory_space<hbm>> -> memref<1x128xi32, #tpu.memory_space<hbm>>
        %dma_wait3A_45 = tpu.memref_squeeze %dma_wait3A_44 : memref<1x128xi32, #tpu.memory_space<hbm>> -> memref<128xi32, #tpu.memory_space<hbm>>
        %dma_wait3A_46 = tpu.memref_slice %arg3[%run_scoped3A_27, %mul3A_26] : memref<2x320000xi32, #tpu.memory_space<hbm>> -> memref<1x128xi32, #tpu.memory_space<hbm>>
        %dma_wait3A_47 = tpu.memref_squeeze %dma_wait3A_46 : memref<1x128xi32, #tpu.memory_space<hbm>> -> memref<128xi32, #tpu.memory_space<hbm>>
        tpu.wait_dma2 semaphore(%run_scoped3A_39 : memref<!tpu.dma_semaphore, #tpu.memory_space<semaphore_mem>>) src(%dma_wait3A_47 : memref<128xi32, #tpu.memory_space<hbm>>) dst(%arg13 : memref<128xi32, #tpu.memory_space<vmem>>)
        tpu.yield
      }) : () -> ()
      %scan3A_28 = arith.constant 0 : i32
      %scan3A_29 = arith.constant 0 : i32
      %scan3A_30 = arith.constant 8 : i32
      %scan3A_31 = arith.addi %scan3A_29, %scan3A_30 : i32
      %scan3A_32 = arith.constant 1 : i32
      scf.for %scan3A_39 = %scan3A_29 to %scan3A_31 step %scan3A_32  : i32 {
        %mul3A_40 = arith.constant 16 : i32
        %mul3A_41 = arith.muli %scan3A_39, %mul3A_40 : i32
        %get3A = arith.index_cast %mul3A_41 : i32 to index
        %get3A_42 = tpu.vector_load %arg13[%get3A] {strides = array<i32>} : memref<128xi32, #tpu.memory_space<vmem>>, vector<16xi32>,
        %add3A_43 = arith.addi %get3A_42, %get3A_42 : vector<16xi32>
        %mul3A_44 = arith.constant 16 : i32
        %mul3A_45 = arith.muli %scan3A_39, %mul3A_44 : i32
        %swap3A = arith.index_cast %mul3A_45 : i32 to index
        %swap3A_46 = tpu.vector_load %arg13[%swap3A] {strides = array<i32>} : memref<128xi32, #tpu.memory_space<vmem>>, vector<16xi32>,
        %swap3A_47 = vector.shape_cast %swap3A_46 : vector<16xi32> to vector<16xi32>
        %swap3A_48 = vector.shape_cast %add3A_43 : vector<16xi32> to vector<16xi32>
        tpu.vector_store %arg13[%swap3A], %swap3A_48 {strides = array<i32>} : memref<128xi32, #tpu.memory_space<vmem>>, vector<16xi32>,
      }
      %scan3A_33 = arith.constant 8 : i32
      %run_scoped3A_34 = arith.constant 1 : i32
      "tpu.region"() ({
        %run_scoped3A_39 = tpu.sem_alloc : memref<!tpu.dma_semaphore, #tpu.memory_space<semaphore_mem>>
        %dma_start3A_40 = tpu.memref_slice %arg3[%run_scoped3A_34, %mul3A_26] : memref<2x320000xi32, #tpu.memory_space<hbm>> -> memref<1x128xi32, #tpu.memory_space<hbm>>
        %dma_start3A_41 = tpu.memref_squeeze %dma_start3A_40 : memref<1x128xi32, #tpu.memory_space<hbm>> -> memref<128xi32, #tpu.memory_space<hbm>>
        %dma_start3A_42 = tpu.memref_slice %arg3[%run_scoped3A_34, %mul3A_26] : memref<2x320000xi32, #tpu.memory_space<hbm>> -> memref<1x128xi32, #tpu.memory_space<hbm>>
        %dma_start3A_43 = tpu.memref_squeeze %dma_start3A_42 : memref<1x128xi32, #tpu.memory_space<hbm>> -> memref<128xi32, #tpu.memory_space<hbm>>
        tpu.enqueue_dma source(%dma_start3A_43 : memref<128xi32, #tpu.memory_space<hbm>>) target(%arg7 : memref<128xi32, #tpu.memory_space<vmem>>) target_semaphore(%run_scoped3A_39 : memref<!tpu.dma_semaphore, #tpu.memory_space<semaphore_mem>>)
        %dma_wait3A_44 = tpu.memref_slice %arg3[%run_scoped3A_34, %mul3A_26] : memref<2x320000xi32, #tpu.memory_space<hbm>> -> memref<1x128xi32, #tpu.memory_space<hbm>>
        %dma_wait3A_45 = tpu.memref_squeeze %dma_wait3A_44 : memref<1x128xi32, #tpu.memory_space<hbm>> -> memref<128xi32, #tpu.memory_space<hbm>>
        %dma_wait3A_46 = tpu.memref_slice %arg3[%run_scoped3A_34, %mul3A_26] : memref<2x320000xi32, #tpu.memory_space<hbm>> -> memref<1x128xi32, #tpu.memory_space<hbm>>
        %dma_wait3A_47 = tpu.memref_squeeze %dma_wait3A_46 : memref<1x128xi32, #tpu.memory_space<hbm>> -> memref<128xi32, #tpu.memory_space<hbm>>
        tpu.wait_dma2 semaphore(%run_scoped3A_39 : memref<!tpu.dma_semaphore, #tpu.memory_space<semaphore_mem>>) src(%dma_wait3A_47 : memref<128xi32, #tpu.memory_space<hbm>>) dst(%arg7 : memref<128xi32, #tpu.memory_space<vmem>>)
        tpu.yield
      }) : () -> ()
      %dma_start3A = arith.constant 0 : i32
      %dma_start3A_35 = arith.constant 0 : i32
      %dma_start3A_36 = tpu.memref_slice %arg2[%dma_start3A, %dma_start3A_35] : memref<20000x64xf32, #tpu.memory_space<hbm>> -> memref<20000x64xf32, #tpu.memory_space<hbm>>
      tpu.enqueue_indirect_dma source(%dma_start3A_36 : memref<20000x64xf32, #tpu.memory_space<hbm>>) target(%arg14 : memref<128x64xf32, #tpu.memory_space<vmem>>) offsets(%arg13 : memref<128xi32, #tpu.memory_space<vmem>>) semaphore(%arg21 : memref<!tpu.dma_semaphore, #tpu.memory_space<semaphore_mem>>)
      %dma_wait3A = arith.constant 0 : i32
      %dma_wait3A_37 = arith.constant 0 : i32
      %dma_wait3A_38 = tpu.memref_slice %arg2[%dma_wait3A, %dma_wait3A_37] : memref<20000x64xf32, #tpu.memory_space<hbm>> -> memref<20000x64xf32, #tpu.memory_space<hbm>>
      tpu.wait_indirect_dma semaphore(%arg21 : memref<!tpu.dma_semaphore, #tpu.memory_space<semaphore_mem>>) src(%dma_wait3A_38 : memref<20000x64xf32, #tpu.memory_space<hbm>>) dst(%arg14 : memref<128x64xf32, #tpu.memory_space<vmem>>)
      "tpu.region"() ({
        %run_scoped3A_39 = tpu.sem_alloc : memref<!tpu.dma_semaphore, #tpu.memory_space<semaphore_mem>>
        %dma_start3A_40 = arith.constant 0 : i32
        %dma_start3A_41 = arith.constant 0 : i32
        %dma_start3A_42 = tpu.memref_slice %arg20[%dma_start3A_40, %dma_start3A_41] : memref<10240x64xf32, #tpu.memory_space<vmem_shared>> -> memref<10240x64xf32, #tpu.memory_space<vmem_shared>>
        tpu.enqueue_indirect_dma source(%arg14 : memref<128x64xf32, #tpu.memory_space<vmem>>) target(%dma_start3A_42 : memref<10240x64xf32, #tpu.memory_space<vmem_shared>>) offsets(%arg7 : memref<128xi32, #tpu.memory_space<vmem>>) semaphore(%run_scoped3A_39 : memref<!tpu.dma_semaphore, #tpu.memory_space<semaphore_mem>>) {add = true}
        %dma_wait3A_43 = arith.constant 0 : i32
        %dma_wait3A_44 = arith.constant 0 : i32
        %dma_wait3A_45 = tpu.memref_slice %arg20[%dma_wait3A_43, %dma_wait3A_44] : memref<10240x64xf32, #tpu.memory_space<vmem_shared>> -> memref<10240x64xf32, #tpu.memory_space<vmem_shared>>
        tpu.wait_indirect_dma semaphore(%run_scoped3A_39 : memref<!tpu.dma_semaphore, #tpu.memory_space<semaphore_mem>>) src(%arg14 : memref<128x64xf32, #tpu.memory_space<vmem>>) dst(%dma_wait3A_45 : memref<10240x64xf32, #tpu.memory_space<vmem_shared>>)
        tpu.yield
      }) : () -> ()
    } else {
    }
    %barrier3A_18 = arith.constant 0 : index
    tpu.barrier barrier_id(%barrier3A_18)
    %mul3A_19 = arith.constant 640 : i32
    %mul3A_20 = arith.muli %arg1, %mul3A_19 : i32
    %mul3A_21 = arith.constant 640 : i32
    %mul3A_22 = arith.muli %arg1, %mul3A_21 : i32
    "tpu.region"() ({
      %run_scoped3A_23 = tpu.sem_alloc : memref<!tpu.dma_semaphore, #tpu.memory_space<semaphore_mem>>
      %dma_start3A = arith.constant 0 : i32
      %dma_start3A_24 = tpu.memref_slice %arg5[%arg0, %mul3A_22, %dma_start3A] : memref<2x10240x128xf32, #tpu.memory_space<hbm>> -> memref<1x640x64xf32, #tpu.memory_space<hbm>>
      %dma_start3A_25 = tpu.memref_squeeze %dma_start3A_24 : memref<1x640x64xf32, #tpu.memory_space<hbm>> -> memref<640x64xf32, #tpu.memory_space<hbm>>
      %dma_start3A_26 = arith.constant 0 : i32
      %dma_start3A_27 = tpu.memref_slice %arg20[%mul3A_20, %dma_start3A_26] : memref<10240x64xf32, #tpu.memory_space<vmem_shared>> -> memref<640x64xf32, #tpu.memory_space<vmem_shared>>
      tpu.enqueue_dma source(%dma_start3A_27 : memref<640x64xf32, #tpu.memory_space<vmem_shared>>) target(%dma_start3A_25 : memref<640x64xf32, #tpu.memory_space<hbm>>) target_semaphore(%run_scoped3A_23 : memref<!tpu.dma_semaphore, #tpu.memory_space<semaphore_mem>>)
      %dma_wait3A = arith.constant 0 : i32
      %dma_wait3A_28 = tpu.memref_slice %arg5[%arg0, %mul3A_22, %dma_wait3A] : memref<2x10240x128xf32, #tpu.memory_space<hbm>> -> memref<1x640x64xf32, #tpu.memory_space<hbm>>
      %dma_wait3A_29 = tpu.memref_squeeze %dma_wait3A_28 : memref<1x640x64xf32, #tpu.memory_space<hbm>> -> memref<640x64xf32, #tpu.memory_space<hbm>>
      %dma_wait3A_30 = arith.constant 0 : i32
      %dma_wait3A_31 = tpu.memref_slice %arg20[%mul3A_20, %dma_wait3A_30] : memref<10240x64xf32, #tpu.memory_space<vmem_shared>> -> memref<640x64xf32, #tpu.memory_space<vmem_shared>>
      tpu.wait_dma2 semaphore(%run_scoped3A_23 : memref<!tpu.dma_semaphore, #tpu.memory_space<semaphore_mem>>) src(%dma_wait3A_31 : memref<640x64xf32, #tpu.memory_space<vmem_shared>>) dst(%dma_wait3A_29 : memref<640x64xf32, #tpu.memory_space<hbm>>)
      tpu.yield
    }) : () -> ()
    return
  }
}

module attributes {stable_mosaic.version = 14 : i64} {
  func.func @_tc_lin1_body(%arg0: i32, %arg1: memref<2000x128xf32, #tpu.memory_space<vmem>>, %arg2: memref<128x64xf32, #tpu.memory_space<vmem>>, %arg3: memref<2000x1xf32, #tpu.memory_space<vmem>>, %arg4: memref<2000x1xf32, #tpu.memory_space<vmem>>, %arg5: memref<2000x128xf32, #tpu.memory_space<vmem>>, %arg6: memref<2000x1xf32, #tpu.memory_space<vmem>>) attributes {dimension_semantics = [#tpu.dimension_semantics<arbitrary>], iteration_bounds = array<i64: 5>, scalar_prefetch = 0 : i64, scratch_operands = 0 : i64, tpu.core_type = #tpu.core_type<tc>, window_params = [{transform_indices = @transform_0, window_bounds = array<i64: 2000, 128>}, {pipeline_mode = #tpu.pipeline_mode<synchronous>, transform_indices = @transform_1, window_bounds = array<i64: 128, 64>}, {transform_indices = @transform_2, window_bounds = array<i64: 2000, 1>}, {transform_indices = @transform_3, window_bounds = array<i64: 2000, 1>}, {transform_indices = @transform_4, window_bounds = array<i64: 2000, 128>}, {transform_indices = @transform_5, window_bounds = array<i64: 2000, 1>}]} {
    %get3A = arith.constant 0 : index
    %get3A_0 = arith.constant 0 : index
    %get3A_1 = vector.load %arg3[%get3A, %get3A_0] : memref<2000x1xf32, #tpu.memory_space<vmem>>, vector<2000x1xf32>
    %get3A_2 = arith.constant 0 : index
    %get3A_3 = arith.constant 0 : index
    %get3A_4 = vector.load %arg4[%get3A_2, %get3A_3] : memref<2000x1xf32, #tpu.memory_space<vmem>>, vector<2000x1xf32>
    %add3A = arith.addf %get3A_1, %get3A_4 : vector<2000x1xf32>
    %add3A_5 = arith.constant 1.000000e+00 : f32
    %add3A_6 = vector.broadcast %add3A_5 : f32 to vector<2000x1xf32>
    %add3A_7 = arith.addf %add3A, %add3A_6 : vector<2000x1xf32>
    %rsqrt3A = math.rsqrt %add3A_7 : vector<2000x1xf32>
    %get3A_8 = arith.constant 0 : index
    %get3A_9 = arith.constant 0 : index
    %get3A_10 = vector.load %arg1[%get3A_8, %get3A_9] : memref<2000x128xf32, #tpu.memory_space<vmem>>, vector<2000x128xf32>
    %get3A_11 = arith.constant 0 : index
    %get3A_12 = arith.constant 0 : index
    %get3A_13 = vector.load %arg2[%get3A_11, %get3A_12] : memref<128x64xf32, #tpu.memory_space<vmem>>, vector<128x64xf32>
    %dot_general3A = arith.constant dense<0.000000e+00> : vector<2000x64xf32>
    %dot_general3A_14 = tpu.matmul %get3A_10, %get3A_13, %dot_general3A {dimension_numbers = #tpu.dot_dimension_numbers<[1], [0], [0], [1], [0, 0, 1, 1], [], []>, transpose_lhs_hint = false} : vector<2000x128xf32>, vector<128x64xf32>, vector<2000x64xf32> -> vector<2000x64xf32>
    %mul3A = vector.broadcast %rsqrt3A : vector<2000x1xf32> to vector<2000x64xf32>
    %mul3A_15 = arith.mulf %mul3A, %dot_general3A_14 : vector<2000x64xf32>
    %broadcast_in_dim3A = arith.constant 0.000000e+00 : f32
    %broadcast_in_dim3A_16 = vector.broadcast %broadcast_in_dim3A : f32 to vector<2000x64xf32>
    %concatenate3A = tpu.concatenate %mul3A_15, %broadcast_in_dim3A_16 in 1 : vector<2000x64xf32>, vector<2000x64xf32> -> vector<2000x128xf32>
    %swap3A = arith.constant 0 : index
    %swap3A_17 = arith.constant 0 : index
    %swap3A_18 = vector.load %arg5[%swap3A, %swap3A_17] : memref<2000x128xf32, #tpu.memory_space<vmem>>, vector<2000x128xf32>
    tpu.vector_store %arg5[%swap3A, %swap3A_17], %concatenate3A {strides = array<i32>} : memref<2000x128xf32, #tpu.memory_space<vmem>>, vector<2000x128xf32>,
    %swap3A_19 = arith.constant 0 : index
    %swap3A_20 = arith.constant 0 : index
    %swap3A_21 = vector.load %arg6[%swap3A_19, %swap3A_20] : memref<2000x1xf32, #tpu.memory_space<vmem>>, vector<2000x1xf32>
    tpu.vector_store %arg6[%swap3A_19, %swap3A_20], %rsqrt3A {strides = array<i32>} : memref<2000x1xf32, #tpu.memory_space<vmem>>, vector<2000x1xf32>,
    return
  }
  func.func @transform_0(%arg0: i32) -> (i32, i32) {
    %c0_i32 = arith.constant 0 : i32
    %c0_i32_0 = arith.constant 0 : i32
    return %arg0, %c0_i32 : i32, i32
  }
  func.func @transform_1(%arg0: i32) -> (i32, i32) {
    %c0_i32 = arith.constant 0 : i32
    %c0_i32_0 = arith.constant 0 : i32
    %c0_i32_1 = arith.constant 0 : i32
    return %c0_i32, %c0_i32_0 : i32, i32
  }
  func.func @transform_2(%arg0: i32) -> (i32, i32) {
    %c0_i32 = arith.constant 0 : i32
    %c0_i32_0 = arith.constant 0 : i32
    return %arg0, %c0_i32 : i32, i32
  }
  func.func @transform_3(%arg0: i32) -> (i32, i32) {
    %c0_i32 = arith.constant 0 : i32
    %c0_i32_0 = arith.constant 0 : i32
    return %arg0, %c0_i32 : i32, i32
  }
  func.func @transform_4(%arg0: i32) -> (i32, i32) {
    %c0_i32 = arith.constant 0 : i32
    %c0_i32_0 = arith.constant 0 : i32
    return %arg0, %c0_i32 : i32, i32
  }
  func.func @transform_5(%arg0: i32) -> (i32, i32) {
    %c0_i32 = arith.constant 0 : i32
    %c0_i32_0 = arith.constant 0 : i32
    return %arg0, %c0_i32 : i32, i32
  }
}

module attributes {stable_mosaic.version = 14 : i64} {
  func.func @_tc_fin_body(%arg0: i32, %arg1: memref<1x2000x128xf32, #tpu.memory_space<vmem>>, %arg2: memref<1x2000x128xf32, #tpu.memory_space<vmem>>, %arg3: memref<2000x128xf32, #tpu.memory_space<vmem>>, %arg4: memref<2000x1xf32, #tpu.memory_space<vmem>>, %arg5: memref<1x64xf32, #tpu.memory_space<vmem>>, %arg6: memref<2000x64xf32, #tpu.memory_space<vmem>>) attributes {dimension_semantics = [#tpu.dimension_semantics<arbitrary>], iteration_bounds = array<i64: 5>, scalar_prefetch = 0 : i64, scratch_operands = 0 : i64, tpu.core_type = #tpu.core_type<tc>, window_params = [{transform_indices = @transform_0, window_bounds = array<i64: 1, 2000, 128>}, {transform_indices = @transform_1, window_bounds = array<i64: 1, 2000, 128>}, {transform_indices = @transform_2, window_bounds = array<i64: 2000, 128>}, {transform_indices = @transform_3, window_bounds = array<i64: 2000, 1>}, {pipeline_mode = #tpu.pipeline_mode<synchronous>, transform_indices = @transform_4, window_bounds = array<i64: 1, 64>}, {transform_indices = @transform_5, window_bounds = array<i64: 2000, 64>}]} {
    %get3A = arith.constant 0 : index
    %get3A_0 = arith.constant 0 : index
    %get3A_1 = arith.constant 0 : index
    %get3A_2 = vector.load %arg1[%get3A, %get3A_0, %get3A_1] : memref<1x2000x128xf32, #tpu.memory_space<vmem>>, vector<1x2000x128xf32>
    %get3A_3 = vector.shape_cast %get3A_2 : vector<1x2000x128xf32> to vector<2000x128xf32>
    %get3A_4 = arith.constant 0 : index
    %get3A_5 = arith.constant 0 : index
    %get3A_6 = arith.constant 0 : index
    %get3A_7 = vector.load %arg2[%get3A_4, %get3A_5, %get3A_6] : memref<1x2000x128xf32, #tpu.memory_space<vmem>>, vector<1x2000x128xf32>
    %get3A_8 = vector.shape_cast %get3A_7 : vector<1x2000x128xf32> to vector<2000x128xf32>
    %add3A = arith.addf %get3A_3, %get3A_8 : vector<2000x128xf32>
    %slice3A = vector.extract_strided_slice %add3A {offsets = [0, 0], sizes = [2000, 64], strides = [1, 1]} : vector<2000x128xf32> to vector<2000x64xf32>
    %get3A_9 = arith.constant 0 : index
    %get3A_10 = arith.constant 0 : index
    %get3A_11 = vector.load %arg3[%get3A_9, %get3A_10] : memref<2000x128xf32, #tpu.memory_space<vmem>>, vector<2000x64xf32>
    %add3A_12 = arith.addf %slice3A, %get3A_11 : vector<2000x64xf32>
    %get3A_13 = arith.constant 0 : index
    %get3A_14 = arith.constant 0 : index
    %get3A_15 = vector.load %arg4[%get3A_13, %get3A_14] : memref<2000x1xf32, #tpu.memory_space<vmem>>, vector<2000x1xf32>
    %mul3A = vector.broadcast %get3A_15 : vector<2000x1xf32> to vector<2000x64xf32>
    %mul3A_16 = arith.mulf %mul3A, %add3A_12 : vector<2000x64xf32>
    %get3A_17 = arith.constant 0 : index
    %get3A_18 = arith.constant 0 : index
    %get3A_19 = vector.load %arg5[%get3A_17, %get3A_18] : memref<1x64xf32, #tpu.memory_space<vmem>>, vector<1x64xf32>
    %add3A_20 = vector.broadcast %get3A_19 : vector<1x64xf32> to vector<2000x64xf32>
    %add3A_21 = arith.addf %mul3A_16, %add3A_20 : vector<2000x64xf32>
    %max3A = arith.constant 0.000000e+00 : f32
    %max3A_22 = vector.broadcast %max3A : f32 to vector<2000x64xf32>
    %max3A_23 = arith.maximumf %add3A_21, %max3A_22 : vector<2000x64xf32>
    %swap3A = arith.constant 0 : index
    %swap3A_24 = arith.constant 0 : index
    %swap3A_25 = vector.load %arg6[%swap3A, %swap3A_24] : memref<2000x64xf32, #tpu.memory_space<vmem>>, vector<2000x64xf32>
    tpu.vector_store %arg6[%swap3A, %swap3A_24], %max3A_23 {strides = array<i32>} : memref<2000x64xf32, #tpu.memory_space<vmem>>, vector<2000x64xf32>,
    return
  }
  func.func @transform_0(%arg0: i32) -> (i32, i32, i32) {
    %c0_i32 = arith.constant 0 : i32
    %c0_i32_0 = arith.constant 0 : i32
    %c0_i32_1 = arith.constant 0 : i32
    return %c0_i32, %arg0, %c0_i32_0 : i32, i32, i32
  }
  func.func @transform_1(%arg0: i32) -> (i32, i32, i32) {
    %c1_i32 = arith.constant 1 : i32
    %c0_i32 = arith.constant 0 : i32
    %c0_i32_0 = arith.constant 0 : i32
    return %c1_i32, %arg0, %c0_i32 : i32, i32, i32
  }
  func.func @transform_2(%arg0: i32) -> (i32, i32) {
    %c0_i32 = arith.constant 0 : i32
    %c0_i32_0 = arith.constant 0 : i32
    return %arg0, %c0_i32 : i32, i32
  }
  func.func @transform_3(%arg0: i32) -> (i32, i32) {
    %c0_i32 = arith.constant 0 : i32
    %c0_i32_0 = arith.constant 0 : i32
    return %arg0, %c0_i32 : i32, i32
  }
  func.func @transform_4(%arg0: i32) -> (i32, i32) {
    %c0_i32 = arith.constant 0 : i32
    %c0_i32_0 = arith.constant 0 : i32
    %c0_i32_1 = arith.constant 0 : i32
    return %c0_i32, %c0_i32_0 : i32, i32
  }
  func.func @transform_5(%arg0: i32) -> (i32, i32) {
    %c0_i32 = arith.constant 0 : i32
    %c0_i32_0 = arith.constant 0 : i32
    return %arg0, %c0_i32 : i32, i32
  }
}

module attributes {stable_mosaic.version = 14 : i64} {
  func.func @_tc_mid_body(%arg0: i32, %arg1: memref<1x2000x128xf32, #tpu.memory_space<vmem>>, %arg2: memref<1x2000x128xf32, #tpu.memory_space<vmem>>, %arg3: memref<2000x128xf32, #tpu.memory_space<vmem>>, %arg4: memref<2000x1xf32, #tpu.memory_space<vmem>>, %arg5: memref<1x64xf32, #tpu.memory_space<vmem>>, %arg6: memref<64x64xf32, #tpu.memory_space<vmem>>, %arg7: memref<2000x128xf32, #tpu.memory_space<vmem>>) attributes {dimension_semantics = [#tpu.dimension_semantics<arbitrary>], iteration_bounds = array<i64: 5>, scalar_prefetch = 0 : i64, scratch_operands = 0 : i64, tpu.core_type = #tpu.core_type<tc>, window_params = [{transform_indices = @transform_0, window_bounds = array<i64: 1, 2000, 128>}, {transform_indices = @transform_1, window_bounds = array<i64: 1, 2000, 128>}, {transform_indices = @transform_2, window_bounds = array<i64: 2000, 128>}, {transform_indices = @transform_3, window_bounds = array<i64: 2000, 1>}, {pipeline_mode = #tpu.pipeline_mode<synchronous>, transform_indices = @transform_4, window_bounds = array<i64: 1, 64>}, {pipeline_mode = #tpu.pipeline_mode<synchronous>, transform_indices = @transform_5, window_bounds = array<i64: 64, 64>}, {transform_indices = @transform_6, window_bounds = array<i64: 2000, 128>}]} {
    %get3A = arith.constant 0 : index
    %get3A_0 = arith.constant 0 : index
    %get3A_1 = vector.load %arg4[%get3A, %get3A_0] : memref<2000x1xf32, #tpu.memory_space<vmem>>, vector<2000x1xf32>
    %get3A_2 = arith.constant 0 : index
    %get3A_3 = arith.constant 0 : index
    %get3A_4 = arith.constant 0 : index
    %get3A_5 = vector.load %arg1[%get3A_2, %get3A_3, %get3A_4] : memref<1x2000x128xf32, #tpu.memory_space<vmem>>, vector<1x2000x128xf32>
    %get3A_6 = vector.shape_cast %get3A_5 : vector<1x2000x128xf32> to vector<2000x128xf32>
    %get3A_7 = arith.constant 0 : index
    %get3A_8 = arith.constant 0 : index
    %get3A_9 = arith.constant 0 : index
    %get3A_10 = vector.load %arg2[%get3A_7, %get3A_8, %get3A_9] : memref<1x2000x128xf32, #tpu.memory_space<vmem>>, vector<1x2000x128xf32>
    %get3A_11 = vector.shape_cast %get3A_10 : vector<1x2000x128xf32> to vector<2000x128xf32>
    %add3A = arith.addf %get3A_6, %get3A_11 : vector<2000x128xf32>
    %slice3A = vector.extract_strided_slice %add3A {offsets = [0, 0], sizes = [2000, 64], strides = [1, 1]} : vector<2000x128xf32> to vector<2000x64xf32>
    %get3A_12 = arith.constant 0 : index
    %get3A_13 = arith.constant 0 : index
    %get3A_14 = vector.load %arg3[%get3A_12, %get3A_13] : memref<2000x128xf32, #tpu.memory_space<vmem>>, vector<2000x64xf32>
    %add3A_15 = arith.addf %slice3A, %get3A_14 : vector<2000x64xf32>
    %mul3A = vector.broadcast %get3A_1 : vector<2000x1xf32> to vector<2000x64xf32>
    %mul3A_16 = arith.mulf %mul3A, %add3A_15 : vector<2000x64xf32>
    %get3A_17 = arith.constant 0 : index
    %get3A_18 = arith.constant 0 : index
    %get3A_19 = vector.load %arg5[%get3A_17, %get3A_18] : memref<1x64xf32, #tpu.memory_space<vmem>>, vector<1x64xf32>
    %add3A_20 = vector.broadcast %get3A_19 : vector<1x64xf32> to vector<2000x64xf32>
    %add3A_21 = arith.addf %mul3A_16, %add3A_20 : vector<2000x64xf32>
    %max3A = arith.constant 0.000000e+00 : f32
    %max3A_22 = vector.broadcast %max3A : f32 to vector<2000x64xf32>
    %max3A_23 = arith.maximumf %add3A_21, %max3A_22 : vector<2000x64xf32>
    %get3A_24 = arith.constant 0 : index
    %get3A_25 = arith.constant 0 : index
    %get3A_26 = vector.load %arg6[%get3A_24, %get3A_25] : memref<64x64xf32, #tpu.memory_space<vmem>>, vector<64x64xf32>
    %dot_general3A = arith.constant dense<0.000000e+00> : vector<2000x64xf32>
    %dot_general3A_27 = tpu.matmul %max3A_23, %get3A_26, %dot_general3A {dimension_numbers = #tpu.dot_dimension_numbers<[1], [0], [0], [1], [0, 0, 1, 1], [], []>, transpose_lhs_hint = false} : vector<2000x64xf32>, vector<64x64xf32>, vector<2000x64xf32> -> vector<2000x64xf32>
    %mul3A_28 = vector.broadcast %get3A_1 : vector<2000x1xf32> to vector<2000x64xf32>
    %mul3A_29 = arith.mulf %mul3A_28, %dot_general3A_27 : vector<2000x64xf32>
    %broadcast_in_dim3A = arith.constant 0.000000e+00 : f32
    %broadcast_in_dim3A_30 = vector.broadcast %broadcast_in_dim3A : f32 to vector<2000x64xf32>
    %concatenate3A = tpu.concatenate %mul3A_29, %broadcast_in_dim3A_30 in 1 : vector<2000x64xf32>, vector<2000x64xf32> -> vector<2000x128xf32>
    %swap3A = arith.constant 0 : index
    %swap3A_31 = arith.constant 0 : index
    %swap3A_32 = vector.load %arg7[%swap3A, %swap3A_31] : memref<2000x128xf32, #tpu.memory_space<vmem>>, vector<2000x128xf32>
    tpu.vector_store %arg7[%swap3A, %swap3A_31], %concatenate3A {strides = array<i32>} : memref<2000x128xf32, #tpu.memory_space<vmem>>, vector<2000x128xf32>,
    return
  }
  func.func @transform_0(%arg0: i32) -> (i32, i32, i32) {
    %c0_i32 = arith.constant 0 : i32
    %c0_i32_0 = arith.constant 0 : i32
    %c0_i32_1 = arith.constant 0 : i32
    return %c0_i32, %arg0, %c0_i32_0 : i32, i32, i32
  }
  func.func @transform_1(%arg0: i32) -> (i32, i32, i32) {
    %c1_i32 = arith.constant 1 : i32
    %c0_i32 = arith.constant 0 : i32
    %c0_i32_0 = arith.constant 0 : i32
    return %c1_i32, %arg0, %c0_i32 : i32, i32, i32
  }
  func.func @transform_2(%arg0: i32) -> (i32, i32) {
    %c0_i32 = arith.constant 0 : i32
    %c0_i32_0 = arith.constant 0 : i32
    return %arg0, %c0_i32 : i32, i32
  }
  func.func @transform_3(%arg0: i32) -> (i32, i32) {
    %c0_i32 = arith.constant 0 : i32
    %c0_i32_0 = arith.constant 0 : i32
    return %arg0, %c0_i32 : i32, i32
  }
  func.func @transform_4(%arg0: i32) -> (i32, i32) {
    %c0_i32 = arith.constant 0 : i32
    %c0_i32_0 = arith.constant 0 : i32
    %c0_i32_1 = arith.constant 0 : i32
    return %c0_i32, %c0_i32_0 : i32, i32
  }
  func.func @transform_5(%arg0: i32) -> (i32, i32) {
    %c0_i32 = arith.constant 0 : i32
    %c0_i32_0 = arith.constant 0 : i32
    %c0_i32_1 = arith.constant 0 : i32
    return %c0_i32, %c0_i32_0 : i32, i32
  }
  func.func @transform_6(%arg0: i32) -> (i32, i32) {
    %c0_i32 = arith.constant 0 : i32
    %c0_i32_0 = arith.constant 0 : i32
    return %arg0, %c0_i32 : i32, i32
  }
}

</mosaic_0001>

<sc_bundles>
// kernel: kernel.11.cloned.1.call-start
scs
__scs_entry_jumppad:
0x0: {  	(pc) =	sbr.rel $0x88, $3  }
0x1: {  	(tag) =	ssettag $0x0;
	lr =	simm.s32 $0x1  }
0x2: {  	[smem:$0x3F9B] =	sst lr;
	_ =	strace $0xD0000000  }
0x3: {  	_ = 	snop  }
0x4: {  	_ = 	snop  }
0x5: {  	_ = 	snop  }
0x6: {  	_ = 	snop  }
0x7: {  	_ = 	snop  }
__scs_overlays_trampoline_lowered:
0x8: {  	[smem:$0x3FAA] =	sst s0  }
0x9: {  	[smem:$0x3FAB] =	sst s1  }
0xa: {  	[smem:$0x3FAC] =	sst s2  }
0xb: {  	[smem:$0x3FAD] =	sst s3  }
0xc: {  	[smem:$0x3FAE] =	sst s4  }
0xd: {  	[smem:$0x3FAF] =	sst s5  }
0xe: {  	[smem:$0x3FB0] =	sst s6  }
0xf: {  	[smem:$0x3FB1] =	sst s7  }
0x10: {  	[smem:$0x3FB2] =	sst s8  }
0x11: {  	[smem:$0x3FB3] =	sst s9;
	s0 =	simm.s32 @!p0 $0x0  }
0x12: {  	s1 =	sld [smem:$0x3F99];
	s0 =	simm.s32 @p0 $0x1  }
0x13: {  	[smem:$0x3FB4] =	sst s0;
	s0 =	simm.s32 @!p1 $0x0  }
0x14: {  	s2 =	sld [smem:$0x3F98];
	s0 =	simm.s32 @p1 $0x1  }
0x15: {  	[smem:$0x3FB5] =	sst s0;
	s0 =	simm.s32 @!p2 $0x0  }
0x16: {  	s3 =	sld [smem:$0x3FDB];
	s0 =	simm.s32 @p2 $0x1  }
0x17: {  	s4 =	simm.s32 $0x1BF5;
	[smem:$0x3FB7] =	sst s0  }
0x18: {  	s0 =	sld [smem:$0x3F9A];
	_ =	swait.ge [sflag:s4], $0x0  }
0x19: {  	s7 =	sld [smem:$0x3F9B]  }
0x1a: {  	s8 =	sadd.s32 $0xFFFFE003, lr  }
0x1b: {  	s9 =	sadd.s32 $0xFFFFFEF7, lr;
	s5 =	simm.s32 $0xFFFFFFFF;
	p2 =	slt.u32 s8, $0xFFFFF086  }
0x1c: {  	p1 =	slt.u32 s9, $0xF7A;
	s5 =	simm.s32 @!p2 $0x0  }
0x1d: {  	s5 =	simm.s32 @p1 $0x1;
	p0 =	seq.s32 s7, s2  }
0x1e: {  	s7 =	smul.u32 @!p0 $0xF7A, s2;
	p2 =	seq.s32 @!p0 s5, $0x0  }
0x1f: {  	s9 =	smul.u32 $0xF7A, s1;
	s8 =	simm.s32 @!p0 $0x1BF5;
	p2 =	por !p2, p0  }
0x20: {  	[sflag:s8] =	ssyncset.s32 @!p0 $0xFFFFF086;
	s6 =	sadd.s32 @!p0 s3, s7;
	s7 =	simm.s32 @!p0 $0x108  }
0x21: {  	s3 =	sadd.s32 s3, s9;
	s6 =	sadd.s32 @!p0 $0x88, s6;
	s7 =	simm.s32 @p2 $0x1082  }
0x22: {  	[simem:s7], [sflag:s8] =	dma.local @!p0 [hbm:s6], $0xF7A  }
0x23: {  	s9 =	sor.u32 $0xD0000000, s2;
	s6 =	simm.s32 $0x108;
	_ =	swait.ge @!p0 [sflag:s8], $0x0  }
0x24: {  	s3 =	sadd.s32 $0x88, s3;
	s6 =	simm.s32 @!p1 $0x1082;
	[sflag:s4] =	ssyncset.s32 $0xFFFFF086  }
0x25: {  	[simem:s6], [sflag:s4] =	dma.local [hbm:s3], $0xF7A  }
0x26: {  	[smem:$0x3F9B] =	sst s1;
	(tag) =	ssettag s2;
	_ =	strace s9  }
0x27: {  	s1 =	sld [smem:$0x3FAB]  }
0x28: {  	s2 =	sld [smem:$0x3FAC]  }
0x29: {  	s4 =	sld [smem:$0x3FAE]  }
0x2a: {  	p0 =	seq.s32 s5, $0x0;
	s5 =	sld [smem:$0x3FAF]  }
0x2b: {  	s6 =	sld [smem:$0x3FB0]  }
0x2c: {  	s7 =	sld [smem:$0x3FB1]  }
0x2d: {  	s3 =	simm.s32 $0x108;
	s8 =	sld [smem:$0x3FB2]  }
0x2e: {  	s3 =	simm.s32 @!p0 $0x1082;
	s9 =	sld [smem:$0x3FB3]  }
0x2f: {  	lr =	sadd.s32 s0, s3;
	s0 =	sld [smem:$0x3FAA]  }
0x30: {  	s3 =	sld [smem:$0x3FAD]  }
0x31: {  	[smem:$0x3FB6] =	sst s10  }
0x32: {  	s10 =	sld [smem:$0x3FB4];
	_ =	sdelay $0x3  }
0x33: {  	p0 =	seq.s32 s10, $0x1;
	s10 =	sld [smem:$0x3FB6];
	_ =	sdelay $0x3  }
0x34: {  	[smem:$0x3FB6] =	sst s10  }
0x35: {  	s10 =	sld [smem:$0x3FB5];
	_ =	sdelay $0x3  }
0x36: {  	p1 =	seq.s32 s10, $0x1;
	s10 =	sld [smem:$0x3FB6];
	_ =	sdelay $0x3  }
0x37: {  	[smem:$0x3FB6] =	sst s10  }
0x38: {  	s10 =	sld [smem:$0x3FB7]  }
0x39: {  	_ = 	snop;
	(pc) =	sbr.ind lr, $3  }
0x3a: {  	_ = 	snop  }
0x3b: {  	_ = 	snop  }
0x3c: {  	p2 =	seq.s32 s10, $0x1;
	s10 =	sld [smem:$0x3FB6]  }
0x3d: {  	_ =	shalt  }
0x3e: {  	_ =	shalt  }
0x3f: {  	_ =	shalt  }
0x40: {  	_ =	shalt  }
0x41: {  	_ =	shalt  }
0x42: {  	_ =	shalt  }
0x43: {  	_ =	shalt  }
0x44: {  	_ =	shalt  }
0x45: {  	_ =	shalt  }
0x46: {  	_ =	shalt  }
0x47: {  	_ =	shalt  }
0x48: {  	_ =	shalt  }
0x49: {  	_ =	shalt  }
0x4a: {  	_ =	shalt  }
0x4b: {  	_ =	shalt  }
0x4c: {  	_ =	shalt  }
0x4d: {  	_ =	shalt  }
0x4e: {  	_ =	shalt  }
0x4f: {  	_ =	shalt  }
0x50: {  	_ =	shalt  }
0x51: {  	_ =	shalt  }
0x52: {  	_ =	shalt  }
0x53: {  	_ =	shalt  }
0x54: {  	_ =	shalt  }
0x55: {  	_ =	shalt  }
0x56: {  	_ =	shalt  }
0x57: {  	_ =	shalt  }
0x58: {  	_ =	shalt  }
0x59: {  	_ =	shalt  }
0x5a: {  	_ =	shalt  }
0x5b: {  	_ =	shalt  }
0x5c: {  	_ =	shalt  }
0x5d: {  	_ =	shalt  }
0x5e: {  	_ =	shalt  }
0x5f: {  	_ =	shalt  }
0x60: {  	_ =	shalt  }
0x61: {  	_ =	shalt  }
0x62: {  	_ =	shalt  }
0x63: {  	_ =	shalt  }
0x64: {  	_ =	shalt  }
0x65: {  	_ =	shalt  }
0x66: {  	_ =	shalt  }
0x67: {  	_ =	shalt  }
0x68: {  	_ =	shalt  }
0x69: {  	_ =	shalt  }
0x6a: {  	_ =	shalt  }
0x6b: {  	_ =	shalt  }
0x6c: {  	_ =	shalt  }
0x6d: {  	_ =	shalt  }
0x6e: {  	_ =	shalt  }
0x6f: {  	_ =	shalt  }
0x70: {  	_ =	shalt  }
0x71: {  	_ =	shalt  }
0x72: {  	_ =	shalt  }
0x73: {  	_ =	shalt  }
0x74: {  	_ =	shalt  }
0x75: {  	_ =	shalt  }
0x76: {  	_ =	shalt  }
0x77: {  	_ =	shalt  }
0x78: {  	_ =	shalt  }
0x79: {  	_ =	shalt  }
0x7a: {  	_ =	shalt  }
0x7b: {  	_ =	shalt  }
0x7c: {  	_ =	shalt  }
0x7d: {  	_ =	shalt  }
0x7e: {  	_ =	shalt  }
0x7f: {  	_ =	shalt  }
0x80: {  	_ =	shalt  }
0x81: {  	_ =	shalt  }
0x82: {  	_ =	shalt  }
0x83: {  	_ =	shalt  }
0x84: {  	_ =	shalt  }
0x85: {  	_ =	shalt  }
0x86: {  	_ =	shalt  }
0x87: {  	_ =	shalt  }
.Lfunc_end0:
.L_simem_size_0:
called_computation.1_lowered:
.L_overlay_start_0:
0x88: {  	s2 =	sld [smem:$0x3FD9]  }
0x89: {  	s3 =	sld [smem:$0x3FFE];
	_ =	sdelay $0x1  }
0x8a: {  	s1 =	srdreg.scid  }
0x8b: {  	s0 =	sand.u32 $0x1, s1  }
0x8c: {  	s17 =	sshll.u32 s0, $0xA;
	s2 =	sadd.s32 s3, s2  }
0x8d: {  	s2 =	sadd.s32 s2, s17  }
0x8e: {  	[smem:$0x3FC2] =	sst s2  }
0x8f: {  	_ = 	snop  }
0x90: {  	s2 =	sld [smem:$0x3FD0];
	(tm) =	ssettm $0x1  }
0x91: {  	s18 =	sld [smem:$0x3FFB];
	_ =	sdelay $0x3  }
0x92: {  	_ =	strace s18  }
0x93: {  	s3 =	sld [smem:$0x3FFC];
	_ =	sdelay $0x3  }
0x94: {  	_ =	strace s3  }
0x95: {  	s3 =	sld [smem:$0x3FFD];
	_ =	sdelay $0x3  }
0x96: {  	_ =	strace s3  }
0x97: {  	_ =	strace $0x8FFFFFFF  }
0x98: {  	s19 =	sld [smem:$0x3FDB];
	_ =	sdelay $0x1  }
0x99: {  	s4 =	simm.s32 $_scs_section_size  }
0x9a: {  	s5 =	simm.s32 $_size__tile_overlayer_lowered;
	s6 =	simm.s32 $_tile_overlayer_lowered  }
0x9b: {  	s22 =	simm.s32 $0x1BFF;
	s21 =	sshll.u32 s6, $0x1;
	s3 =	sadd.s32 s4, s19  }
0x9c: {  	s7 =	simm.s32 $0x0;
	s20 =	sshll.u32 s5, $0x1;
	s5 =	sadd.s32 s21, s3  }
0x9d: {  	[timem:s7], [sflag:s22] =	dma.local [hbm:s5], s20  }
0x9e: {  	_ =	swait.ge [sflag:s22], s20  }
0x9f: {  	s4 =	ssub.s32 $0x0, s20;
	[sflag:s22] =	ssyncset.done $0x0  }
0xa0: {  	[sflag:s22] =	ssyncadd.s32 s4;
	_ =	sdelay $0x1  }
0xa1: {  	s23 =	simm.s32 $0x1B8B  }
0xa2: {  	_ =	swait.ge [sflag:s23], $0x1  }
0xa3: {  	[sflag:s23] =	ssyncset.done $0x0  }
0xa4: {  	s25 =	simm.s32 $0x1B8E;
	s24 =	sld [smem:$0x3FFE];
	[sflag:s23] =	ssyncadd.s32 $0xFFFFFFFF  }
0xa5: {  	s26 =	simm.s32 $execute0_lowered;
	[smem:$0x3FD2] =	sst s25  }
0xa6: {  	s5 =	sshll.u32 s26, $0x1;
	_ =	strace $0x80000049;
	[dreg:$0x1] =	wrdreg $0xFFFFFFFF  }
0xa7: {  	s28 =	simm.s32 $_size_execute0_lowered;
	s3 =	sadd.s32 s3, s5;
	[dreg:$0x0] =	wrdreg $0x0  }
0xa8: {  	s5 =	sshll.u32 s28, $0x1;
	[dreg:$0x2] =	wrdreg s3  }
0xa9: {  	[dreg:$0x3] =	wrdreg s5  }
0xaa: {  	[dreg:$0x4] =	wrdreg $0xC0  }
0xab: {  	_ =	task [dreg:s7], $0x5FFFF  }
0xac: {  	[dreg:$0x1] =	wrdreg $0xFFFFFFFF  }
0xad: {  	[dreg:$0x0] =	wrdreg $0x60  }
0xae: {  	[dreg:$0x2] =	wrdreg s24  }
0xaf: {  	[dreg:$0x3] =	wrdreg s2  }
0xb0: {  	[dreg:$0x4] =	wrdreg $0xEA800  }
0xb1: {  	[dreg:$0x5] =	wrdreg $0x9  }
0xb2: {  	_ =	task.clear_ibuf [dreg:s7], $0x6FFFF;
	_ =	strace $0x90000049  }
0xb3: {  	s29 =	simm.s32 $0x9;
	_ =	strace $0x8000004B  }
0xb4: {  	_ =	swait.ge [sflag:s29], $0x1  }
0xb5: {  	[sflag:s29] =	ssyncadd.s32 $0xFFFFFFFF  }
0xb6: {  	_ =	strace $0x9000004B  }
0xb7: {  	_ =	sfence  }
0xb8: {  	s30 =	sld [smem:$0x0];
	_ =	sdelay $0x2  }
0xb9: {  	s31 =	sshll.u32 s1, $0xD;
	s1 =	sshrl.u32 s1, $0x2  }
0xba: {  	s3 =	sand.u32 $0x4000, s31;
	s1 =	sadd.s32 s1, s30  }
0xbb: {  	s0 =	sor.u32 s3, s0;
	s1 =	sshll.u32 s1, $0x11  }
0xbc: {  	s0 =	sor.u32 s1, s0  }
0xbd: {  	s0 =	sadd.s32 $0x8F2B, s0  }
0xbe: {  	[sflag:s0] =	ssyncadd.remote.s32 $0x1  }
0xbf: {  	_ =	sfence.sel $0xFFFF  }
0xc0: {  	[dreg:$0x0] =	wrdreg $0xFFFFFFFF;
	(pc) =	sbr.abs _section_cstart, $3  }
0xc1: {  	[dreg:$0x1] =	wrdreg $0xFFFFFFFF  }
0xc2: {  	_ =	task.clear_ibuf [dreg:s7], $0x2FFFF;
	_ =	strace $0x9FFFFFFF  }
0xc3: {  	(tm) =	ssettm $0x7FFFFFFF  }
tec
execute0_lowered:
.L_overlay_start_1:
0x0: {  	(tag) =	ssettag $0x1  }
0x1: {  	s0 =	rddreg [dreg:$0x0]  }
0x2: {  	s2 =	rddreg [dreg:$0x1]  }
0x3: {  	s1 =	rddreg [dreg:$0x2];
	s3 =	simm.s32 $0x0;
	s4 =	srdreg.scid  }
0x4: {  	s12 =	stileid.u32;
	s28 =	simm.s32 $0x7;
	s29 =	simm.s32 $0x2  }
0x5: {  	s30 =	simm.s32 $0xC;
	s31 =	simm.s32 $0x2;
	s7 =	smul.u32 $0x14000, s12  }
0x6: {  	[smem:$0x7FF] =	sst s3;
	s5 =	sand.u32 $0x1, s4;
	s11 =	smul.u32 $0x28000, s12  }
0x7: {  	s4 =	sadd.s32 $0x2800, s0;
	s9 =	sadd.s32 $0x29A00, s0;
	s26 =	smul.u32 $0x2700, s12  }
0x8: {  	s25 =	sshll.u32 s12, $0x4;
	s6 =	smul.u32 $0x140000, s5;
	_ =	strace $0x8000004A  }
0x9: {  	s8 =	sshll.u32 s5, $0x4;
	[dreg:$0xa] =	wrdreg s9;
	s21 =	ssub.s32 $0x2, s5  }
0xa: {  	s5 =	smul.u32 $0x27000, s5;
	s9 =	sadd.s32 s25, s2;
	s8 =	sor.u32 s12, s8  }
0xb: {  	s10 =	sshrl.u32 s21, $0x1;
	s13 =	sshrl.u32 s11, $0x2;
	s14 =	sadd.s32 $0x9C00, s9  }
0xc: {  	s9 =	sadd.s32 $0x13840, s9;
	s6 =	sadd.s32 s7, s6;
	s22 =	smul.u32 $0x2700, s8  }
0xd: {  	s23 =	ssub.s32 s21, s10;
	[dreg:$0xc] =	wrdreg s14;
	s5 =	sadd.s32 s26, s5  }
0xe: {  	[dreg:$0xd] =	wrdreg s9;
	s26 =	sshll.u32 s12, $0x6;
	p0 =	sgt.u32 s8, $0x3  }
0xf: {  	s8 =	simm.s32 $0x5;
	s9 =	simm.s32 $0xB;
	s10 =	simm.s32 $0x6  }
0x10: {  	s12 =	simm.s32 $0xD;
	s6 =	sshrl.u32 s6, $0x3;
	s15 =	sadd.s32 $0x4E200, s5  }
0x11: {  	s16 =	sadd.s32 $0x4E480, s5;
	s17 =	sadd.s32 $0x4E400, s5;
	s21 =	sadd.s32 $0x4E380, s5  }
0x12: {  	s14 =	sor.u32 $0x1C0E, s26;
	s26 =	simm.s32 $0x1;
	s0 =	sadd.s32 s6, s0  }
0x13: {  	s24 =	sshrl.u32 s22, $0x3;
	s6 =	smax.u32 s23, $0x1;
	s19 =	sshrl.u32 s17, $0x3  }
0x14: {  	s22 =	sshrl.u32 s21, $0x3;
	s23 =	sadd.s32 $0x4E300, s5;
	s5 =	sadd.s32 $0x4E280, s5  }
0x15: {  	s17 =	simm.s32 $0x0;
	[dreg:$0x10] =	wrdreg s14;
	s7 =	sadd.s32 s2, s24  }
0x16: {  	s0 =	sadd.s32 $0x2AE00, s0;
	[dreg:$0xf] =	wrdreg s6;
	s6 =	sshrl.u32 s16, $0x3  }
0x17: {  	s20 =	sadd.s32 s19, s2;
	s5 =	sshrl.u32 s5, $0x3;
	[dreg:$0xb] =	wrdreg s7  }
0x18: {  	s19 =	simm.s32 $0x2A80;
	s7 =	sadd.s32 s13, s1;
	[dreg:$0xe] =	wrdreg s0  }
0x19: {  	s0 =	sshrl.u32 s15, $0x3;
	s18 =	sadd.s32 s6, s2;
	[dreg:$0x6] =	wrdreg s20  }
0x1a: {  	s6 =	sshrl.u32 s23, $0x3;
	s25 =	sadd.s32 s5, s2;
	s13 =	simm.s32 $0xE  }
0x1b: {  	s15 =	simm.s32 $0x80;
	s20 =	simm.s32 $0x4A80;
	[dreg:$0x5] =	wrdreg s18  }
0x1c: {  	s5 =	simm.s32 $0x9;
	s0 =	sadd.s32 s0, s2;
	[dreg:$0x9] =	wrdreg s25  }
0x1d: {  	s24 =	sadd.s32 s6, s2;
	s16 =	sshrl.u32 s7, $0x3;
	[dreg:$0x4] =	wrdreg s0  }
0x1e: {  	s18 =	simm.s32 $0x2700;
	s6 =	simm.s32 $0x4;
	[dreg:$0x8] =	wrdreg s24  }
0x1f: {  	s7 =	simm.s32 $0xA;
	s0 =	sadd.s32 s22, s2;
	[dreg:$0x11] =	wrdreg s16  }
0x20: {  	s2 =	simm.s32 $0x3;
	[dreg:$0x7] =	wrdreg s0;
	s0 =	simm.s32 $0x8  }
.LBB2_1:
0x21: {  	[dreg:$0x12] =	wrdreg s17  }
0x22: {  	s11 =	rddreg [dreg:$0xb]  }
0x23: {  	[tilespmem:s3], [sflag:$0xE] =	stream.linear.gather [hbm4b:s11+s3], $0x2700, $0x38;
	[tilespmem:$0x18A80] =	vst v63  }
0x24: {  	_ =	swait.ge [sflag:s13], $0x2700  }
0x25: {  	[sflag:s13] =	ssyncset.done $0x0  }
0x26: {  	s25 =	rddreg [dreg:$0xa];
	[sflag:s13] =	ssyncadd.s32 $0xFFFFD900  }
0x27: {  	[spmem:s16], [sflag:s14] =	dma.local [hbm:s25], $0x1400  }
0x28: {  	_ =	swait.ge [sflag:s13], $0x1400  }
0x29: {  	[sflag:s13] =	ssyncset.done $0x0  }
0x2a: {  	s11 =	simm.s32 $0x0;
	[sflag:s13] =	ssyncadd.s32 $0xFFFFEC00;
	s13 =	simm.s32 $0x40  }
.LBB2_2:
0x2b: {  	p1 =	sne.s32 s13, $0x9BC0;
	v0 =	vld [tilespmem:s11+$0x0];
	_ =	sdelay $0x1  }
.Ltmp0:
0x2c: {  	(pc) =	sbr.rel @p1 .LBB2_2-.Ltmp0, $3  }
0x2d: {  	_ =	sdelay $0x1  }
0x2e: {  	v0 =	vshll.u32 v0, $0x1  }
0x2f: {  	[tilespmem:s11+$0x0] =	vst v0;
	s11 =	sshra.s32 s13, $0x2;
	s13 =	sadd.s32 $0x40, s13  }
0x30: {  	v0 =	vld [tilespmem:s11+$0x0];
	_ =	sdelay $0x4  }
0x31: {  	v0 =	vshll.u32 v0, $0x1  }
0x32: {  	[tilespmem:s11+$0x0] =	vst v0  }
0x33: {  	[bflag:$0x0] =	sbarrier.arrive $0xFFFF  }
0x34: {  	s24 =	rddreg [dreg:$0x4]  }
0x35: {  	s11 =	sadd.s32 $0x0, s24  }
0x36: {  	[tilespmem:s18], [sflag:$0x7] =	stream.linear.gather [hbm4b:s11+s3], $0x80, $0x38;
	[tilespmem:$0x18A80] =	vst v63  }
0x37: {  	s25 =	simm.s32 $0x0;
	s13 =	rddreg [dreg:$0x9]  }
0x38: {  	[tilespmem:s19], [sflag:$0x1] =	stream.indirect.gather [hbm4b:s4+s15], $0x40, s25, s15, $0xb8;
	[tilespmem:$0x18A80] =	vst v63  }
0x39: {  	s14 =	simm.s32 $0x2780;
	s13 =	sadd.s32 $0x0, s13  }
0x3a: {  	[tilespmem:s14], [sflag:$0x8] =	stream.linear.gather [hbm4b:s13+s3], $0x80, $0x38;
	[tilespmem:$0x18A80] =	vst v63  }
0x3b: {  	s17 =	simm.s32 $0x80;
	s16 =	rddreg [dreg:$0x8]  }
0x3c: {  	[tilespmem:s20], [sflag:$0x2] =	stream.indirect.gather [hbm4b:s4+s15], $0x40, s17, s15, $0xb8;
	[tilespmem:$0x18A80] =	vst v63  }
0x3d: {  	s21 =	sadd.s32 $0x0, s16;
	s24 =	simm.s32 $0x2800  }
0x3e: {  	[tilespmem:s24], [sflag:$0x9] =	stream.linear.gather [hbm4b:s21+s3], $0x80, $0x38;
	[tilespmem:$0x18A80] =	vst v63  }
0x3f: {  	s23 =	simm.s32 $0x100;
	s22 =	rddreg [dreg:$0x7];
	s25 =	simm.s32 $0x6A80  }
0x40: {  	[tilespmem:s25], [sflag:$0x3] =	stream.indirect.gather [hbm4b:s4+s15], $0x40, s23, s15, $0xb8;
	[tilespmem:$0x18A80] =	vst v63  }
0x41: {  	s13 =	sadd.s32 $0x0, s22;
	s23 =	simm.s32 $0x2880  }
0x42: {  	[tilespmem:s23], [sflag:$0xA] =	stream.linear.gather [hbm4b:s13+s3], $0x80, $0x38;
	[tilespmem:$0x18A80] =	vst v63  }
0x43: {  	s16 =	rddreg [dreg:$0x6];
	s22 =	simm.s32 $0x8A80;
	s17 =	simm.s32 $0x180  }
0x44: {  	[tilespmem:s22], [sflag:$0x4] =	stream.indirect.gather [hbm4b:s4+s15], $0x40, s17, s15, $0xb8;
	[tilespmem:$0x18A80] =	vst v63  }
0x45: {  	s21 =	sadd.s32 $0x0, s16;
	s17 =	simm.s32 $0x2900  }
0x46: {  	[tilespmem:s17], [sflag:$0xB] =	stream.linear.gather [hbm4b:s21+s3], $0x80, $0x38;
	[tilespmem:$0x18A80] =	vst v63  }
0x47: {  	s16 =	simm.s32 $0x200;
	s13 =	rddreg [dreg:$0x5];
	s21 =	simm.s32 $0xAA80  }
0x48: {  	[tilespmem:s21], [sflag:$0x5] =	stream.indirect.gather [hbm4b:s4+s15], $0x40, s16, s15, $0xb8;
	[tilespmem:$0x18A80] =	vst v63  }
0x49: {  	s16 =	sadd.s32 $0x0, s13;
	s13 =	simm.s32 $0x2980  }
0x4a: {  	[tilespmem:s13], [sflag:$0xC] =	stream.linear.gather [hbm4b:s16+s3], $0x80, $0x38;
	[tilespmem:$0x18A80] =	vst v63  }
0x4b: {  	s11 =	simm.s32 $0x280;
	s16 =	simm.s32 $0xCA80  }
0x4c: {  	[tilespmem:s16], [sflag:$0x6] =	stream.indirect.gather [hbm4b:s4+s15], $0x40, s11, s15, $0xb8;
	[tilespmem:$0x18A80] =	vst v63  }
0x4d: {  	_ =	swait.ge [sflag:s26], $0x2000  }
0x4e: {  	[sflag:s26] =	ssyncset.done $0x0  }
0x4f: {  	[sflag:s26] =	ssyncadd.s32 $0xFFFFE000  }
0x50: {  	_ =	swait.ge [sflag:s28], $0x80  }
0x51: {  	[sflag:s28] =	ssyncset.done $0x0  }
0x52: {  	[sflag:s28] =	ssyncadd.s32 $0xFFFFFF80  }
0x53: {  	[spmem:s1] =	stream.indirect.scatter.add.f32 [tilespmem:s19], [sflag:$0xD], $0x40, s18, s15, $0xb8;
	[tilespmem:$0x18A80] =	vst v63  }
0x54: {  	_ =	swait.ge [sflag:s29], $0x2000  }
0x55: {  	[sflag:s29] =	ssyncset.done $0x0  }
0x56: {  	[sflag:s29] =	ssyncadd.s32 $0xFFFFE000  }
0x57: {  	_ =	swait.ge [sflag:s0], $0x80  }
0x58: {  	[sflag:s0] =	ssyncset.done $0x0  }
0x59: {  	[sflag:s0] =	ssyncadd.s32 $0xFFFFFF80  }
0x5a: {  	[spmem:s1] =	stream.indirect.scatter.add.f32 [tilespmem:s20], [sflag:$0xD], $0x40, s14, s15, $0xb8;
	[tilespmem:$0x18A80] =	vst v63  }
0x5b: {  	_ =	swait.ge [sflag:s2], $0x2000  }
0x5c: {  	[sflag:s2] =	ssyncset.done $0x0  }
0x5d: {  	[sflag:s2] =	ssyncadd.s32 $0xFFFFE000  }
0x5e: {  	_ =	swait.ge [sflag:s5], $0x80  }
0x5f: {  	[sflag:s5] =	ssyncset.done $0x0  }
0x60: {  	[sflag:s5] =	ssyncadd.s32 $0xFFFFFF80  }
0x61: {  	[spmem:s1] =	stream.indirect.scatter.add.f32 [tilespmem:s25], [sflag:$0xD], $0x40, s24, s15, $0xb8;
	[tilespmem:$0x18A80] =	vst v63  }
0x62: {  	_ =	swait.ge [sflag:s6], $0x2000  }
0x63: {  	[sflag:s6] =	ssyncset.done $0x0  }
0x64: {  	[sflag:s6] =	ssyncadd.s32 $0xFFFFE000  }
0x65: {  	_ =	swait.ge [sflag:s7], $0x80  }
0x66: {  	[sflag:s7] =	ssyncset.done $0x0  }
0x67: {  	[sflag:s7] =	ssyncadd.s32 $0xFFFFFF80  }
0x68: {  	[spmem:s1] =	stream.indirect.scatter.add.f32 [tilespmem:s22], [sflag:$0xD], $0x40, s23, s15, $0xb8;
	[tilespmem:$0x18A80] =	vst v63  }
0x69: {  	_ =	swait.ge [sflag:s8], $0x2000  }
0x6a: {  	[sflag:s8] =	ssyncset.done $0x0  }
0x6b: {  	[sflag:s8] =	ssyncadd.s32 $0xFFFFE000  }
0x6c: {  	_ =	swait.ge [sflag:s9], $0x80  }
0x6d: {  	[sflag:s9] =	ssyncset.done $0x0  }
0x6e: {  	[sflag:s9] =	ssyncadd.s32 $0xFFFFFF80  }
0x6f: {  	[spmem:s1] =	stream.indirect.scatter.add.f32 [tilespmem:s21], [sflag:$0xD], $0x40, s17, s15, $0xb8;
	[tilespmem:$0x18A80] =	vst v63  }
0x70: {  	_ =	swait.ge [sflag:s10], $0x2000  }
0x71: {  	[sflag:s10] =	ssyncset.done $0x0  }
0x72: {  	[sflag:s10] =	ssyncadd.s32 $0xFFFFE000  }
0x73: {  	_ =	swait.ge [sflag:s30], $0x80  }
0x74: {  	[sflag:s30] =	ssyncset.done $0x0  }
0x75: {  	[sflag:s30] =	ssyncadd.s32 $0xFFFFFF80  }
0x76: {  	[spmem:s1] =	stream.indirect.scatter.add.f32 [tilespmem:s16], [sflag:$0xD], $0x40, s13, s15, $0xb8;
	[tilespmem:$0x18A80] =	vst v63  }
0x77: {  	_ =	swait.ge [sflag:s12], $0x2000  }
0x78: {  	[sflag:s12] =	ssyncset.done $0x0  }
0x79: {  	[sflag:s12] =	ssyncadd.s32 $0xFFFFE000  }
0x7a: {  	_ =	swait.ge [sflag:s12], $0x2000  }
0x7b: {  	[sflag:s12] =	ssyncset.done $0x0  }
0x7c: {  	[sflag:s12] =	ssyncadd.s32 $0xFFFFE000  }
0x7d: {  	_ =	swait.ge [sflag:s12], $0x2000  }
0x7e: {  	[sflag:s12] =	ssyncset.done $0x0  }
0x7f: {  	[sflag:s12] =	ssyncadd.s32 $0xFFFFE000  }
0x80: {  	_ =	swait.ge [sflag:s12], $0x2000  }
0x81: {  	[sflag:s12] =	ssyncset.done $0x0  }
0x82: {  	s29 =	simm.s32 $0xC;
	s14 =	simm.s32 $0xC0;
	[sflag:s12] =	ssyncadd.s32 $0xFFFFE000  }
0x83: {  	s2 =	simm.s32 $0x3;
	s5 =	simm.s32 $0x9;
	_ =	swait.ge [sflag:s12], $0x2000  }
0x84: {  	s6 =	simm.s32 $0x4;
	s7 =	simm.s32 $0xA;
	[sflag:s12] =	ssyncset.done $0x0  }
0x85: {  	s8 =	simm.s32 $0x5;
	s9 =	simm.s32 $0xB;
	[sflag:s12] =	ssyncadd.s32 $0xFFFFE000  }
0x86: {  	s10 =	simm.s32 $0x6;
	s30 =	simm.s32 $0x7;
	_ =	swait.ge [sflag:s12], $0x2000  }
0x87: {  	s13 =	simm.s32 $0x60;
	s16 =	rddreg [dreg:$0x4];
	[sflag:s12] =	ssyncset.done $0x0  }
.LBB2_4:
0x88: {  	[sflag:s12] =	ssyncadd.s32 $0xFFFFE000  }
0x89: {  	s11 =	sadd.s32 $0x300, s11;
	s16 =	sadd.s32 s13, s16;
	s19 =	simm.s32 $0x2700  }
0x8a: {  	[tilespmem:s19], [sflag:$0x7] =	stream.linear.gather [hbm4b:s16+s3], $0x80, $0x38;
	[tilespmem:$0x18A80] =	vst v63  }
0x8b: {  	s18 =	rddreg [dreg:$0x9];
	s19 =	simm.s32 $0x2A80;
	s21 =	sadd.s32 $0xFFFFFD80, s11  }
0x8c: {  	[tilespmem:s19], [sflag:$0x1] =	stream.indirect.gather [hbm4b:s4+s15], $0x40, s21, s15, $0xb8;
	[tilespmem:$0x18A80] =	vst v63  }
0x8d: {  	s20 =	simm.s32 $0x2780;
	s22 =	sadd.s32 s13, s18  }
0x8e: {  	[tilespmem:s20], [sflag:$0x8] =	stream.linear.gather [hbm4b:s22+s3], $0x80, $0x38;
	[tilespmem:$0x18A80] =	vst v63  }
0x8f: {  	s23 =	rddreg [dreg:$0x8];
	s24 =	sadd.s32 $0xFFFFFE00, s11;
	s20 =	simm.s32 $0x4A80  }
0x90: {  	[tilespmem:s20], [sflag:$0x2] =	stream.indirect.gather [hbm4b:s4+s15], $0x40, s24, s15, $0xb8;
	[tilespmem:$0x18A80] =	vst v63  }
0x91: {  	s25 =	sadd.s32 s13, s23;
	s24 =	simm.s32 $0x2800  }
0x92: {  	[tilespmem:s24], [sflag:$0x9] =	stream.linear.gather [hbm4b:s25+s3], $0x80, $0x38;
	[tilespmem:$0x18A80] =	vst v63  }
0x93: {  	s26 =	rddreg [dreg:$0x7];
	s28 =	simm.s32 $0x6A80;
	s0 =	sadd.s32 $0xFFFFFE80, s11  }
0x94: {  	[tilespmem:s28], [sflag:$0x3] =	stream.indirect.gather [hbm4b:s4+s15], $0x40, s0, s15, $0xb8;
	[tilespmem:$0x18A80] =	vst v63  }
0x95: {  	s18 =	sadd.s32 s13, s26;
	s26 =	simm.s32 $0x2880  }
0x96: {  	[tilespmem:s26], [sflag:$0xA] =	stream.linear.gather [hbm4b:s18+s3], $0x80, $0x38;
	[tilespmem:$0x18A80] =	vst v63  }
0x97: {  	s23 =	sadd.s32 $0xFFFFFF00, s11;
	s21 =	rddreg [dreg:$0x6];
	s22 =	simm.s32 $0x8A80  }
0x98: {  	[tilespmem:s22], [sflag:$0x4] =	stream.indirect.gather [hbm4b:s4+s15], $0x40, s23, s15, $0xb8;
	[tilespmem:$0x18A80] =	vst v63  }
0x99: {  	s25 =	sadd.s32 s13, s21;
	s23 =	simm.s32 $0x2900  }
0x9a: {  	[tilespmem:s23], [sflag:$0xB] =	stream.linear.gather [hbm4b:s25+s3], $0x80, $0x38;
	[tilespmem:$0x18A80] =	vst v63  }
0x9b: {  	s21 =	simm.s32 $0xAA80;
	s0 =	rddreg [dreg:$0x5];
	s25 =	sadd.s32 $0xFFFFFF80, s11  }
0x9c: {  	[tilespmem:s21], [sflag:$0x5] =	stream.indirect.gather [hbm4b:s4+s15], $0x40, s25, s15, $0xb8;
	[tilespmem:$0x18A80] =	vst v63  }
0x9d: {  	s0 =	sadd.s32 s13, s0;
	s25 =	simm.s32 $0x2980  }
0x9e: {  	[tilespmem:s25], [sflag:$0xC] =	stream.linear.gather [hbm4b:s0+s3], $0x80, $0x38;
	[tilespmem:$0x18A80] =	vst v63  }
0x9f: {  	s16 =	simm.s32 $0xCA80;
	s0 =	simm.s32 $0x1  }
0xa0: {  	[tilespmem:s16], [sflag:$0x6] =	stream.indirect.gather [hbm4b:s4+s15], $0x40, s11, s15, $0xb8;
	[tilespmem:$0x18A80] =	vst v63  }
0xa1: {  	_ =	swait.ge [sflag:s0], $0x2000  }
0xa2: {  	[sflag:s0] =	ssyncset.done $0x0  }
0xa3: {  	[sflag:s0] =	ssyncadd.s32 $0xFFFFE000  }
0xa4: {  	_ =	swait.ge [sflag:s30], $0x80  }
0xa5: {  	[sflag:s30] =	ssyncset.done $0x0  }
0xa6: {  	s18 =	simm.s32 $0x2700;
	[sflag:s30] =	ssyncadd.s32 $0xFFFFFF80  }
0xa7: {  	[spmem:s1] =	stream.indirect.scatter.add.f32 [tilespmem:s19], [sflag:$0xD], $0x40, s18, s15, $0xb8;
	[tilespmem:$0x18A80] =	vst v63  }
0xa8: {  	_ =	swait.ge [sflag:s31], $0x2000  }
0xa9: {  	[sflag:s31] =	ssyncset.done $0x0  }
0xaa: {  	s0 =	simm.s32 $0x8;
	[sflag:s31] =	ssyncadd.s32 $0xFFFFE000  }
0xab: {  	_ =	swait.ge [sflag:s0], $0x80  }
0xac: {  	s17 =	smov.u32 s14;
	[sflag:s0] =	ssyncset.done $0x0  }
0xad: {  	s13 =	smov.u32 s17;
	s17 =	simm.s32 $0x2780;
	[sflag:s0] =	ssyncadd.s32 $0xFFFFFF80  }
0xae: {  	[spmem:s1] =	stream.indirect.scatter.add.f32 [tilespmem:s20], [sflag:$0xD], $0x40, s17, s15, $0xb8;
	[tilespmem:$0x18A80] =	vst v63  }
0xaf: {  	_ =	swait.ge [sflag:s2], $0x2000  }
0xb0: {  	[sflag:s2] =	ssyncset.done $0x0  }
0xb1: {  	[sflag:s2] =	ssyncadd.s32 $0xFFFFE000  }
0xb2: {  	_ =	swait.ge [sflag:s5], $0x80  }
0xb3: {  	[sflag:s5] =	ssyncset.done $0x0  }
0xb4: {  	[sflag:s5] =	ssyncadd.s32 $0xFFFFFF80  }
0xb5: {  	[spmem:s1] =	stream.indirect.scatter.add.f32 [tilespmem:s28], [sflag:$0xD], $0x40, s24, s15, $0xb8;
	[tilespmem:$0x18A80] =	vst v63  }
0xb6: {  	_ =	swait.ge [sflag:s6], $0x2000  }
0xb7: {  	[sflag:s6] =	ssyncset.done $0x0  }
0xb8: {  	[sflag:s6] =	ssyncadd.s32 $0xFFFFE000  }
0xb9: {  	_ =	swait.ge [sflag:s7], $0x80  }
0xba: {  	[sflag:s7] =	ssyncset.done $0x0  }
0xbb: {  	[sflag:s7] =	ssyncadd.s32 $0xFFFFFF80  }
0xbc: {  	[spmem:s1] =	stream.indirect.scatter.add.f32 [tilespmem:s22], [sflag:$0xD], $0x40, s26, s15, $0xb8;
	[tilespmem:$0x18A80] =	vst v63  }
0xbd: {  	_ =	swait.ge [sflag:s8], $0x2000  }
0xbe: {  	[sflag:s8] =	ssyncset.done $0x0  }
0xbf: {  	[sflag:s8] =	ssyncadd.s32 $0xFFFFE000  }
0xc0: {  	_ =	swait.ge [sflag:s9], $0x80  }
0xc1: {  	[sflag:s9] =	ssyncset.done $0x0  }
0xc2: {  	[sflag:s9] =	ssyncadd.s32 $0xFFFFFF80  }
0xc3: {  	[spmem:s1] =	stream.indirect.scatter.add.f32 [tilespmem:s21], [sflag:$0xD], $0x40, s23, s15, $0xb8;
	[tilespmem:$0x18A80] =	vst v63  }
0xc4: {  	_ =	swait.ge [sflag:s10], $0x2000  }
0xc5: {  	[sflag:s10] =	ssyncset.done $0x0  }
0xc6: {  	[sflag:s10] =	ssyncadd.s32 $0xFFFFE000  }
0xc7: {  	_ =	swait.ge [sflag:s29], $0x80  }
0xc8: {  	[sflag:s29] =	ssyncset.done $0x0  }
0xc9: {  	[sflag:s29] =	ssyncadd.s32 $0xFFFFFF80  }
0xca: {  	[spmem:s1] =	stream.indirect.scatter.add.f32 [tilespmem:s16], [sflag:$0xD], $0x40, s25, s15, $0xb8;
	[tilespmem:$0x18A80] =	vst v63  }
0xcb: {  	_ =	swait.ge [sflag:s12], $0x2000  }
0xcc: {  	[sflag:s12] =	ssyncset.done $0x0  }
0xcd: {  	[sflag:s12] =	ssyncadd.s32 $0xFFFFE000  }
0xce: {  	_ =	swait.ge [sflag:s12], $0x2000  }
0xcf: {  	[sflag:s12] =	ssyncset.done $0x0  }
0xd0: {  	[sflag:s12] =	ssyncadd.s32 $0xFFFFE000  }
0xd1: {  	_ =	swait.ge [sflag:s12], $0x2000  }
0xd2: {  	[sflag:s12] =	ssyncset.done $0x0  }
0xd3: {  	[sflag:s12] =	ssyncadd.s32 $0xFFFFE000  }
0xd4: {  	_ =	swait.ge [sflag:s12], $0x2000  }
0xd5: {  	[sflag:s12] =	ssyncset.done $0x0  }
0xd6: {  	p1 =	sne.s32 s14, $0x480;
	[sflag:s12] =	ssyncadd.s32 $0xFFFFE000  }
.Ltmp1:
0xd7: {  	_ =	swait.ge [sflag:s12], $0x2000;
	(pc) =	sbr.rel @p1 .LBB2_4-.Ltmp1, $4  }
0xd8: {  	[sflag:s12] =	ssyncset.done $0x0  }
0xd9: {  	[sflag:s12] =	ssyncadd.s32 $0xFFFFE000  }
0xda: {  	_ =	swait.ge [sflag:s12], $0x2000  }
0xdb: {  	s14 =	sadd.s32 $0x60, s14;
	s16 =	rddreg [dreg:$0x4];
	[sflag:s12] =	ssyncset.done $0x0  }
0xdc: {  	[sflag:s12] =	ssyncadd.s32 $0xFFFFE000;
	s11 =	sadd.s32 $0x300, s11;
	s14 =	sadd.s32 s13, s16  }
0xdd: {  	[tilespmem:s18], [sflag:$0x7] =	stream.linear.gather [hbm4b:s14+s3], $0x80, $0x38;
	[tilespmem:$0x18A80] =	vst v63  }
0xde: {  	s21 =	rddreg [dreg:$0x9];
	s22 =	sadd.s32 $0xFFFFFD80, s11  }
0xdf: {  	[tilespmem:s19], [sflag:$0x1] =	stream.indirect.gather [hbm4b:s4+s15], $0x40, s22, s15, $0xb8;
	[tilespmem:$0x18A80] =	vst v63  }
0xe0: {  	s23 =	sadd.s32 s13, s21  }
0xe1: {  	[tilespmem:s17], [sflag:$0x8] =	stream.linear.gather [hbm4b:s23+s3], $0x80, $0x38;
	[tilespmem:$0x18A80] =	vst v63  }
0xe2: {  	s24 =	rddreg [dreg:$0x8];
	s25 =	sadd.s32 $0xFFFFFE00, s11  }
0xe3: {  	[tilespmem:s20], [sflag:$0x2] =	stream.indirect.gather [hbm4b:s4+s15], $0x40, s25, s15, $0xb8;
	[tilespmem:$0x18A80] =	vst v63  }
0xe4: {  	s26 =	sadd.s32 s13, s24;
	s24 =	simm.s32 $0x2800  }
0xe5: {  	[tilespmem:s24], [sflag:$0x9] =	stream.linear.gather [hbm4b:s26+s3], $0x80, $0x38;
	[tilespmem:$0x18A80] =	vst v63  }
0xe6: {  	s0 =	rddreg [dreg:$0x7];
	s21 =	sadd.s32 $0xFFFFFE80, s11;
	s26 =	simm.s32 $0x6A80  }
0xe7: {  	[tilespmem:s26], [sflag:$0x3] =	stream.indirect.gather [hbm4b:s4+s15], $0x40, s21, s15, $0xb8;
	[tilespmem:$0x18A80] =	vst v63  }
0xe8: {  	s22 =	sadd.s32 s13, s0;
	s25 =	simm.s32 $0x2880  }
0xe9: {  	[tilespmem:s25], [sflag:$0xA] =	stream.linear.gather [hbm4b:s22+s3], $0x80, $0x38;
	[tilespmem:$0x18A80] =	vst v63  }
0xea: {  	s0 =	sadd.s32 $0xFFFFFF00, s11;
	s23 =	rddreg [dreg:$0x6];
	s22 =	simm.s32 $0x8A80  }
0xeb: {  	[tilespmem:s22], [sflag:$0x4] =	stream.indirect.gather [hbm4b:s4+s15], $0x40, s0, s15, $0xb8;
	[tilespmem:$0x18A80] =	vst v63  }
0xec: {  	s21 =	sadd.s32 s13, s23;
	s23 =	simm.s32 $0x2900  }
0xed: {  	[tilespmem:s23], [sflag:$0xB] =	stream.linear.gather [hbm4b:s21+s3], $0x80, $0x38;
	[tilespmem:$0x18A80] =	vst v63  }
0xee: {  	s16 =	rddreg [dreg:$0x5];
	s0 =	sadd.s32 $0xFFFFFF80, s11;
	s21 =	simm.s32 $0xAA80  }
0xef: {  	[tilespmem:s21], [sflag:$0x5] =	stream.indirect.gather [hbm4b:s4+s15], $0x40, s0, s15, $0xb8;
	[tilespmem:$0x18A80] =	vst v63  }
0xf0: {  	s14 =	simm.s32 $0x2980;
	s0 =	sadd.s32 s13, s16  }
0xf1: {  	[tilespmem:s14], [sflag:$0xC] =	stream.linear.gather [hbm4b:s0+s3], $0x80, $0x38;
	[tilespmem:$0x18A80] =	vst v63  }
0xf2: {  	s28 =	simm.s32 $0x1;
	s16 =	simm.s32 $0xCA80  }
0xf3: {  	[tilespmem:s16], [sflag:$0x6] =	stream.indirect.gather [hbm4b:s4+s15], $0x40, s11, s15, $0xb8;
	[tilespmem:$0x18A80] =	vst v63  }
0xf4: {  	_ =	swait.ge [sflag:s28], $0x2000  }
0xf5: {  	[sflag:s28] =	ssyncset.done $0x0  }
0xf6: {  	[sflag:s28] =	ssyncadd.s32 $0xFFFFE000  }
0xf7: {  	_ =	swait.ge [sflag:s30], $0x80  }
0xf8: {  	[sflag:s30] =	ssyncset.done $0x0  }
0xf9: {  	[sflag:s30] =	ssyncadd.s32 $0xFFFFFF80  }
0xfa: {  	[spmem:s1] =	stream.indirect.scatter.add.f32 [tilespmem:s19], [sflag:$0xD], $0x40, s18, s15, $0xb8;
	[tilespmem:$0x18A80] =	vst v63  }
0xfb: {  	_ =	swait.ge [sflag:s31], $0x2000  }
0xfc: {  	[sflag:s31] =	ssyncset.done $0x0  }
0xfd: {  	s0 =	simm.s32 $0x8;
	[sflag:s31] =	ssyncadd.s32 $0xFFFFE000  }
0xfe: {  	_ =	swait.ge [sflag:s0], $0x80  }
0xff: {  	[sflag:s0] =	ssyncset.done $0x0  }
0x100: {  	[sflag:s0] =	ssyncadd.s32 $0xFFFFFF80  }
0x101: {  	[spmem:s1] =	stream.indirect.scatter.add.f32 [tilespmem:s20], [sflag:$0xD], $0x40, s17, s15, $0xb8;
	[tilespmem:$0x18A80] =	vst v63  }
0x102: {  	_ =	swait.ge [sflag:s2], $0x2000  }
0x103: {  	[sflag:s2] =	ssyncset.done $0x0  }
0x104: {  	[sflag:s2] =	ssyncadd.s32 $0xFFFFE000  }
0x105: {  	_ =	swait.ge [sflag:s5], $0x80  }
0x106: {  	[sflag:s5] =	ssyncset.done $0x0  }
0x107: {  	[sflag:s5] =	ssyncadd.s32 $0xFFFFFF80  }
0x108: {  	[spmem:s1] =	stream.indirect.scatter.add.f32 [tilespmem:s26], [sflag:$0xD], $0x40, s24, s15, $0xb8;
	[tilespmem:$0x18A80] =	vst v63  }
0x109: {  	_ =	swait.ge [sflag:s6], $0x2000  }
0x10a: {  	[sflag:s6] =	ssyncset.done $0x0  }
0x10b: {  	[sflag:s6] =	ssyncadd.s32 $0xFFFFE000  }
0x10c: {  	_ =	swait.ge [sflag:s7], $0x80  }
0x10d: {  	[sflag:s7] =	ssyncset.done $0x0  }
0x10e: {  	[sflag:s7] =	ssyncadd.s32 $0xFFFFFF80  }
0x10f: {  	[spmem:s1] =	stream.indirect.scatter.add.f32 [tilespmem:s22], [sflag:$0xD], $0x40, s25, s15, $0xb8;
	[tilespmem:$0x18A80] =	vst v63  }
0x110: {  	_ =	swait.ge [sflag:s8], $0x2000  }
0x111: {  	[sflag:s8] =	ssyncset.done $0x0  }
0x112: {  	[sflag:s8] =	ssyncadd.s32 $0xFFFFE000  }
0x113: {  	_ =	swait.ge [sflag:s9], $0x80  }
0x114: {  	[sflag:s9] =	ssyncset.done $0x0  }
0x115: {  	[sflag:s9] =	ssyncadd.s32 $0xFFFFFF80  }
0x116: {  	[spmem:s1] =	stream.indirect.scatter.add.f32 [tilespmem:s21], [sflag:$0xD], $0x40, s23, s15, $0xb8;
	[tilespmem:$0x18A80] =	vst v63  }
0x117: {  	_ =	swait.ge [sflag:s10], $0x2000  }
0x118: {  	[sflag:s10] =	ssyncset.done $0x0  }
0x119: {  	[sflag:s10] =	ssyncadd.s32 $0xFFFFE000  }
0x11a: {  	_ =	swait.ge [sflag:s29], $0x80  }
0x11b: {  	[sflag:s29] =	ssyncset.done $0x0  }
0x11c: {  	[sflag:s29] =	ssyncadd.s32 $0xFFFFFF80  }
0x11d: {  	[spmem:s1] =	stream.indirect.scatter.add.f32 [tilespmem:s16], [sflag:$0xD], $0x40, s14, s15, $0xb8;
	[tilespmem:$0x18A80] =	vst v63  }
0x11e: {  	_ =	swait.ge [sflag:s12], $0x2000  }
0x11f: {  	[sflag:s12] =	ssyncset.done $0x0  }
0x120: {  	[sflag:s12] =	ssyncadd.s32 $0xFFFFE000  }
0x121: {  	_ =	swait.ge [sflag:s12], $0x2000  }
0x122: {  	[sflag:s12] =	ssyncset.done $0x0  }
0x123: {  	[sflag:s12] =	ssyncadd.s32 $0xFFFFE000  }
0x124: {  	_ =	swait.ge [sflag:s12], $0x2000  }
0x125: {  	[sflag:s12] =	ssyncset.done $0x0  }
0x126: {  	[sflag:s12] =	ssyncadd.s32 $0xFFFFE000  }
0x127: {  	_ =	swait.ge [sflag:s12], $0x2000  }
0x128: {  	[sflag:s12] =	ssyncset.done $0x0  }
0x129: {  	[sflag:s12] =	ssyncadd.s32 $0xFFFFE000  }
0x12a: {  	_ =	swait.ge [sflag:s12], $0x2000  }
0x12b: {  	[sflag:s12] =	ssyncset.done $0x0  }
0x12c: {  	[sflag:s12] =	ssyncadd.s32 $0xFFFFE000  }
0x12d: {  	_ =	swait.ge [sflag:s12], $0x2000  }
0x12e: {  	s13 =	simm.s32 @!p0 $0x2A00;
	[sflag:s12] =	ssyncset.done $0x0  }
0x12f: {  	s11 =	simm.s32 @!p0 $0x0;
	s14 =	rddreg [dreg:$0xc];
	[sflag:s12] =	ssyncadd.s32 $0xFFFFE000  }
0x130: {  	[tilespmem:s13], [sflag:$0xE] =	stream.linear.gather @!p0 [hbm4b:s14+s11], $0x80, $0x38;
	[tilespmem:$0x18A80] =	vst v63  }
0x131: {  	s14 =	simm.s32 @!p0 $0xE  }
0x132: {  	_ =	swait.ge @!p0 [sflag:s14], $0x80  }
0x133: {  	[sflag:s14] =	ssyncset.done @!p0 $0x0  }
0x134: {  	[sflag:s14] =	ssyncadd.s32 @!p0 $0xFFFFFF80  }
0x135: {  	v0 =	vld @!p0 [tilespmem:$0x2A00]  }
0x136: {  	v1 =	vld @!p0 [tilespmem:$0x2A10]  }
0x137: {  	v2 =	vld @!p0 [tilespmem:$0x2A20]  }
0x138: {  	v3 =	vld @!p0 [tilespmem:$0x2A30]  }
0x139: {  	v4 =	vld @!p0 [tilespmem:$0x2A40]  }
0x13a: {  	v5 =	vld @!p0 [tilespmem:$0x2A50];
	v0 =	vshll.u32 @!p0 v0, $0x1  }
0x13b: {  	[tilespmem:$0x2A00] =	vst @!p0 v0;
	v0 =	vshll.u32 @!p0 v1, $0x1;
	v1 =	vld @!p0 [tilespmem:$0x2A60]  }
0x13c: {  	[tilespmem:$0x2A10] =	vst @!p0 v0;
	v0 =	vshll.u32 @!p0 v2, $0x1;
	v2 =	vld @!p0 [tilespmem:$0x2A70]  }
0x13d: {  	[tilespmem:$0x2A20] =	vst @!p0 v0;
	v0 =	vshll.u32 @!p0 v3, $0x1  }
0x13e: {  	[tilespmem:$0x2A30] =	vst @!p0 v0;
	v0 =	vshll.u32 @!p0 v4, $0x1  }
0x13f: {  	[tilespmem:$0x2A40] =	vst @!p0 v0;
	v0 =	vshll.u32 @!p0 v5, $0x1  }
0x140: {  	[tilespmem:$0x2A50] =	vst @!p0 v0;
	v0 =	vshll.u32 @!p0 v1, $0x1  }
0x141: {  	[tilespmem:$0x2A60] =	vst @!p0 v0;
	v0 =	vshll.u32 @!p0 v2, $0x1  }
0x142: {  	s16 =	simm.s32 @!p0 $0x2700;
	s17 =	rddreg [dreg:$0xd];
	[tilespmem:$0x2A70] =	vst @!p0 v0  }
0x143: {  	[tilespmem:s16], [sflag:$0xE] =	stream.linear.gather @!p0 [hbm4b:s17+s11], $0x80, $0x38;
	[tilespmem:$0x18A80] =	vst v63  }
0x144: {  	_ =	swait.ge @!p0 [sflag:s14], $0x80  }
0x145: {  	[sflag:s14] =	ssyncset.done @!p0 $0x0  }
0x146: {  	s11 =	simm.s32 @!p0 $0x80;
	s17 =	simm.s32 @!p0 $0x2A80;
	[sflag:s14] =	ssyncadd.s32 @!p0 $0xFFFFFF80  }
0x147: {  	[tilespmem:s17], [sflag:$0x1] =	stream.indirect.gather @!p0 [hbm4b:s4+s11], $0x40, s13, s11, $0xb8;
	[tilespmem:$0x18A80] =	vst v63  }
0x148: {  	s13 =	simm.s32 @!p0 $0x1  }
0x149: {  	_ =	swait.ge @!p0 [sflag:s13], $0x2000  }
0x14a: {  	[sflag:s13] =	ssyncset.done @!p0 $0x0  }
0x14b: {  	[sflag:s13] =	ssyncadd.s32 @!p0 $0xFFFFE000  }
0x14c: {  	[spmem:s1] =	stream.indirect.scatter.add.f32 @!p0 [tilespmem:s17], [sflag:$0xE], $0x40, s16, s11, $0xb8;
	[tilespmem:$0x18A80] =	vst v63  }
0x14d: {  	_ =	swait.ge @!p0 [sflag:s14], $0x2000  }
0x14e: {  	[sflag:s14] =	ssyncset.done @!p0 $0x0  }
0x14f: {  	[sflag:s14] =	ssyncadd.s32 @!p0 $0xFFFFE000  }
0x150: {  	[bflag:$0x0] =	sbarrier.arrive $0xFFFF  }
0x151: {  	s23 =	rddreg [dreg:$0xe]  }
0x152: {  	s14 =	rddreg [dreg:$0x10]  }
0x153: {  	s24 =	simm.s32 $0x10;
	s13 =	simm.s32 $0xE;
	s16 =	rddreg [dreg:$0x11]  }
0x154: {  	[hbm:s23@s24], [sflag:s14] =	dma.strided [spmem:s16@s0], $0x1400, s28, $0x8   }
0x155: {  	_ =	swait.ge [sflag:s13], $0x1400  }
0x156: {  	s25 =	rddreg [dreg:$0x12]  }
0x157: {  	s26 =	rddreg [dreg:$0xf];
	s17 =	sadd.s32 $0x1, s25  }
0x158: {  	p1 =	sne.s32 s17, s26  }
.Ltmp2:
0x159: {  	s30 =	simm.s32 $0xC;
	s2 =	simm.s32 $0x3;
	(pc) =	sbr.rel @p1 .LBB2_1-.Ltmp2, $4  }
0x15a: {  	s5 =	simm.s32 $0x9;
	s6 =	simm.s32 $0x4;
	s7 =	simm.s32 $0xA  }
0x15b: {  	s8 =	simm.s32 $0x5;
	s9 =	simm.s32 $0xB;
	s10 =	simm.s32 $0x6  }
0x15c: {  	s29 =	simm.s32 $0x2;
	s28 =	simm.s32 $0x7;
	[sflag:s13] =	ssyncset.done $0x0  }
0x15d: {  	s0 =	simm.s32 $0x8;
	[sflag:s13] =	ssyncadd.s32 $0xFFFFEC00;
	s26 =	simm.s32 $0x1  }
0x15e: {  	_ =	sfence.sel $0x180000  }
0x15f: {  	[bflag:$0x0] =	sbarrier.arrive $0xFFFF  }
0x160: {  	_ =	strace $0x9000004A  }
0x161: {  	s0 =	stileid.u32;
	[bflag:$0x2] =	sbarrier.arrive $0xFFFF  }
0x162: {  	p0 =	sne.s32 s0, $0x0;
	s0 =	rddreg [dreg:$0x3]  }
0x163: {  	s0 =	sadd.s32 @!p0 $0x100000, s0  }
0x164: {  	[sflag:s0] =	ssyncadd.tile.s32 @!p0 $0x1;
	_ =	shalt  }
.Lfunc_end2:
_tile_overlayer_lowered:
.L_overlay_start_2:
0x165: {  	(tag) =	ssettag $0x2  }
0x166: {  	s0 =	rddreg [dreg:$0x0];
	s2 =	stileid.u32  }
0x167: {  	s1 =	rddreg [dreg:$0x1];
	p0 =	sne.s32 s2, $0x0  }
0x168: {  	s3 =	rddreg [dreg:$0x2];
	[bflag:$0x3] =	sbarrier.arrive $0xFFFF;
	s2 =	simm.s32 @!p0 $0x1C0E  }
0x169: {  	[timem:s3], [sflag:s2] =	dma.local @!p0 [hbm:s0], s1  }
0x16a: {  	s0 =	simm.s32 @!p0 $0xE  }
0x16b: {  	_ =	swait.ge @!p0 [sflag:s0], s1  }
0x16c: {  	s1 =	ssub.s32 @!p0 $0x0, s1;
	[sflag:s0] =	ssyncset.done @!p0 $0x0  }
0x16d: {  	[sflag:s0] =	ssyncadd.s32 @!p0 s1  }
0x16e: {  	[bflag:$0x3] =	sbarrier.arrive $0xFFFF  }
0x16f: {  	_ =	shalt  }

// kernel: kernel.14.cloned.1.call-start
scs
__scs_entry_jumppad:
0x0: {  	(pc) =	sbr.rel $0x88, $3  }
0x1: {  	(tag) =	ssettag $0x0;
	lr =	simm.s32 $0x1  }
0x2: {  	[smem:$0x3F9B] =	sst lr;
	_ =	strace $0xD0000000  }
0x3: {  	_ = 	snop  }
0x4: {  	_ = 	snop  }
0x5: {  	_ = 	snop  }
0x6: {  	_ = 	snop  }
0x7: {  	_ = 	snop  }
__scs_overlays_trampoline_lowered:
0x8: {  	[smem:$0x3FAA] =	sst s0  }
0x9: {  	[smem:$0x3FAB] =	sst s1  }
0xa: {  	[smem:$0x3FAC] =	sst s2  }
0xb: {  	[smem:$0x3FAD] =	sst s3  }
0xc: {  	[smem:$0x3FAE] =	sst s4  }
0xd: {  	[smem:$0x3FAF] =	sst s5  }
0xe: {  	[smem:$0x3FB0] =	sst s6  }
0xf: {  	[smem:$0x3FB1] =	sst s7  }
0x10: {  	[smem:$0x3FB2] =	sst s8  }
0x11: {  	[smem:$0x3FB3] =	sst s9;
	s0 =	simm.s32 @!p0 $0x0  }
0x12: {  	s1 =	sld [smem:$0x3F99];
	s0 =	simm.s32 @p0 $0x1  }
0x13: {  	[smem:$0x3FB4] =	sst s0;
	s0 =	simm.s32 @!p1 $0x0  }
0x14: {  	s2 =	sld [smem:$0x3F98];
	s0 =	simm.s32 @p1 $0x1  }
0x15: {  	[smem:$0x3FB5] =	sst s0;
	s0 =	simm.s32 @!p2 $0x0  }
0x16: {  	s3 =	sld [smem:$0x3FDB];
	s0 =	simm.s32 @p2 $0x1  }
0x17: {  	s4 =	simm.s32 $0x1BF5;
	[smem:$0x3FB7] =	sst s0  }
0x18: {  	s0 =	sld [smem:$0x3F9A];
	_ =	swait.ge [sflag:s4], $0x0  }
0x19: {  	s7 =	sld [smem:$0x3F9B]  }
0x1a: {  	s8 =	sadd.s32 $0xFFFFE003, lr  }
0x1b: {  	s9 =	sadd.s32 $0xFFFFFEF7, lr;
	s5 =	simm.s32 $0xFFFFFFFF;
	p2 =	slt.u32 s8, $0xFFFFF086  }
0x1c: {  	p1 =	slt.u32 s9, $0xF7A;
	s5 =	simm.s32 @!p2 $0x0  }
0x1d: {  	s5 =	simm.s32 @p1 $0x1;
	p0 =	seq.s32 s7, s2  }
0x1e: {  	s7 =	smul.u32 @!p0 $0xF7A, s2;
	p2 =	seq.s32 @!p0 s5, $0x0  }
0x1f: {  	s9 =	smul.u32 $0xF7A, s1;
	s8 =	simm.s32 @!p0 $0x1BF5;
	p2 =	por !p2, p0  }
0x20: {  	[sflag:s8] =	ssyncset.s32 @!p0 $0xFFFFF086;
	s6 =	sadd.s32 @!p0 s3, s7;
	s7 =	simm.s32 @!p0 $0x108  }
0x21: {  	s3 =	sadd.s32 s3, s9;
	s6 =	sadd.s32 @!p0 $0x88, s6;
	s7 =	simm.s32 @p2 $0x1082  }
0x22: {  	[simem:s7], [sflag:s8] =	dma.local @!p0 [hbm:s6], $0xF7A  }
0x23: {  	s9 =	sor.u32 $0xD0000000, s2;
	s6 =	simm.s32 $0x108;
	_ =	swait.ge @!p0 [sflag:s8], $0x0  }
0x24: {  	s3 =	sadd.s32 $0x88, s3;
	s6 =	simm.s32 @!p1 $0x1082;
	[sflag:s4] =	ssyncset.s32 $0xFFFFF086  }
0x25: {  	[simem:s6], [sflag:s4] =	dma.local [hbm:s3], $0xF7A  }
0x26: {  	[smem:$0x3F9B] =	sst s1;
	(tag) =	ssettag s2;
	_ =	strace s9  }
0x27: {  	s1 =	sld [smem:$0x3FAB]  }
0x28: {  	s2 =	sld [smem:$0x3FAC]  }
0x29: {  	s4 =	sld [smem:$0x3FAE]  }
0x2a: {  	p0 =	seq.s32 s5, $0x0;
	s5 =	sld [smem:$0x3FAF]  }
0x2b: {  	s6 =	sld [smem:$0x3FB0]  }
0x2c: {  	s7 =	sld [smem:$0x3FB1]  }
0x2d: {  	s3 =	simm.s32 $0x108;
	s8 =	sld [smem:$0x3FB2]  }
0x2e: {  	s3 =	simm.s32 @!p0 $0x1082;
	s9 =	sld [smem:$0x3FB3]  }
0x2f: {  	lr =	sadd.s32 s0, s3;
	s0 =	sld [smem:$0x3FAA]  }
0x30: {  	s3 =	sld [smem:$0x3FAD]  }
0x31: {  	[smem:$0x3FB6] =	sst s10  }
0x32: {  	s10 =	sld [smem:$0x3FB4];
	_ =	sdelay $0x3  }
0x33: {  	p0 =	seq.s32 s10, $0x1;
	s10 =	sld [smem:$0x3FB6];
	_ =	sdelay $0x3  }
0x34: {  	[smem:$0x3FB6] =	sst s10  }
0x35: {  	s10 =	sld [smem:$0x3FB5];
	_ =	sdelay $0x3  }
0x36: {  	p1 =	seq.s32 s10, $0x1;
	s10 =	sld [smem:$0x3FB6];
	_ =	sdelay $0x3  }
0x37: {  	[smem:$0x3FB6] =	sst s10  }
0x38: {  	s10 =	sld [smem:$0x3FB7]  }
0x39: {  	_ = 	snop;
	(pc) =	sbr.ind lr, $3  }
0x3a: {  	_ = 	snop  }
0x3b: {  	_ = 	snop  }
0x3c: {  	p2 =	seq.s32 s10, $0x1;
	s10 =	sld [smem:$0x3FB6]  }
0x3d: {  	_ =	shalt  }
0x3e: {  	_ =	shalt  }
0x3f: {  	_ =	shalt  }
0x40: {  	_ =	shalt  }
0x41: {  	_ =	shalt  }
0x42: {  	_ =	shalt  }
0x43: {  	_ =	shalt  }
0x44: {  	_ =	shalt  }
0x45: {  	_ =	shalt  }
0x46: {  	_ =	shalt  }
0x47: {  	_ =	shalt  }
0x48: {  	_ =	shalt  }
0x49: {  	_ =	shalt  }
0x4a: {  	_ =	shalt  }
0x4b: {  	_ =	shalt  }
0x4c: {  	_ =	shalt  }
0x4d: {  	_ =	shalt  }
0x4e: {  	_ =	shalt  }
0x4f: {  	_ =	shalt  }
0x50: {  	_ =	shalt  }
0x51: {  	_ =	shalt  }
0x52: {  	_ =	shalt  }
0x53: {  	_ =	shalt  }
0x54: {  	_ =	shalt  }
0x55: {  	_ =	shalt  }
0x56: {  	_ =	shalt  }
0x57: {  	_ =	shalt  }
0x58: {  	_ =	shalt  }
0x59: {  	_ =	shalt  }
0x5a: {  	_ =	shalt  }
0x5b: {  	_ =	shalt  }
0x5c: {  	_ =	shalt  }
0x5d: {  	_ =	shalt  }
0x5e: {  	_ =	shalt  }
0x5f: {  	_ =	shalt  }
0x60: {  	_ =	shalt  }
0x61: {  	_ =	shalt  }
0x62: {  	_ =	shalt  }
0x63: {  	_ =	shalt  }
0x64: {  	_ =	shalt  }
0x65: {  	_ =	shalt  }
0x66: {  	_ =	shalt  }
0x67: {  	_ =	shalt  }
0x68: {  	_ =	shalt  }
0x69: {  	_ =	shalt  }
0x6a: {  	_ =	shalt  }
0x6b: {  	_ =	shalt  }
0x6c: {  	_ =	shalt  }
0x6d: {  	_ =	shalt  }
0x6e: {  	_ =	shalt  }
0x6f: {  	_ =	shalt  }
0x70: {  	_ =	shalt  }
0x71: {  	_ =	shalt  }
0x72: {  	_ =	shalt  }
0x73: {  	_ =	shalt  }
0x74: {  	_ =	shalt  }
0x75: {  	_ =	shalt  }
0x76: {  	_ =	shalt  }
0x77: {  	_ =	shalt  }
0x78: {  	_ =	shalt  }
0x79: {  	_ =	shalt  }
0x7a: {  	_ =	shalt  }
0x7b: {  	_ =	shalt  }
0x7c: {  	_ =	shalt  }
0x7d: {  	_ =	shalt  }
0x7e: {  	_ =	shalt  }
0x7f: {  	_ =	shalt  }
0x80: {  	_ =	shalt  }
0x81: {  	_ =	shalt  }
0x82: {  	_ =	shalt  }
0x83: {  	_ =	shalt  }
0x84: {  	_ =	shalt  }
0x85: {  	_ =	shalt  }
0x86: {  	_ =	shalt  }
0x87: {  	_ =	shalt  }
.Lfunc_end0:
.L_simem_size_0:
called_computation.2_lowered:
.L_overlay_start_0:
0x88: {  	s2 =	sld [smem:$0x3FD9]  }
0x89: {  	s3 =	sld [smem:$0x3FFE];
	_ =	sdelay $0x1  }
0x8a: {  	s1 =	srdreg.scid  }
0x8b: {  	s0 =	sand.u32 $0x1, s1  }
0x8c: {  	s17 =	sshll.u32 s0, $0xA;
	s2 =	sadd.s32 s3, s2  }
0x8d: {  	s2 =	sadd.s32 s2, s17  }
0x8e: {  	[smem:$0x3FC2] =	sst s2  }
0x8f: {  	_ = 	snop  }
0x90: {  	s2 =	sld [smem:$0x3FD0];
	(tm) =	ssettm $0x1  }
0x91: {  	s18 =	sld [smem:$0x3FFB];
	_ =	sdelay $0x3  }
0x92: {  	_ =	strace s18  }
0x93: {  	s3 =	sld [smem:$0x3FFC];
	_ =	sdelay $0x3  }
0x94: {  	_ =	strace s3  }
0x95: {  	s3 =	sld [smem:$0x3FFD];
	_ =	sdelay $0x3  }
0x96: {  	_ =	strace s3  }
0x97: {  	_ =	strace $0x8FFFFFFF  }
0x98: {  	s19 =	sld [smem:$0x3FDB];
	_ =	sdelay $0x1  }
0x99: {  	s4 =	simm.s32 $_scs_section_size  }
0x9a: {  	s5 =	simm.s32 $_size__tile_overlayer_lowered;
	s6 =	simm.s32 $_tile_overlayer_lowered  }
0x9b: {  	s22 =	simm.s32 $0x1BFF;
	s21 =	sshll.u32 s6, $0x1;
	s3 =	sadd.s32 s4, s19  }
0x9c: {  	s7 =	simm.s32 $0x0;
	s20 =	sshll.u32 s5, $0x1;
	s5 =	sadd.s32 s21, s3  }
0x9d: {  	[timem:s7], [sflag:s22] =	dma.local [hbm:s5], s20  }
0x9e: {  	_ =	swait.ge [sflag:s22], s20  }
0x9f: {  	s4 =	ssub.s32 $0x0, s20;
	[sflag:s22] =	ssyncset.done $0x0  }
0xa0: {  	[sflag:s22] =	ssyncadd.s32 s4;
	_ =	sdelay $0x1  }
0xa1: {  	s23 =	simm.s32 $0x1B8B  }
0xa2: {  	_ =	swait.ge [sflag:s23], $0x1  }
0xa3: {  	[sflag:s23] =	ssyncset.done $0x0  }
0xa4: {  	s25 =	simm.s32 $0x1B8E;
	s24 =	sld [smem:$0x3FFE];
	[sflag:s23] =	ssyncadd.s32 $0xFFFFFFFF  }
0xa5: {  	s26 =	simm.s32 $execute0_lowered;
	[smem:$0x3FD2] =	sst s25  }
0xa6: {  	s5 =	sshll.u32 s26, $0x1;
	_ =	strace $0x8000004C;
	[dreg:$0x1] =	wrdreg $0xFFFFFFFF  }
0xa7: {  	s28 =	simm.s32 $_size_execute0_lowered;
	s3 =	sadd.s32 s3, s5;
	[dreg:$0x0] =	wrdreg $0x0  }
0xa8: {  	s5 =	sshll.u32 s28, $0x1;
	[dreg:$0x2] =	wrdreg s3  }
0xa9: {  	[dreg:$0x3] =	wrdreg s5  }
0xaa: {  	[dreg:$0x4] =	wrdreg $0xC0  }
0xab: {  	_ =	task [dreg:s7], $0x5FFFF  }
0xac: {  	[dreg:$0x1] =	wrdreg $0xFFFFFFFF  }
0xad: {  	[dreg:$0x0] =	wrdreg $0x60  }
0xae: {  	[dreg:$0x2] =	wrdreg s24  }
0xaf: {  	[dreg:$0x3] =	wrdreg s2  }
0xb0: {  	[dreg:$0x4] =	wrdreg $0xEA800  }
0xb1: {  	[dreg:$0x5] =	wrdreg $0x9  }
0xb2: {  	_ =	task.clear_ibuf [dreg:s7], $0x6FFFF;
	_ =	strace $0x9000004C  }
0xb3: {  	s29 =	simm.s32 $0x9;
	_ =	strace $0x8000004E  }
0xb4: {  	_ =	swait.ge [sflag:s29], $0x1  }
0xb5: {  	[sflag:s29] =	ssyncadd.s32 $0xFFFFFFFF  }
0xb6: {  	_ =	strace $0x9000004E  }
0xb7: {  	_ =	sfence  }
0xb8: {  	s30 =	sld [smem:$0x0];
	_ =	sdelay $0x2  }
0xb9: {  	s31 =	sshll.u32 s1, $0xD;
	s1 =	sshrl.u32 s1, $0x2  }
0xba: {  	s3 =	sand.u32 $0x4000, s31;
	s1 =	sadd.s32 s1, s30  }
0xbb: {  	s0 =	sor.u32 s3, s0;
	s1 =	sshll.u32 s1, $0x11  }
0xbc: {  	s0 =	sor.u32 s1, s0  }
0xbd: {  	s0 =	sadd.s32 $0x8F2B, s0  }
0xbe: {  	[sflag:s0] =	ssyncadd.remote.s32 $0x1  }
0xbf: {  	_ =	sfence.sel $0xFFFF  }
0xc0: {  	[dreg:$0x0] =	wrdreg $0xFFFFFFFF;
	(pc) =	sbr.abs _section_cstart, $3  }
0xc1: {  	[dreg:$0x1] =	wrdreg $0xFFFFFFFF  }
0xc2: {  	_ =	task.clear_ibuf [dreg:s7], $0x2FFFF;
	_ =	strace $0x9FFFFFFF  }
0xc3: {  	(tm) =	ssettm $0x7FFFFFFF  }
tec
execute0_lowered:
.L_overlay_start_1:
0x0: {  	(tag) =	ssettag $0x1  }
0x1: {  	s0 =	rddreg [dreg:$0x0]  }
0x2: {  	s2 =	rddreg [dreg:$0x1]  }
0x3: {  	s1 =	rddreg [dreg:$0x2];
	s3 =	simm.s32 $0x0;
	s4 =	srdreg.scid  }
0x4: {  	s12 =	stileid.u32;
	s28 =	simm.s32 $0x7;
	s29 =	simm.s32 $0x2  }
0x5: {  	s30 =	simm.s32 $0xC;
	s31 =	simm.s32 $0x2;
	s7 =	smul.u32 $0x14000, s12  }
0x6: {  	[smem:$0x7FF] =	sst s3;
	s5 =	sand.u32 $0x1, s4;
	s11 =	smul.u32 $0x28000, s12  }
0x7: {  	s4 =	sadd.s32 $0x2800, s0;
	s9 =	sadd.s32 $0x29A00, s0;
	s26 =	smul.u32 $0x2700, s12  }
0x8: {  	s25 =	sshll.u32 s12, $0x4;
	s6 =	smul.u32 $0x140000, s5;
	_ =	strace $0x8000004D  }
0x9: {  	s8 =	sshll.u32 s5, $0x4;
	[dreg:$0xa] =	wrdreg s9;
	s21 =	ssub.s32 $0x2, s5  }
0xa: {  	s5 =	smul.u32 $0x27000, s5;
	s9 =	sadd.s32 s25, s2;
	s8 =	sor.u32 s12, s8  }
0xb: {  	s10 =	sshrl.u32 s21, $0x1;
	s13 =	sshrl.u32 s11, $0x2;
	s14 =	sadd.s32 $0x9C00, s9  }
0xc: {  	s9 =	sadd.s32 $0x13840, s9;
	s6 =	sadd.s32 s7, s6;
	s22 =	smul.u32 $0x2700, s8  }
0xd: {  	s23 =	ssub.s32 s21, s10;
	[dreg:$0xc] =	wrdreg s14;
	s5 =	sadd.s32 s26, s5  }
0xe: {  	[dreg:$0xd] =	wrdreg s9;
	s26 =	sshll.u32 s12, $0x6;
	p0 =	sgt.u32 s8, $0x3  }
0xf: {  	s8 =	simm.s32 $0x5;
	s9 =	simm.s32 $0xB;
	s10 =	simm.s32 $0x6  }
0x10: {  	s12 =	simm.s32 $0xD;
	s6 =	sshrl.u32 s6, $0x3;
	s15 =	sadd.s32 $0x4E200, s5  }
0x11: {  	s16 =	sadd.s32 $0x4E480, s5;
	s17 =	sadd.s32 $0x4E400, s5;
	s21 =	sadd.s32 $0x4E380, s5  }
0x12: {  	s14 =	sor.u32 $0x1C0E, s26;
	s26 =	simm.s32 $0x1;
	s0 =	sadd.s32 s6, s0  }
0x13: {  	s24 =	sshrl.u32 s22, $0x3;
	s6 =	smax.u32 s23, $0x1;
	s19 =	sshrl.u32 s17, $0x3  }
0x14: {  	s22 =	sshrl.u32 s21, $0x3;
	s23 =	sadd.s32 $0x4E300, s5;
	s5 =	sadd.s32 $0x4E280, s5  }
0x15: {  	s17 =	simm.s32 $0x0;
	[dreg:$0x10] =	wrdreg s14;
	s7 =	sadd.s32 s2, s24  }
0x16: {  	s0 =	sadd.s32 $0x2AE00, s0;
	[dreg:$0xf] =	wrdreg s6;
	s6 =	sshrl.u32 s16, $0x3  }
0x17: {  	s20 =	sadd.s32 s19, s2;
	s5 =	sshrl.u32 s5, $0x3;
	[dreg:$0xb] =	wrdreg s7  }
0x18: {  	s19 =	simm.s32 $0x2A80;
	s7 =	sadd.s32 s13, s1;
	[dreg:$0xe] =	wrdreg s0  }
0x19: {  	s0 =	sshrl.u32 s15, $0x3;
	s18 =	sadd.s32 s6, s2;
	[dreg:$0x6] =	wrdreg s20  }
0x1a: {  	s6 =	sshrl.u32 s23, $0x3;
	s25 =	sadd.s32 s5, s2;
	s13 =	simm.s32 $0xE  }
0x1b: {  	s15 =	simm.s32 $0x80;
	s20 =	simm.s32 $0x4A80;
	[dreg:$0x5] =	wrdreg s18  }
0x1c: {  	s5 =	simm.s32 $0x9;
	s0 =	sadd.s32 s0, s2;
	[dreg:$0x9] =	wrdreg s25  }
0x1d: {  	s24 =	sadd.s32 s6, s2;
	s16 =	sshrl.u32 s7, $0x3;
	[dreg:$0x4] =	wrdreg s0  }
0x1e: {  	s18 =	simm.s32 $0x2700;
	s6 =	simm.s32 $0x4;
	[dreg:$0x8] =	wrdreg s24  }
0x1f: {  	s7 =	simm.s32 $0xA;
	s0 =	sadd.s32 s22, s2;
	[dreg:$0x11] =	wrdreg s16  }
0x20: {  	s2 =	simm.s32 $0x3;
	[dreg:$0x7] =	wrdreg s0;
	s0 =	simm.s32 $0x8  }
.LBB2_1:
0x21: {  	[dreg:$0x12] =	wrdreg s17  }
0x22: {  	s11 =	rddreg [dreg:$0xb]  }
0x23: {  	[tilespmem:s3], [sflag:$0xE] =	stream.linear.gather [hbm4b:s11+s3], $0x2700, $0x38;
	[tilespmem:$0x18A80] =	vst v63  }
0x24: {  	_ =	swait.ge [sflag:s13], $0x2700  }
0x25: {  	[sflag:s13] =	ssyncset.done $0x0  }
0x26: {  	s25 =	rddreg [dreg:$0xa];
	[sflag:s13] =	ssyncadd.s32 $0xFFFFD900  }
0x27: {  	[spmem:s16], [sflag:s14] =	dma.local [hbm:s25], $0x1400  }
0x28: {  	_ =	swait.ge [sflag:s13], $0x1400  }
0x29: {  	[sflag:s13] =	ssyncset.done $0x0  }
0x2a: {  	s11 =	simm.s32 $0x0;
	[sflag:s13] =	ssyncadd.s32 $0xFFFFEC00;
	s13 =	simm.s32 $0x40  }
.LBB2_2:
0x2b: {  	p1 =	sne.s32 s13, $0x9BC0;
	v0 =	vld [tilespmem:s11+$0x0];
	_ =	sdelay $0x1  }
.Ltmp0:
0x2c: {  	(pc) =	sbr.rel @p1 .LBB2_2-.Ltmp0, $3  }
0x2d: {  	_ =	sdelay $0x1  }
0x2e: {  	v0 =	vshll.u32 v0, $0x1  }
0x2f: {  	[tilespmem:s11+$0x0] =	vst v0;
	s11 =	sshra.s32 s13, $0x2;
	s13 =	sadd.s32 $0x40, s13  }
0x30: {  	v0 =	vld [tilespmem:s11+$0x0];
	_ =	sdelay $0x4  }
0x31: {  	v0 =	vshll.u32 v0, $0x1  }
0x32: {  	[tilespmem:s11+$0x0] =	vst v0  }
0x33: {  	[bflag:$0x0] =	sbarrier.arrive $0xFFFF  }
0x34: {  	s24 =	rddreg [dreg:$0x4]  }
0x35: {  	s11 =	sadd.s32 $0x0, s24  }
0x36: {  	[tilespmem:s18], [sflag:$0x7] =	stream.linear.gather [hbm4b:s11+s3], $0x80, $0x38;
	[tilespmem:$0x18A80] =	vst v63  }
0x37: {  	s25 =	simm.s32 $0x0;
	s13 =	rddreg [dreg:$0x9]  }
0x38: {  	[tilespmem:s19], [sflag:$0x1] =	stream.indirect.gather [hbm4b:s4+s15], $0x40, s25, s15, $0xb8;
	[tilespmem:$0x18A80] =	vst v63  }
0x39: {  	s14 =	simm.s32 $0x2780;
	s13 =	sadd.s32 $0x0, s13  }
0x3a: {  	[tilespmem:s14], [sflag:$0x8] =	stream.linear.gather [hbm4b:s13+s3], $0x80, $0x38;
	[tilespmem:$0x18A80] =	vst v63  }
0x3b: {  	s17 =	simm.s32 $0x80;
	s16 =	rddreg [dreg:$0x8]  }
0x3c: {  	[tilespmem:s20], [sflag:$0x2] =	stream.indirect.gather [hbm4b:s4+s15], $0x40, s17, s15, $0xb8;
	[tilespmem:$0x18A80] =	vst v63  }
0x3d: {  	s21 =	sadd.s32 $0x0, s16;
	s24 =	simm.s32 $0x2800  }
0x3e: {  	[tilespmem:s24], [sflag:$0x9] =	stream.linear.gather [hbm4b:s21+s3], $0x80, $0x38;
	[tilespmem:$0x18A80] =	vst v63  }
0x3f: {  	s23 =	simm.s32 $0x100;
	s22 =	rddreg [dreg:$0x7];
	s25 =	simm.s32 $0x6A80  }
0x40: {  	[tilespmem:s25], [sflag:$0x3] =	stream.indirect.gather [hbm4b:s4+s15], $0x40, s23, s15, $0xb8;
	[tilespmem:$0x18A80] =	vst v63  }
0x41: {  	s13 =	sadd.s32 $0x0, s22;
	s23 =	simm.s32 $0x2880  }
0x42: {  	[tilespmem:s23], [sflag:$0xA] =	stream.linear.gather [hbm4b:s13+s3], $0x80, $0x38;
	[tilespmem:$0x18A80] =	vst v63  }
0x43: {  	s16 =	rddreg [dreg:$0x6];
	s22 =	simm.s32 $0x8A80;
	s17 =	simm.s32 $0x180  }
0x44: {  	[tilespmem:s22], [sflag:$0x4] =	stream.indirect.gather [hbm4b:s4+s15], $0x40, s17, s15, $0xb8;
	[tilespmem:$0x18A80] =	vst v63  }
0x45: {  	s21 =	sadd.s32 $0x0, s16;
	s17 =	simm.s32 $0x2900  }
0x46: {  	[tilespmem:s17], [sflag:$0xB] =	stream.linear.gather [hbm4b:s21+s3], $0x80, $0x38;
	[tilespmem:$0x18A80] =	vst v63  }
0x47: {  	s16 =	simm.s32 $0x200;
	s13 =	rddreg [dreg:$0x5];
	s21 =	simm.s32 $0xAA80  }
0x48: {  	[tilespmem:s21], [sflag:$0x5] =	stream.indirect.gather [hbm4b:s4+s15], $0x40, s16, s15, $0xb8;
	[tilespmem:$0x18A80] =	vst v63  }
0x49: {  	s16 =	sadd.s32 $0x0, s13;
	s13 =	simm.s32 $0x2980  }
0x4a: {  	[tilespmem:s13], [sflag:$0xC] =	stream.linear.gather [hbm4b:s16+s3], $0x80, $0x38;
	[tilespmem:$0x18A80] =	vst v63  }
0x4b: {  	s11 =	simm.s32 $0x280;
	s16 =	simm.s32 $0xCA80  }
0x4c: {  	[tilespmem:s16], [sflag:$0x6] =	stream.indirect.gather [hbm4b:s4+s15], $0x40, s11, s15, $0xb8;
	[tilespmem:$0x18A80] =	vst v63  }
0x4d: {  	_ =	swait.ge [sflag:s26], $0x2000  }
0x4e: {  	[sflag:s26] =	ssyncset.done $0x0  }
0x4f: {  	[sflag:s26] =	ssyncadd.s32 $0xFFFFE000  }
0x50: {  	_ =	swait.ge [sflag:s28], $0x80  }
0x51: {  	[sflag:s28] =	ssyncset.done $0x0  }
0x52: {  	[sflag:s28] =	ssyncadd.s32 $0xFFFFFF80  }
0x53: {  	[spmem:s1] =	stream.indirect.scatter.add.f32 [tilespmem:s19], [sflag:$0xD], $0x40, s18, s15, $0xb8;
	[tilespmem:$0x18A80] =	vst v63  }
0x54: {  	_ =	swait.ge [sflag:s29], $0x2000  }
0x55: {  	[sflag:s29] =	ssyncset.done $0x0  }
0x56: {  	[sflag:s29] =	ssyncadd.s32 $0xFFFFE000  }
0x57: {  	_ =	swait.ge [sflag:s0], $0x80  }
0x58: {  	[sflag:s0] =	ssyncset.done $0x0  }
0x59: {  	[sflag:s0] =	ssyncadd.s32 $0xFFFFFF80  }
0x5a: {  	[spmem:s1] =	stream.indirect.scatter.add.f32 [tilespmem:s20], [sflag:$0xD], $0x40, s14, s15, $0xb8;
	[tilespmem:$0x18A80] =	vst v63  }
0x5b: {  	_ =	swait.ge [sflag:s2], $0x2000  }
0x5c: {  	[sflag:s2] =	ssyncset.done $0x0  }
0x5d: {  	[sflag:s2] =	ssyncadd.s32 $0xFFFFE000  }
0x5e: {  	_ =	swait.ge [sflag:s5], $0x80  }
0x5f: {  	[sflag:s5] =	ssyncset.done $0x0  }
0x60: {  	[sflag:s5] =	ssyncadd.s32 $0xFFFFFF80  }
0x61: {  	[spmem:s1] =	stream.indirect.scatter.add.f32 [tilespmem:s25], [sflag:$0xD], $0x40, s24, s15, $0xb8;
	[tilespmem:$0x18A80] =	vst v63  }
0x62: {  	_ =	swait.ge [sflag:s6], $0x2000  }
0x63: {  	[sflag:s6] =	ssyncset.done $0x0  }
0x64: {  	[sflag:s6] =	ssyncadd.s32 $0xFFFFE000  }
0x65: {  	_ =	swait.ge [sflag:s7], $0x80  }
0x66: {  	[sflag:s7] =	ssyncset.done $0x0  }
0x67: {  	[sflag:s7] =	ssyncadd.s32 $0xFFFFFF80  }
0x68: {  	[spmem:s1] =	stream.indirect.scatter.add.f32 [tilespmem:s22], [sflag:$0xD], $0x40, s23, s15, $0xb8;
	[tilespmem:$0x18A80] =	vst v63  }
0x69: {  	_ =	swait.ge [sflag:s8], $0x2000  }
0x6a: {  	[sflag:s8] =	ssyncset.done $0x0  }
0x6b: {  	[sflag:s8] =	ssyncadd.s32 $0xFFFFE000  }
0x6c: {  	_ =	swait.ge [sflag:s9], $0x80  }
0x6d: {  	[sflag:s9] =	ssyncset.done $0x0  }
0x6e: {  	[sflag:s9] =	ssyncadd.s32 $0xFFFFFF80  }
0x6f: {  	[spmem:s1] =	stream.indirect.scatter.add.f32 [tilespmem:s21], [sflag:$0xD], $0x40, s17, s15, $0xb8;
	[tilespmem:$0x18A80] =	vst v63  }
0x70: {  	_ =	swait.ge [sflag:s10], $0x2000  }
0x71: {  	[sflag:s10] =	ssyncset.done $0x0  }
0x72: {  	[sflag:s10] =	ssyncadd.s32 $0xFFFFE000  }
0x73: {  	_ =	swait.ge [sflag:s30], $0x80  }
0x74: {  	[sflag:s30] =	ssyncset.done $0x0  }
0x75: {  	[sflag:s30] =	ssyncadd.s32 $0xFFFFFF80  }
0x76: {  	[spmem:s1] =	stream.indirect.scatter.add.f32 [tilespmem:s16], [sflag:$0xD], $0x40, s13, s15, $0xb8;
	[tilespmem:$0x18A80] =	vst v63  }
0x77: {  	_ =	swait.ge [sflag:s12], $0x2000  }
0x78: {  	[sflag:s12] =	ssyncset.done $0x0  }
0x79: {  	[sflag:s12] =	ssyncadd.s32 $0xFFFFE000  }
0x7a: {  	_ =	swait.ge [sflag:s12], $0x2000  }
0x7b: {  	[sflag:s12] =	ssyncset.done $0x0  }
0x7c: {  	[sflag:s12] =	ssyncadd.s32 $0xFFFFE000  }
0x7d: {  	_ =	swait.ge [sflag:s12], $0x2000  }
0x7e: {  	[sflag:s12] =	ssyncset.done $0x0  }
0x7f: {  	[sflag:s12] =	ssyncadd.s32 $0xFFFFE000  }
0x80: {  	_ =	swait.ge [sflag:s12], $0x2000  }
0x81: {  	[sflag:s12] =	ssyncset.done $0x0  }
0x82: {  	s29 =	simm.s32 $0xC;
	s14 =	simm.s32 $0xC0;
	[sflag:s12] =	ssyncadd.s32 $0xFFFFE000  }
0x83: {  	s2 =	simm.s32 $0x3;
	s5 =	simm.s32 $0x9;
	_ =	swait.ge [sflag:s12], $0x2000  }
0x84: {  	s6 =	simm.s32 $0x4;
	s7 =	simm.s32 $0xA;
	[sflag:s12] =	ssyncset.done $0x0  }
0x85: {  	s8 =	simm.s32 $0x5;
	s9 =	simm.s32 $0xB;
	[sflag:s12] =	ssyncadd.s32 $0xFFFFE000  }
0x86: {  	s10 =	simm.s32 $0x6;
	s30 =	simm.s32 $0x7;
	_ =	swait.ge [sflag:s12], $0x2000  }
0x87: {  	s13 =	simm.s32 $0x60;
	s16 =	rddreg [dreg:$0x4];
	[sflag:s12] =	ssyncset.done $0x0  }
.LBB2_4:
0x88: {  	[sflag:s12] =	ssyncadd.s32 $0xFFFFE000  }
0x89: {  	s11 =	sadd.s32 $0x300, s11;
	s16 =	sadd.s32 s13, s16;
	s19 =	simm.s32 $0x2700  }
0x8a: {  	[tilespmem:s19], [sflag:$0x7] =	stream.linear.gather [hbm4b:s16+s3], $0x80, $0x38;
	[tilespmem:$0x18A80] =	vst v63  }
0x8b: {  	s18 =	rddreg [dreg:$0x9];
	s19 =	simm.s32 $0x2A80;
	s21 =	sadd.s32 $0xFFFFFD80, s11  }
0x8c: {  	[tilespmem:s19], [sflag:$0x1] =	stream.indirect.gather [hbm4b:s4+s15], $0x40, s21, s15, $0xb8;
	[tilespmem:$0x18A80] =	vst v63  }
0x8d: {  	s20 =	simm.s32 $0x2780;
	s22 =	sadd.s32 s13, s18  }
0x8e: {  	[tilespmem:s20], [sflag:$0x8] =	stream.linear.gather [hbm4b:s22+s3], $0x80, $0x38;
	[tilespmem:$0x18A80] =	vst v63  }
0x8f: {  	s23 =	rddreg [dreg:$0x8];
	s24 =	sadd.s32 $0xFFFFFE00, s11;
	s20 =	simm.s32 $0x4A80  }
0x90: {  	[tilespmem:s20], [sflag:$0x2] =	stream.indirect.gather [hbm4b:s4+s15], $0x40, s24, s15, $0xb8;
	[tilespmem:$0x18A80] =	vst v63  }
0x91: {  	s25 =	sadd.s32 s13, s23;
	s24 =	simm.s32 $0x2800  }
0x92: {  	[tilespmem:s24], [sflag:$0x9] =	stream.linear.gather [hbm4b:s25+s3], $0x80, $0x38;
	[tilespmem:$0x18A80] =	vst v63  }
0x93: {  	s26 =	rddreg [dreg:$0x7];
	s28 =	simm.s32 $0x6A80;
	s0 =	sadd.s32 $0xFFFFFE80, s11  }
0x94: {  	[tilespmem:s28], [sflag:$0x3] =	stream.indirect.gather [hbm4b:s4+s15], $0x40, s0, s15, $0xb8;
	[tilespmem:$0x18A80] =	vst v63  }
0x95: {  	s18 =	sadd.s32 s13, s26;
	s26 =	simm.s32 $0x2880  }
0x96: {  	[tilespmem:s26], [sflag:$0xA] =	stream.linear.gather [hbm4b:s18+s3], $0x80, $0x38;
	[tilespmem:$0x18A80] =	vst v63  }
0x97: {  	s23 =	sadd.s32 $0xFFFFFF00, s11;
	s21 =	rddreg [dreg:$0x6];
	s22 =	simm.s32 $0x8A80  }
0x98: {  	[tilespmem:s22], [sflag:$0x4] =	stream.indirect.gather [hbm4b:s4+s15], $0x40, s23, s15, $0xb8;
	[tilespmem:$0x18A80] =	vst v63  }
0x99: {  	s25 =	sadd.s32 s13, s21;
	s23 =	simm.s32 $0x2900  }
0x9a: {  	[tilespmem:s23], [sflag:$0xB] =	stream.linear.gather [hbm4b:s25+s3], $0x80, $0x38;
	[tilespmem:$0x18A80] =	vst v63  }
0x9b: {  	s21 =	simm.s32 $0xAA80;
	s0 =	rddreg [dreg:$0x5];
	s25 =	sadd.s32 $0xFFFFFF80, s11  }
0x9c: {  	[tilespmem:s21], [sflag:$0x5] =	stream.indirect.gather [hbm4b:s4+s15], $0x40, s25, s15, $0xb8;
	[tilespmem:$0x18A80] =	vst v63  }
0x9d: {  	s0 =	sadd.s32 s13, s0;
	s25 =	simm.s32 $0x2980  }
0x9e: {  	[tilespmem:s25], [sflag:$0xC] =	stream.linear.gather [hbm4b:s0+s3], $0x80, $0x38;
	[tilespmem:$0x18A80] =	vst v63  }
0x9f: {  	s16 =	simm.s32 $0xCA80;
	s0 =	simm.s32 $0x1  }
0xa0: {  	[tilespmem:s16], [sflag:$0x6] =	stream.indirect.gather [hbm4b:s4+s15], $0x40, s11, s15, $0xb8;
	[tilespmem:$0x18A80] =	vst v63  }
0xa1: {  	_ =	swait.ge [sflag:s0], $0x2000  }
0xa2: {  	[sflag:s0] =	ssyncset.done $0x0  }
0xa3: {  	[sflag:s0] =	ssyncadd.s32 $0xFFFFE000  }
0xa4: {  	_ =	swait.ge [sflag:s30], $0x80  }
0xa5: {  	[sflag:s30] =	ssyncset.done $0x0  }
0xa6: {  	s18 =	simm.s32 $0x2700;
	[sflag:s30] =	ssyncadd.s32 $0xFFFFFF80  }
0xa7: {  	[spmem:s1] =	stream.indirect.scatter.add.f32 [tilespmem:s19], [sflag:$0xD], $0x40, s18, s15, $0xb8;
	[tilespmem:$0x18A80] =	vst v63  }
0xa8: {  	_ =	swait.ge [sflag:s31], $0x2000  }
0xa9: {  	[sflag:s31] =	ssyncset.done $0x0  }
0xaa: {  	s0 =	simm.s32 $0x8;
	[sflag:s31] =	ssyncadd.s32 $0xFFFFE000  }
0xab: {  	_ =	swait.ge [sflag:s0], $0x80  }
0xac: {  	s17 =	smov.u32 s14;
	[sflag:s0] =	ssyncset.done $0x0  }
0xad: {  	s13 =	smov.u32 s17;
	s17 =	simm.s32 $0x2780;
	[sflag:s0] =	ssyncadd.s32 $0xFFFFFF80  }
0xae: {  	[spmem:s1] =	stream.indirect.scatter.add.f32 [tilespmem:s20], [sflag:$0xD], $0x40, s17, s15, $0xb8;
	[tilespmem:$0x18A80] =	vst v63  }
0xaf: {  	_ =	swait.ge [sflag:s2], $0x2000  }
0xb0: {  	[sflag:s2] =	ssyncset.done $0x0  }
0xb1: {  	[sflag:s2] =	ssyncadd.s32 $0xFFFFE000  }
0xb2: {  	_ =	swait.ge [sflag:s5], $0x80  }
0xb3: {  	[sflag:s5] =	ssyncset.done $0x0  }
0xb4: {  	[sflag:s5] =	ssyncadd.s32 $0xFFFFFF80  }
0xb5: {  	[spmem:s1] =	stream.indirect.scatter.add.f32 [tilespmem:s28], [sflag:$0xD], $0x40, s24, s15, $0xb8;
	[tilespmem:$0x18A80] =	vst v63  }
0xb6: {  	_ =	swait.ge [sflag:s6], $0x2000  }
0xb7: {  	[sflag:s6] =	ssyncset.done $0x0  }
0xb8: {  	[sflag:s6] =	ssyncadd.s32 $0xFFFFE000  }
0xb9: {  	_ =	swait.ge [sflag:s7], $0x80  }
0xba: {  	[sflag:s7] =	ssyncset.done $0x0  }
0xbb: {  	[sflag:s7] =	ssyncadd.s32 $0xFFFFFF80  }
0xbc: {  	[spmem:s1] =	stream.indirect.scatter.add.f32 [tilespmem:s22], [sflag:$0xD], $0x40, s26, s15, $0xb8;
	[tilespmem:$0x18A80] =	vst v63  }
0xbd: {  	_ =	swait.ge [sflag:s8], $0x2000  }
0xbe: {  	[sflag:s8] =	ssyncset.done $0x0  }
0xbf: {  	[sflag:s8] =	ssyncadd.s32 $0xFFFFE000  }
0xc0: {  	_ =	swait.ge [sflag:s9], $0x80  }
0xc1: {  	[sflag:s9] =	ssyncset.done $0x0  }
0xc2: {  	[sflag:s9] =	ssyncadd.s32 $0xFFFFFF80  }
0xc3: {  	[spmem:s1] =	stream.indirect.scatter.add.f32 [tilespmem:s21], [sflag:$0xD], $0x40, s23, s15, $0xb8;
	[tilespmem:$0x18A80] =	vst v63  }
0xc4: {  	_ =	swait.ge [sflag:s10], $0x2000  }
0xc5: {  	[sflag:s10] =	ssyncset.done $0x0  }
0xc6: {  	[sflag:s10] =	ssyncadd.s32 $0xFFFFE000  }
0xc7: {  	_ =	swait.ge [sflag:s29], $0x80  }
0xc8: {  	[sflag:s29] =	ssyncset.done $0x0  }
0xc9: {  	[sflag:s29] =	ssyncadd.s32 $0xFFFFFF80  }
0xca: {  	[spmem:s1] =	stream.indirect.scatter.add.f32 [tilespmem:s16], [sflag:$0xD], $0x40, s25, s15, $0xb8;
	[tilespmem:$0x18A80] =	vst v63  }
0xcb: {  	_ =	swait.ge [sflag:s12], $0x2000  }
0xcc: {  	[sflag:s12] =	ssyncset.done $0x0  }
0xcd: {  	[sflag:s12] =	ssyncadd.s32 $0xFFFFE000  }
0xce: {  	_ =	swait.ge [sflag:s12], $0x2000  }
0xcf: {  	[sflag:s12] =	ssyncset.done $0x0  }
0xd0: {  	[sflag:s12] =	ssyncadd.s32 $0xFFFFE000  }
0xd1: {  	_ =	swait.ge [sflag:s12], $0x2000  }
0xd2: {  	[sflag:s12] =	ssyncset.done $0x0  }
0xd3: {  	[sflag:s12] =	ssyncadd.s32 $0xFFFFE000  }
0xd4: {  	_ =	swait.ge [sflag:s12], $0x2000  }
0xd5: {  	[sflag:s12] =	ssyncset.done $0x0  }
0xd6: {  	p1 =	sne.s32 s14, $0x480;
	[sflag:s12] =	ssyncadd.s32 $0xFFFFE000  }
.Ltmp1:
0xd7: {  	_ =	swait.ge [sflag:s12], $0x2000;
	(pc) =	sbr.rel @p1 .LBB2_4-.Ltmp1, $4  }
0xd8: {  	[sflag:s12] =	ssyncset.done $0x0  }
0xd9: {  	[sflag:s12] =	ssyncadd.s32 $0xFFFFE000  }
0xda: {  	_ =	swait.ge [sflag:s12], $0x2000  }
0xdb: {  	s14 =	sadd.s32 $0x60, s14;
	s16 =	rddreg [dreg:$0x4];
	[sflag:s12] =	ssyncset.done $0x0  }
0xdc: {  	[sflag:s12] =	ssyncadd.s32 $0xFFFFE000;
	s11 =	sadd.s32 $0x300, s11;
	s14 =	sadd.s32 s13, s16  }
0xdd: {  	[tilespmem:s18], [sflag:$0x7] =	stream.linear.gather [hbm4b:s14+s3], $0x80, $0x38;
	[tilespmem:$0x18A80] =	vst v63  }
0xde: {  	s21 =	rddreg [dreg:$0x9];
	s22 =	sadd.s32 $0xFFFFFD80, s11  }
0xdf: {  	[tilespmem:s19], [sflag:$0x1] =	stream.indirect.gather [hbm4b:s4+s15], $0x40, s22, s15, $0xb8;
	[tilespmem:$0x18A80] =	vst v63  }
0xe0: {  	s23 =	sadd.s32 s13, s21  }
0xe1: {  	[tilespmem:s17], [sflag:$0x8] =	stream.linear.gather [hbm4b:s23+s3], $0x80, $0x38;
	[tilespmem:$0x18A80] =	vst v63  }
0xe2: {  	s24 =	rddreg [dreg:$0x8];
	s25 =	sadd.s32 $0xFFFFFE00, s11  }
0xe3: {  	[tilespmem:s20], [sflag:$0x2] =	stream.indirect.gather [hbm4b:s4+s15], $0x40, s25, s15, $0xb8;
	[tilespmem:$0x18A80] =	vst v63  }
0xe4: {  	s26 =	sadd.s32 s13, s24;
	s24 =	simm.s32 $0x2800  }
0xe5: {  	[tilespmem:s24], [sflag:$0x9] =	stream.linear.gather [hbm4b:s26+s3], $0x80, $0x38;
	[tilespmem:$0x18A80] =	vst v63  }
0xe6: {  	s0 =	rddreg [dreg:$0x7];
	s21 =	sadd.s32 $0xFFFFFE80, s11;
	s26 =	simm.s32 $0x6A80  }
0xe7: {  	[tilespmem:s26], [sflag:$0x3] =	stream.indirect.gather [hbm4b:s4+s15], $0x40, s21, s15, $0xb8;
	[tilespmem:$0x18A80] =	vst v63  }
0xe8: {  	s22 =	sadd.s32 s13, s0;
	s25 =	simm.s32 $0x2880  }
0xe9: {  	[tilespmem:s25], [sflag:$0xA] =	stream.linear.gather [hbm4b:s22+s3], $0x80, $0x38;
	[tilespmem:$0x18A80] =	vst v63  }
0xea: {  	s0 =	sadd.s32 $0xFFFFFF00, s11;
	s23 =	rddreg [dreg:$0x6];
	s22 =	simm.s32 $0x8A80  }
0xeb: {  	[tilespmem:s22], [sflag:$0x4] =	stream.indirect.gather [hbm4b:s4+s15], $0x40, s0, s15, $0xb8;
	[tilespmem:$0x18A80] =	vst v63  }
0xec: {  	s21 =	sadd.s32 s13, s23;
	s23 =	simm.s32 $0x2900  }
0xed: {  	[tilespmem:s23], [sflag:$0xB] =	stream.linear.gather [hbm4b:s21+s3], $0x80, $0x38;
	[tilespmem:$0x18A80] =	vst v63  }
0xee: {  	s16 =	rddreg [dreg:$0x5];
	s0 =	sadd.s32 $0xFFFFFF80, s11;
	s21 =	simm.s32 $0xAA80  }
0xef: {  	[tilespmem:s21], [sflag:$0x5] =	stream.indirect.gather [hbm4b:s4+s15], $0x40, s0, s15, $0xb8;
	[tilespmem:$0x18A80] =	vst v63  }
0xf0: {  	s14 =	simm.s32 $0x2980;
	s0 =	sadd.s32 s13, s16  }
0xf1: {  	[tilespmem:s14], [sflag:$0xC] =	stream.linear.gather [hbm4b:s0+s3], $0x80, $0x38;
	[tilespmem:$0x18A80] =	vst v63  }
0xf2: {  	s28 =	simm.s32 $0x1;
	s16 =	simm.s32 $0xCA80  }
0xf3: {  	[tilespmem:s16], [sflag:$0x6] =	stream.indirect.gather [hbm4b:s4+s15], $0x40, s11, s15, $0xb8;
	[tilespmem:$0x18A80] =	vst v63  }
0xf4: {  	_ =	swait.ge [sflag:s28], $0x2000  }
0xf5: {  	[sflag:s28] =	ssyncset.done $0x0  }
0xf6: {  	[sflag:s28] =	ssyncadd.s32 $0xFFFFE000  }
0xf7: {  	_ =	swait.ge [sflag:s30], $0x80  }
0xf8: {  	[sflag:s30] =	ssyncset.done $0x0  }
0xf9: {  	[sflag:s30] =	ssyncadd.s32 $0xFFFFFF80  }
0xfa: {  	[spmem:s1] =	stream.indirect.scatter.add.f32 [tilespmem:s19], [sflag:$0xD], $0x40, s18, s15, $0xb8;
	[tilespmem:$0x18A80] =	vst v63  }
0xfb: {  	_ =	swait.ge [sflag:s31], $0x2000  }
0xfc: {  	[sflag:s31] =	ssyncset.done $0x0  }
0xfd: {  	s0 =	simm.s32 $0x8;
	[sflag:s31] =	ssyncadd.s32 $0xFFFFE000  }
0xfe: {  	_ =	swait.ge [sflag:s0], $0x80  }
0xff: {  	[sflag:s0] =	ssyncset.done $0x0  }
0x100: {  	[sflag:s0] =	ssyncadd.s32 $0xFFFFFF80  }
0x101: {  	[spmem:s1] =	stream.indirect.scatter.add.f32 [tilespmem:s20], [sflag:$0xD], $0x40, s17, s15, $0xb8;
	[tilespmem:$0x18A80] =	vst v63  }
0x102: {  	_ =	swait.ge [sflag:s2], $0x2000  }
0x103: {  	[sflag:s2] =	ssyncset.done $0x0  }
0x104: {  	[sflag:s2] =	ssyncadd.s32 $0xFFFFE000  }
0x105: {  	_ =	swait.ge [sflag:s5], $0x80  }
0x106: {  	[sflag:s5] =	ssyncset.done $0x0  }
0x107: {  	[sflag:s5] =	ssyncadd.s32 $0xFFFFFF80  }
0x108: {  	[spmem:s1] =	stream.indirect.scatter.add.f32 [tilespmem:s26], [sflag:$0xD], $0x40, s24, s15, $0xb8;
	[tilespmem:$0x18A80] =	vst v63  }
0x109: {  	_ =	swait.ge [sflag:s6], $0x2000  }
0x10a: {  	[sflag:s6] =	ssyncset.done $0x0  }
0x10b: {  	[sflag:s6] =	ssyncadd.s32 $0xFFFFE000  }
0x10c: {  	_ =	swait.ge [sflag:s7], $0x80  }
0x10d: {  	[sflag:s7] =	ssyncset.done $0x0  }
0x10e: {  	[sflag:s7] =	ssyncadd.s32 $0xFFFFFF80  }
0x10f: {  	[spmem:s1] =	stream.indirect.scatter.add.f32 [tilespmem:s22], [sflag:$0xD], $0x40, s25, s15, $0xb8;
	[tilespmem:$0x18A80] =	vst v63  }
0x110: {  	_ =	swait.ge [sflag:s8], $0x2000  }
0x111: {  	[sflag:s8] =	ssyncset.done $0x0  }
0x112: {  	[sflag:s8] =	ssyncadd.s32 $0xFFFFE000  }
0x113: {  	_ =	swait.ge [sflag:s9], $0x80  }
0x114: {  	[sflag:s9] =	ssyncset.done $0x0  }
0x115: {  	[sflag:s9] =	ssyncadd.s32 $0xFFFFFF80  }
0x116: {  	[spmem:s1] =	stream.indirect.scatter.add.f32 [tilespmem:s21], [sflag:$0xD], $0x40, s23, s15, $0xb8;
	[tilespmem:$0x18A80] =	vst v63  }
0x117: {  	_ =	swait.ge [sflag:s10], $0x2000  }
0x118: {  	[sflag:s10] =	ssyncset.done $0x0  }
0x119: {  	[sflag:s10] =	ssyncadd.s32 $0xFFFFE000  }
0x11a: {  	_ =	swait.ge [sflag:s29], $0x80  }
0x11b: {  	[sflag:s29] =	ssyncset.done $0x0  }
0x11c: {  	[sflag:s29] =	ssyncadd.s32 $0xFFFFFF80  }
0x11d: {  	[spmem:s1] =	stream.indirect.scatter.add.f32 [tilespmem:s16], [sflag:$0xD], $0x40, s14, s15, $0xb8;
	[tilespmem:$0x18A80] =	vst v63  }
0x11e: {  	_ =	swait.ge [sflag:s12], $0x2000  }
0x11f: {  	[sflag:s12] =	ssyncset.done $0x0  }
0x120: {  	[sflag:s12] =	ssyncadd.s32 $0xFFFFE000  }
0x121: {  	_ =	swait.ge [sflag:s12], $0x2000  }
0x122: {  	[sflag:s12] =	ssyncset.done $0x0  }
0x123: {  	[sflag:s12] =	ssyncadd.s32 $0xFFFFE000  }
0x124: {  	_ =	swait.ge [sflag:s12], $0x2000  }
0x125: {  	[sflag:s12] =	ssyncset.done $0x0  }
0x126: {  	[sflag:s12] =	ssyncadd.s32 $0xFFFFE000  }
0x127: {  	_ =	swait.ge [sflag:s12], $0x2000  }
0x128: {  	[sflag:s12] =	ssyncset.done $0x0  }
0x129: {  	[sflag:s12] =	ssyncadd.s32 $0xFFFFE000  }
0x12a: {  	_ =	swait.ge [sflag:s12], $0x2000  }
0x12b: {  	[sflag:s12] =	ssyncset.done $0x0  }
0x12c: {  	[sflag:s12] =	ssyncadd.s32 $0xFFFFE000  }
0x12d: {  	_ =	swait.ge [sflag:s12], $0x2000  }
0x12e: {  	s13 =	simm.s32 @!p0 $0x2A00;
	[sflag:s12] =	ssyncset.done $0x0  }
0x12f: {  	s11 =	simm.s32 @!p0 $0x0;
	s14 =	rddreg [dreg:$0xc];
	[sflag:s12] =	ssyncadd.s32 $0xFFFFE000  }
0x130: {  	[tilespmem:s13], [sflag:$0xE] =	stream.linear.gather @!p0 [hbm4b:s14+s11], $0x80, $0x38;
	[tilespmem:$0x18A80] =	vst v63  }
0x131: {  	s14 =	simm.s32 @!p0 $0xE  }
0x132: {  	_ =	swait.ge @!p0 [sflag:s14], $0x80  }
0x133: {  	[sflag:s14] =	ssyncset.done @!p0 $0x0  }
0x134: {  	[sflag:s14] =	ssyncadd.s32 @!p0 $0xFFFFFF80  }
0x135: {  	v0 =	vld @!p0 [tilespmem:$0x2A00]  }
0x136: {  	v1 =	vld @!p0 [tilespmem:$0x2A10]  }
0x137: {  	v2 =	vld @!p0 [tilespmem:$0x2A20]  }
0x138: {  	v3 =	vld @!p0 [tilespmem:$0x2A30]  }
0x139: {  	v4 =	vld @!p0 [tilespmem:$0x2A40]  }
0x13a: {  	v5 =	vld @!p0 [tilespmem:$0x2A50];
	v0 =	vshll.u32 @!p0 v0, $0x1  }
0x13b: {  	[tilespmem:$0x2A00] =	vst @!p0 v0;
	v0 =	vshll.u32 @!p0 v1, $0x1;
	v1 =	vld @!p0 [tilespmem:$0x2A60]  }
0x13c: {  	[tilespmem:$0x2A10] =	vst @!p0 v0;
	v0 =	vshll.u32 @!p0 v2, $0x1;
	v2 =	vld @!p0 [tilespmem:$0x2A70]  }
0x13d: {  	[tilespmem:$0x2A20] =	vst @!p0 v0;
	v0 =	vshll.u32 @!p0 v3, $0x1  }
0x13e: {  	[tilespmem:$0x2A30] =	vst @!p0 v0;
	v0 =	vshll.u32 @!p0 v4, $0x1  }
0x13f: {  	[tilespmem:$0x2A40] =	vst @!p0 v0;
	v0 =	vshll.u32 @!p0 v5, $0x1  }
0x140: {  	[tilespmem:$0x2A50] =	vst @!p0 v0;
	v0 =	vshll.u32 @!p0 v1, $0x1  }
0x141: {  	[tilespmem:$0x2A60] =	vst @!p0 v0;
	v0 =	vshll.u32 @!p0 v2, $0x1  }
0x142: {  	s16 =	simm.s32 @!p0 $0x2700;
	s17 =	rddreg [dreg:$0xd];
	[tilespmem:$0x2A70] =	vst @!p0 v0  }
0x143: {  	[tilespmem:s16], [sflag:$0xE] =	stream.linear.gather @!p0 [hbm4b:s17+s11], $0x80, $0x38;
	[tilespmem:$0x18A80] =	vst v63  }
0x144: {  	_ =	swait.ge @!p0 [sflag:s14], $0x80  }
0x145: {  	[sflag:s14] =	ssyncset.done @!p0 $0x0  }
0x146: {  	s11 =	simm.s32 @!p0 $0x80;
	s17 =	simm.s32 @!p0 $0x2A80;
	[sflag:s14] =	ssyncadd.s32 @!p0 $0xFFFFFF80  }
0x147: {  	[tilespmem:s17], [sflag:$0x1] =	stream.indirect.gather @!p0 [hbm4b:s4+s11], $0x40, s13, s11, $0xb8;
	[tilespmem:$0x18A80] =	vst v63  }
0x148: {  	s13 =	simm.s32 @!p0 $0x1  }
0x149: {  	_ =	swait.ge @!p0 [sflag:s13], $0x2000  }
0x14a: {  	[sflag:s13] =	ssyncset.done @!p0 $0x0  }
0x14b: {  	[sflag:s13] =	ssyncadd.s32 @!p0 $0xFFFFE000  }
0x14c: {  	[spmem:s1] =	stream.indirect.scatter.add.f32 @!p0 [tilespmem:s17], [sflag:$0xE], $0x40, s16, s11, $0xb8;
	[tilespmem:$0x18A80] =	vst v63  }
0x14d: {  	_ =	swait.ge @!p0 [sflag:s14], $0x2000  }
0x14e: {  	[sflag:s14] =	ssyncset.done @!p0 $0x0  }
0x14f: {  	[sflag:s14] =	ssyncadd.s32 @!p0 $0xFFFFE000  }
0x150: {  	[bflag:$0x0] =	sbarrier.arrive $0xFFFF  }
0x151: {  	s23 =	rddreg [dreg:$0xe]  }
0x152: {  	s14 =	rddreg [dreg:$0x10]  }
0x153: {  	s24 =	simm.s32 $0x10;
	s13 =	simm.s32 $0xE;
	s16 =	rddreg [dreg:$0x11]  }
0x154: {  	[hbm:s23@s24], [sflag:s14] =	dma.strided [spmem:s16@s0], $0x1400, s28, $0x8   }
0x155: {  	_ =	swait.ge [sflag:s13], $0x1400  }
0x156: {  	s25 =	rddreg [dreg:$0x12]  }
0x157: {  	s26 =	rddreg [dreg:$0xf];
	s17 =	sadd.s32 $0x1, s25  }
0x158: {  	p1 =	sne.s32 s17, s26  }
.Ltmp2:
0x159: {  	s30 =	simm.s32 $0xC;
	s2 =	simm.s32 $0x3;
	(pc) =	sbr.rel @p1 .LBB2_1-.Ltmp2, $4  }
0x15a: {  	s5 =	simm.s32 $0x9;
	s6 =	simm.s32 $0x4;
	s7 =	simm.s32 $0xA  }
0x15b: {  	s8 =	simm.s32 $0x5;
	s9 =	simm.s32 $0xB;
	s10 =	simm.s32 $0x6  }
0x15c: {  	s29 =	simm.s32 $0x2;
	s28 =	simm.s32 $0x7;
	[sflag:s13] =	ssyncset.done $0x0  }
0x15d: {  	s0 =	simm.s32 $0x8;
	[sflag:s13] =	ssyncadd.s32 $0xFFFFEC00;
	s26 =	simm.s32 $0x1  }
0x15e: {  	_ =	sfence.sel $0x180000  }
0x15f: {  	[bflag:$0x0] =	sbarrier.arrive $0xFFFF  }
0x160: {  	_ =	strace $0x9000004D  }
0x161: {  	s0 =	stileid.u32;
	[bflag:$0x2] =	sbarrier.arrive $0xFFFF  }
0x162: {  	p0 =	sne.s32 s0, $0x0;
	s0 =	rddreg [dreg:$0x3]  }
0x163: {  	s0 =	sadd.s32 @!p0 $0x100000, s0  }
0x164: {  	[sflag:s0] =	ssyncadd.tile.s32 @!p0 $0x1;
	_ =	shalt  }
.Lfunc_end2:
_tile_overlayer_lowered:
.L_overlay_start_2:
0x165: {  	(tag) =	ssettag $0x2  }
0x166: {  	s0 =	rddreg [dreg:$0x0];
	s2 =	stileid.u32  }
0x167: {  	s1 =	rddreg [dreg:$0x1];
	p0 =	sne.s32 s2, $0x0  }
0x168: {  	s3 =	rddreg [dreg:$0x2];
	[bflag:$0x3] =	sbarrier.arrive $0xFFFF;
	s2 =	simm.s32 @!p0 $0x1C0E  }
0x169: {  	[timem:s3], [sflag:s2] =	dma.local @!p0 [hbm:s0], s1  }
0x16a: {  	s0 =	simm.s32 @!p0 $0xE  }
0x16b: {  	_ =	swait.ge @!p0 [sflag:s0], s1  }
0x16c: {  	s1 =	ssub.s32 @!p0 $0x0, s1;
	[sflag:s0] =	ssyncset.done @!p0 $0x0  }
0x16d: {  	[sflag:s0] =	ssyncadd.s32 @!p0 s1  }
0x16e: {  	[bflag:$0x3] =	sbarrier.arrive $0xFFFF  }
0x16f: {  	_ =	shalt  }

// kernel: kernel.8.cloned.1.call-start
scs
__scs_entry_jumppad:
0x0: {  	(pc) =	sbr.rel $0x88, $3  }
0x1: {  	(tag) =	ssettag $0x0;
	lr =	simm.s32 $0x1  }
0x2: {  	[smem:$0x3F9B] =	sst lr;
	_ =	strace $0xD0000000  }
0x3: {  	_ = 	snop  }
0x4: {  	_ = 	snop  }
0x5: {  	_ = 	snop  }
0x6: {  	_ = 	snop  }
0x7: {  	_ = 	snop  }
__scs_overlays_trampoline_lowered:
0x8: {  	[smem:$0x3FAA] =	sst s0  }
0x9: {  	[smem:$0x3FAB] =	sst s1  }
0xa: {  	[smem:$0x3FAC] =	sst s2  }
0xb: {  	[smem:$0x3FAD] =	sst s3  }
0xc: {  	[smem:$0x3FAE] =	sst s4  }
0xd: {  	[smem:$0x3FAF] =	sst s5  }
0xe: {  	[smem:$0x3FB0] =	sst s6  }
0xf: {  	[smem:$0x3FB1] =	sst s7  }
0x10: {  	[smem:$0x3FB2] =	sst s8  }
0x11: {  	[smem:$0x3FB3] =	sst s9;
	s0 =	simm.s32 @!p0 $0x0  }
0x12: {  	s1 =	sld [smem:$0x3F99];
	s0 =	simm.s32 @p0 $0x1  }
0x13: {  	[smem:$0x3FB4] =	sst s0;
	s0 =	simm.s32 @!p1 $0x0  }
0x14: {  	s2 =	sld [smem:$0x3F98];
	s0 =	simm.s32 @p1 $0x1  }
0x15: {  	[smem:$0x3FB5] =	sst s0;
	s0 =	simm.s32 @!p2 $0x0  }
0x16: {  	s3 =	sld [smem:$0x3FDB];
	s0 =	simm.s32 @p2 $0x1  }
0x17: {  	s4 =	simm.s32 $0x1BF5;
	[smem:$0x3FB7] =	sst s0  }
0x18: {  	s0 =	sld [smem:$0x3F9A];
	_ =	swait.ge [sflag:s4], $0x0  }
0x19: {  	s7 =	sld [smem:$0x3F9B]  }
0x1a: {  	s8 =	sadd.s32 $0xFFFFE003, lr  }
0x1b: {  	s9 =	sadd.s32 $0xFFFFFEF7, lr;
	s5 =	simm.s32 $0xFFFFFFFF;
	p2 =	slt.u32 s8, $0xFFFFF086  }
0x1c: {  	p1 =	slt.u32 s9, $0xF7A;
	s5 =	simm.s32 @!p2 $0x0  }
0x1d: {  	s5 =	simm.s32 @p1 $0x1;
	p0 =	seq.s32 s7, s2  }
0x1e: {  	s7 =	smul.u32 @!p0 $0xF7A, s2;
	p2 =	seq.s32 @!p0 s5, $0x0  }
0x1f: {  	s9 =	smul.u32 $0xF7A, s1;
	s8 =	simm.s32 @!p0 $0x1BF5;
	p2 =	por !p2, p0  }
0x20: {  	[sflag:s8] =	ssyncset.s32 @!p0 $0xFFFFF086;
	s6 =	sadd.s32 @!p0 s3, s7;
	s7 =	simm.s32 @!p0 $0x108  }
0x21: {  	s3 =	sadd.s32 s3, s9;
	s6 =	sadd.s32 @!p0 $0x88, s6;
	s7 =	simm.s32 @p2 $0x1082  }
0x22: {  	[simem:s7], [sflag:s8] =	dma.local @!p0 [hbm:s6], $0xF7A  }
0x23: {  	s9 =	sor.u32 $0xD0000000, s2;
	s6 =	simm.s32 $0x108;
	_ =	swait.ge @!p0 [sflag:s8], $0x0  }
0x24: {  	s3 =	sadd.s32 $0x88, s3;
	s6 =	simm.s32 @!p1 $0x1082;
	[sflag:s4] =	ssyncset.s32 $0xFFFFF086  }
0x25: {  	[simem:s6], [sflag:s4] =	dma.local [hbm:s3], $0xF7A  }
0x26: {  	[smem:$0x3F9B] =	sst s1;
	(tag) =	ssettag s2;
	_ =	strace s9  }
0x27: {  	s1 =	sld [smem:$0x3FAB]  }
0x28: {  	s2 =	sld [smem:$0x3FAC]  }
0x29: {  	s4 =	sld [smem:$0x3FAE]  }
0x2a: {  	p0 =	seq.s32 s5, $0x0;
	s5 =	sld [smem:$0x3FAF]  }
0x2b: {  	s6 =	sld [smem:$0x3FB0]  }
0x2c: {  	s7 =	sld [smem:$0x3FB1]  }
0x2d: {  	s3 =	simm.s32 $0x108;
	s8 =	sld [smem:$0x3FB2]  }
0x2e: {  	s3 =	simm.s32 @!p0 $0x1082;
	s9 =	sld [smem:$0x3FB3]  }
0x2f: {  	lr =	sadd.s32 s0, s3;
	s0 =	sld [smem:$0x3FAA]  }
0x30: {  	s3 =	sld [smem:$0x3FAD]  }
0x31: {  	[smem:$0x3FB6] =	sst s10  }
0x32: {  	s10 =	sld [smem:$0x3FB4];
	_ =	sdelay $0x3  }
0x33: {  	p0 =	seq.s32 s10, $0x1;
	s10 =	sld [smem:$0x3FB6];
	_ =	sdelay $0x3  }
0x34: {  	[smem:$0x3FB6] =	sst s10  }
0x35: {  	s10 =	sld [smem:$0x3FB5];
	_ =	sdelay $0x3  }
0x36: {  	p1 =	seq.s32 s10, $0x1;
	s10 =	sld [smem:$0x3FB6];
	_ =	sdelay $0x3  }
0x37: {  	[smem:$0x3FB6] =	sst s10  }
0x38: {  	s10 =	sld [smem:$0x3FB7]  }
0x39: {  	_ = 	snop;
	(pc) =	sbr.ind lr, $3  }
0x3a: {  	_ = 	snop  }
0x3b: {  	_ = 	snop  }
0x3c: {  	p2 =	seq.s32 s10, $0x1;
	s10 =	sld [smem:$0x3FB6]  }
0x3d: {  	_ =	shalt  }
0x3e: {  	_ =	shalt  }
0x3f: {  	_ =	shalt  }
0x40: {  	_ =	shalt  }
0x41: {  	_ =	shalt  }
0x42: {  	_ =	shalt  }
0x43: {  	_ =	shalt  }
0x44: {  	_ =	shalt  }
0x45: {  	_ =	shalt  }
0x46: {  	_ =	shalt  }
0x47: {  	_ =	shalt  }
0x48: {  	_ =	shalt  }
0x49: {  	_ =	shalt  }
0x4a: {  	_ =	shalt  }
0x4b: {  	_ =	shalt  }
0x4c: {  	_ =	shalt  }
0x4d: {  	_ =	shalt  }
0x4e: {  	_ =	shalt  }
0x4f: {  	_ =	shalt  }
0x50: {  	_ =	shalt  }
0x51: {  	_ =	shalt  }
0x52: {  	_ =	shalt  }
0x53: {  	_ =	shalt  }
0x54: {  	_ =	shalt  }
0x55: {  	_ =	shalt  }
0x56: {  	_ =	shalt  }
0x57: {  	_ =	shalt  }
0x58: {  	_ =	shalt  }
0x59: {  	_ =	shalt  }
0x5a: {  	_ =	shalt  }
0x5b: {  	_ =	shalt  }
0x5c: {  	_ =	shalt  }
0x5d: {  	_ =	shalt  }
0x5e: {  	_ =	shalt  }
0x5f: {  	_ =	shalt  }
0x60: {  	_ =	shalt  }
0x61: {  	_ =	shalt  }
0x62: {  	_ =	shalt  }
0x63: {  	_ =	shalt  }
0x64: {  	_ =	shalt  }
0x65: {  	_ =	shalt  }
0x66: {  	_ =	shalt  }
0x67: {  	_ =	shalt  }
0x68: {  	_ =	shalt  }
0x69: {  	_ =	shalt  }
0x6a: {  	_ =	shalt  }
0x6b: {  	_ =	shalt  }
0x6c: {  	_ =	shalt  }
0x6d: {  	_ =	shalt  }
0x6e: {  	_ =	shalt  }
0x6f: {  	_ =	shalt  }
0x70: {  	_ =	shalt  }
0x71: {  	_ =	shalt  }
0x72: {  	_ =	shalt  }
0x73: {  	_ =	shalt  }
0x74: {  	_ =	shalt  }
0x75: {  	_ =	shalt  }
0x76: {  	_ =	shalt  }
0x77: {  	_ =	shalt  }
0x78: {  	_ =	shalt  }
0x79: {  	_ =	shalt  }
0x7a: {  	_ =	shalt  }
0x7b: {  	_ =	shalt  }
0x7c: {  	_ =	shalt  }
0x7d: {  	_ =	shalt  }
0x7e: {  	_ =	shalt  }
0x7f: {  	_ =	shalt  }
0x80: {  	_ =	shalt  }
0x81: {  	_ =	shalt  }
0x82: {  	_ =	shalt  }
0x83: {  	_ =	shalt  }
0x84: {  	_ =	shalt  }
0x85: {  	_ =	shalt  }
0x86: {  	_ =	shalt  }
0x87: {  	_ =	shalt  }
.Lfunc_end0:
.L_simem_size_0:
called_computation_lowered:
.L_overlay_start_0:
0x88: {  	s2 =	sld [smem:$0x3FD9]  }
0x89: {  	s3 =	sld [smem:$0x3FFE];
	_ =	sdelay $0x1  }
0x8a: {  	s1 =	srdreg.scid  }
0x8b: {  	s0 =	sand.u32 $0x1, s1  }
0x8c: {  	s17 =	sshll.u32 s0, $0xA;
	s2 =	sadd.s32 s3, s2  }
0x8d: {  	s2 =	sadd.s32 s2, s17  }
0x8e: {  	[smem:$0x3FC2] =	sst s2  }
0x8f: {  	_ = 	snop  }
0x90: {  	s2 =	sld [smem:$0x3FD0];
	(tm) =	ssettm $0x1  }
0x91: {  	s18 =	sld [smem:$0x3FFB];
	_ =	sdelay $0x3  }
0x92: {  	_ =	strace s18  }
0x93: {  	s3 =	sld [smem:$0x3FFC];
	_ =	sdelay $0x3  }
0x94: {  	_ =	strace s3  }
0x95: {  	s3 =	sld [smem:$0x3FFD];
	_ =	sdelay $0x3  }
0x96: {  	_ =	strace s3  }
0x97: {  	_ =	strace $0x8FFFFFFF  }
0x98: {  	s19 =	sld [smem:$0x3FDB];
	_ =	sdelay $0x1  }
0x99: {  	s4 =	simm.s32 $_scs_section_size  }
0x9a: {  	s5 =	simm.s32 $_size__tile_overlayer_lowered;
	s6 =	simm.s32 $_tile_overlayer_lowered  }
0x9b: {  	s22 =	simm.s32 $0x1BFF;
	s21 =	sshll.u32 s6, $0x1;
	s3 =	sadd.s32 s4, s19  }
0x9c: {  	s7 =	simm.s32 $0x0;
	s20 =	sshll.u32 s5, $0x1;
	s5 =	sadd.s32 s21, s3  }
0x9d: {  	[timem:s7], [sflag:s22] =	dma.local [hbm:s5], s20  }
0x9e: {  	_ =	swait.ge [sflag:s22], s20  }
0x9f: {  	s4 =	ssub.s32 $0x0, s20;
	[sflag:s22] =	ssyncset.done $0x0  }
0xa0: {  	[sflag:s22] =	ssyncadd.s32 s4;
	_ =	sdelay $0x1  }
0xa1: {  	s23 =	simm.s32 $0x1B8B  }
0xa2: {  	_ =	swait.ge [sflag:s23], $0x1  }
0xa3: {  	[sflag:s23] =	ssyncset.done $0x0  }
0xa4: {  	s25 =	simm.s32 $0x1B8E;
	s24 =	sld [smem:$0x3FFE];
	[sflag:s23] =	ssyncadd.s32 $0xFFFFFFFF  }
0xa5: {  	s26 =	simm.s32 $execute0_lowered;
	[smem:$0x3FD2] =	sst s25  }
0xa6: {  	s5 =	sshll.u32 s26, $0x1;
	_ =	strace $0x80000046;
	[dreg:$0x1] =	wrdreg $0xFFFFFFFF  }
0xa7: {  	s28 =	simm.s32 $_size_execute0_lowered;
	s3 =	sadd.s32 s3, s5;
	[dreg:$0x0] =	wrdreg $0x0  }
0xa8: {  	s5 =	sshll.u32 s28, $0x1;
	[dreg:$0x2] =	wrdreg s3  }
0xa9: {  	[dreg:$0x3] =	wrdreg s5  }
0xaa: {  	[dreg:$0x4] =	wrdreg $0xC0  }
0xab: {  	_ =	task [dreg:s7], $0x5FFFF  }
0xac: {  	[dreg:$0x1] =	wrdreg $0xFFFFFFFF  }
0xad: {  	[dreg:$0x0] =	wrdreg $0x60  }
0xae: {  	[dreg:$0x2] =	wrdreg s2  }
0xaf: {  	[dreg:$0x3] =	wrdreg s24  }
0xb0: {  	[dreg:$0x4] =	wrdreg $0x7A000  }
0xb1: {  	[dreg:$0x5] =	wrdreg $0x9  }
0xb2: {  	_ =	task.clear_ibuf [dreg:s7], $0x6FFFF;
	_ =	strace $0x90000046  }
0xb3: {  	s29 =	simm.s32 $0x9;
	_ =	strace $0x80000048  }
0xb4: {  	_ =	swait.ge [sflag:s29], $0x1  }
0xb5: {  	[sflag:s29] =	ssyncadd.s32 $0xFFFFFFFF  }
0xb6: {  	_ =	strace $0x90000048  }
0xb7: {  	_ =	sfence  }
0xb8: {  	s30 =	sld [smem:$0x0];
	_ =	sdelay $0x2  }
0xb9: {  	s31 =	sshll.u32 s1, $0xD;
	s1 =	sshrl.u32 s1, $0x2  }
0xba: {  	s3 =	sand.u32 $0x4000, s31;
	s1 =	sadd.s32 s1, s30  }
0xbb: {  	s0 =	sor.u32 s3, s0;
	s1 =	sshll.u32 s1, $0x11  }
0xbc: {  	s0 =	sor.u32 s1, s0  }
0xbd: {  	s0 =	sadd.s32 $0x8F2B, s0  }
0xbe: {  	[sflag:s0] =	ssyncadd.remote.s32 $0x1  }
0xbf: {  	_ =	sfence.sel $0xFFFF  }
0xc0: {  	[dreg:$0x0] =	wrdreg $0xFFFFFFFF;
	(pc) =	sbr.abs _section_cstart, $3  }
0xc1: {  	[dreg:$0x1] =	wrdreg $0xFFFFFFFF  }
0xc2: {  	_ =	task.clear_ibuf [dreg:s7], $0x2FFFF;
	_ =	strace $0x9FFFFFFF  }
0xc3: {  	(tm) =	ssettm $0x7FFFFFFF  }
tec
execute0_lowered:
.L_overlay_start_1:
0x0: {  	(tag) =	ssettag $0x1  }
0x1: {  	s4 =	rddreg [dreg:$0x0]  }
0x2: {  	s5 =	rddreg [dreg:$0x1];
	s1 =	srdreg.scid  }
0x3: {  	s0 =	stileid.u32;
	s7 =	rddreg [dreg:$0x2];
	s2 =	simm.s32 $0x0  }
0x4: {  	s14 =	simm.s32 $0x4F80;
	s15 =	simm.s32 $0x7780;
	s16 =	simm.s32 $0x0  }
0x5: {  	s3 =	sand.u32 $0x1, s1;
	s8 =	smul.u32 $0x280, s0;
	s1 =	rddreg [dreg:$0x3]  }
0x6: {  	[smem:$0x7FF] =	sst s2;
	s28 =	sshll.u32 s0, $0x4;
	s13 =	smul.u32 $0xA000, s0  }
0x7: {  	s6 =	smul.u32 $0x2800, s3;
	s9 =	sshll.u32 s3, $0x4;
	_ =	strace $0x80000047  }
0x8: {  	s24 =	ssub.s32 $0x2, s3;
	s3 =	sadd.s32 $0x2800, s5;
	s30 =	sadd.s32 s28, s4  }
0x9: {  	s12 =	sor.u32 s0, s9;
	s25 =	sshrl.u32 s24, $0x1;
	s31 =	sshrl.u32 s13, $0x2  }
0xa: {  	s13 =	simm.s32 $0x2800;
	s6 =	sadd.s32 s8, s6;
	s10 =	smul.u32 $0x2700, s12  }
0xb: {  	s9 =	ssub.s32 s24, s25;
	p0 =	sgt.u32 s12, $0x3;
	s6 =	sshrl.u32 s6, $0x3  }
0xc: {  	s12 =	simm.s32 $0x280;
	s9 =	smax.u32 s9, $0x1;
	s11 =	sadd.s32 s6, s5  }
0xd: {  	s26 =	sshrl.u32 s10, $0x3;
	s5 =	sadd.s32 $0x13840, s30;
	s6 =	sadd.s32 s31, s7  }
0xe: {  	s7 =	sadd.s32 s8, s7;
	s10 =	simm.s32 $0x1;
	s29 =	sadd.s32 s4, s26  }
0xf: {  	v0 =	vimm.f32 $1.000000000e+00;
	s8 =	sadd.s32 $0x2E00, s11;
	s11 =	simm.s32 $0x2780;
	s4 =	sadd.s32 $0x9C40, s29  }
.LBB2_1:
0x10: {  	[tilespmem:s2], [sflag:$0x1] =	stream.linear.gather [hbm4b:s4+s2], $0x2700, $0x38;
	[tilespmem:$0xA200] =	vst v63  }
0x11: {  	_ =	swait.ge [sflag:s10], $0x2700  }
0x12: {  	[sflag:s10] =	ssyncset.done $0x0  }
0x13: {  	[sflag:s10] =	ssyncadd.s32 $0xFFFFD900  }
0x14: {  	[tilespmem:s11], [sflag:$0x1] =	stream.linear.gather [hbm4b:s3+s2], $0x2800, $0x38;
	[tilespmem:$0xA200] =	vst v63  }
0x15: {  	_ =	swait.ge [sflag:s10], $0x2800  }
0x16: {  	[sflag:s10] =	ssyncset.done $0x0  }
0x17: {  	s18 =	simm.s32 $0x0;
	s17 =	simm.s32 $0x40;
	[sflag:s10] =	ssyncadd.s32 $0xFFFFD800  }
.LBB2_2:
0x18: {  	p1 =	sne.s32 s17, $0x9BC0;
	v1 =	vld [tilespmem:s18+$0x0];
	_ =	sdelay $0x3  }
.Ltmp0:
0x19: {  	(pc) =	sbr.rel @p1 .LBB2_2-.Ltmp0, $2  }
0x1a: {  	_ =	sdelay $0x2  }
0x1b: {  	s18 =	sshra.s32 s17, $0x2;
	s17 =	sadd.s32 $0x40, s17;
	[tilespmem:v1+s11+$0x0] =	vst.idx.add.f32.msk $0xffff, v0  }
0x1c: {  	v1 =	vld [tilespmem:s18+$0x0];
	_ =	sdelay $0x7  }
0x1d: {  	s17 =	simm.s32 @!p0 $0x0;
	s18 =	simm.s32 @!p0 $0x2700;
	[tilespmem:v1+s11+$0x0] =	vst.idx.add.f32.msk $0xffff, v0  }
0x1e: {  	[tilespmem:s18], [sflag:$0x1] =	stream.linear.gather @!p0 [hbm4b:s5+s17], $0x80, $0x38;
	[tilespmem:$0xA200] =	vst v63  }
0x1f: {  	s17 =	simm.s32 @!p0 $0x1  }
0x20: {  	_ =	swait.ge @!p0 [sflag:s17], $0x80  }
0x21: {  	[sflag:s17] =	ssyncset.done @!p0 $0x0  }
0x22: {  	[sflag:s17] =	ssyncadd.s32 @!p0 $0xFFFFFF80  }
0x23: {  	v1 =	vld @!p0 [tilespmem:$0x2700];
	_ =	sdelay $0x6  }
0x24: {  	v2 =	vimm.f32 @!p0 $1.000000000e+00;
	s17 =	simm.s32 @!p0 $0x2780  }
0x25: {  	[tilespmem:v1+s17+$0x0] =	vst.idx.add.f32.msk @!p0 $0xffff, v2  }
0x26: {  	v1 =	vld @!p0 [tilespmem:$0x2710];
	_ =	sdelay $0x7  }
0x27: {  	[tilespmem:v1+s17+$0x0] =	vst.idx.add.f32.msk @!p0 $0xffff, v2  }
0x28: {  	v1 =	vld @!p0 [tilespmem:$0x2720];
	_ =	sdelay $0x7  }
0x29: {  	[tilespmem:v1+s17+$0x0] =	vst.idx.add.f32.msk @!p0 $0xffff, v2  }
0x2a: {  	v1 =	vld @!p0 [tilespmem:$0x2730];
	_ =	sdelay $0x7  }
0x2b: {  	[tilespmem:v1+s17+$0x0] =	vst.idx.add.f32.msk @!p0 $0xffff, v2  }
0x2c: {  	v1 =	vld @!p0 [tilespmem:$0x2740];
	_ =	sdelay $0x7  }
0x2d: {  	[tilespmem:v1+s17+$0x0] =	vst.idx.add.f32.msk @!p0 $0xffff, v2  }
0x2e: {  	v1 =	vld @!p0 [tilespmem:$0x2750];
	_ =	sdelay $0x7  }
0x2f: {  	[tilespmem:v1+s17+$0x0] =	vst.idx.add.f32.msk @!p0 $0xffff, v2  }
0x30: {  	v1 =	vld @!p0 [tilespmem:$0x2760];
	_ =	sdelay $0x7  }
0x31: {  	[tilespmem:v1+s17+$0x0] =	vst.idx.add.f32.msk @!p0 $0xffff, v2  }
0x32: {  	v1 =	vld @!p0 [tilespmem:$0x2770];
	_ =	sdelay $0x7  }
0x33: {  	[tilespmem:v1+s17+$0x0] =	vst.idx.add.f32.msk @!p0 $0xffff, v2  }
0x34: {  	[spmem:s6] =	stream.linear.scatter [tilespmem:s11], [sflag:$0x1], $0x2800, $0x38;
	[tilespmem:$0xA200] =	vst v63  }
0x35: {  	_ =	swait.ge [sflag:s10], $0x2800  }
0x36: {  	[sflag:s10] =	ssyncset.done $0x0  }
0x37: {  	[sflag:s10] =	ssyncadd.s32 $0xFFFFD800  }
0x38: {  	[bflag:$0x0] =	sbarrier.arrive $0xFFFF  }
0x39: {  	[tilespmem:s14], [sflag:$0x1] =	stream.strided.gather [spmem:s7], $0x2800, s13, s12, $0x38;
	[tilespmem:$0xA200] =	vst v63  }
0x3a: {  	_ =	swait.ge [sflag:s10], $0x2800  }
0x3b: {  	[sflag:s10] =	ssyncset.done $0x0  }
0x3c: {  	s18 =	simm.s32 $0x0;
	[sflag:s10] =	ssyncadd.s32 $0xFFFFD800  }
0x3d: {  	v1 =	vld [tilespmem:s18+$0x4F80];
	_ =	sdelay $0x1  }
0x3e: {  	v2 =	vld [tilespmem:s18+$0x5200];
	_ =	sdelay $0x1  }
0x3f: {  	v3 =	vld [tilespmem:s18+$0x5480]  }
0x40: {  	v1 =	vadd.f32 $0.0e+00, v1  }
0x41: {  	v4 =	vld [tilespmem:s18+$0x5700]  }
0x42: {  	v1 =	vadd.f32 v2, v1  }
0x43: {  	v2 =	vld [tilespmem:s18+$0x5980]  }
0x44: {  	v1 =	vadd.f32 v3, v1  }
0x45: {  	v3 =	vld [tilespmem:s18+$0x5C00]  }
0x46: {  	v1 =	vadd.f32 v4, v1  }
0x47: {  	v4 =	vld [tilespmem:s18+$0x5E80]  }
0x48: {  	v1 =	vadd.f32 v2, v1  }
0x49: {  	s17 =	simm.s32 $0x10;
	v2 =	vld [tilespmem:s18+$0x6100]  }
0x4a: {  	v5 =	vld [tilespmem:s17+$0x4F80];
	v1 =	vadd.f32 v3, v1  }
0x4b: {  	v3 =	vld [tilespmem:s18+$0x6380]  }
0x4c: {  	v6 =	vld [tilespmem:s17+$0x5200];
	v1 =	vadd.f32 v4, v1  }
0x4d: {  	v4 =	vld [tilespmem:s18+$0x6600]  }
0x4e: {  	v7 =	vld [tilespmem:s17+$0x5480];
	v1 =	vadd.f32 v2, v1  }
0x4f: {  	v2 =	vld [tilespmem:s18+$0x6880]  }
0x50: {  	v8 =	vld [tilespmem:s17+$0x5700];
	v5 =	vadd.f32 $0.0e+00, v5;
	v1 =	vadd.f32 v3, v1  }
0x51: {  	v3 =	vld [tilespmem:s18+$0x6B00]  }
0x52: {  	v9 =	vld [tilespmem:s17+$0x5980];
	v5 =	vadd.f32 v6, v5;
	v1 =	vadd.f32 v4, v1  }
0x53: {  	v6 =	vld [tilespmem:s18+$0x6D80]  }
0x54: {  	v10 =	vld [tilespmem:s17+$0x5C00];
	v4 =	vadd.f32 v7, v5;
	v1 =	vadd.f32 v2, v1  }
0x55: {  	v7 =	vld [tilespmem:s18+$0x7000]  }
0x56: {  	v2 =	vadd.f32 v8, v4;
	v4 =	vld [tilespmem:s17+$0x5E80];
	v3 =	vadd.f32 v3, v1  }
0x57: {  	v1 =	vld [tilespmem:s18+$0x7280]  }
0x58: {  	v5 =	vld [tilespmem:s17+$0x6100];
	v8 =	vadd.f32 v9, v2;
	v63 =	vadd.f32 v6, v3  }
0x59: {  	v2 =	vld [tilespmem:s18+$0x7500]  }
0x5a: {  	s19 =	simm.s32 $0x20;
	s20 =	simm.s32 $0xC0;
	v6 =	vadd.f32 v10, v8;
	v3 =	vld [tilespmem:s17+$0x6380];
	v7 =	vadd.f32 v7, v63  }
.LBB2_4:
0x5b: {  	p1 =	sne.s32 s20, $0x9C0;
	v8 =	vld [tilespmem:s19+$0x4F80]  }
0x5c: {  	v4 =	vadd.f32 v4, v6;
	v6 =	vld [tilespmem:s17+$0x6600];
	v1 =	vadd.f32 v1, v7  }
0x5d: {  	v7 =	vld [tilespmem:s19+$0x5200]  }
0x5e: {  	v4 =	vadd.f32 v5, v4;
	v5 =	vld [tilespmem:s17+$0x6880];
	v1 =	vadd.f32 v2, v1  }
0x5f: {  	v2 =	vld [tilespmem:s19+$0x5480]  }
0x60: {  	v8 =	vadd.f32 $0.0e+00, v8;
	v3 =	vadd.f32 v3, v4;
	v4 =	vld [tilespmem:s17+$0x6B00];
	[tilespmem:s18+$0x7780] =	vst v1;
	s18 =	smov.u32 s17;
	s17 =	smov.u32 s19  }
0x61: {  	v1 =	vld [tilespmem:s17+$0x5700]  }
0x62: {  	v7 =	vadd.f32 v7, v8;
	v3 =	vadd.f32 v6, v3;
	v6 =	vld [tilespmem:s18+$0x6D80]  }
0x63: {  	v8 =	vld [tilespmem:s17+$0x5980]  }
0x64: {  	v2 =	vadd.f32 v2, v7;
	v3 =	vadd.f32 v5, v3;
	v7 =	vld [tilespmem:s18+$0x7000]  }
0x65: {  	v9 =	vld [tilespmem:s17+$0x5C00]  }
.Ltmp1:
0x66: {  	v2 =	vadd.f32 v1, v2;
	v3 =	vadd.f32 v4, v3;
	v1 =	vld [tilespmem:s18+$0x7280];
	(pc) =	sbr.rel @p1 .LBB2_4-.Ltmp1, $4  }
0x67: {  	v4 =	vld [tilespmem:s17+$0x5E80]  }
0x68: {  	v8 =	vadd.f32 v8, v2;
	v10 =	vadd.f32 v6, v3;
	v2 =	vld [tilespmem:s18+$0x7500]  }
0x69: {  	v5 =	vld [tilespmem:s17+$0x6100]  }
0x6a: {  	s19 =	sshra.s32 s20, $0x2;
	s20 =	sadd.s32 $0x40, s20;
	v6 =	vadd.f32 v9, v8;
	v3 =	vld [tilespmem:s17+$0x6380];
	v7 =	vadd.f32 v7, v10  }
0x6b: {  	v8 =	vld [tilespmem:s19+$0x4F80]  }
0x6c: {  	v9 =	vld [tilespmem:s17+$0x6600];
	v1 =	vadd.f32 v1, v7  }
0x6d: {  	v49 =	vld [tilespmem:s19+$0x5200]  }
0x6e: {  	v10 =	vld [tilespmem:s17+$0x6880];
	v4 =	vadd.f32 v4, v6;
	v1 =	vadd.f32 v2, v1  }
0x6f: {  	v2 =	vld [tilespmem:s19+$0x5480]  }
0x70: {  	v50 =	vld [tilespmem:s17+$0x6B00];
	v4 =	vadd.f32 v5, v4;
	v51 =	vadd.f32 $0.0e+00, v8;
	[tilespmem:s18+$0x7780] =	vst v1  }
0x71: {  	v1 =	vld [tilespmem:s19+$0x5700]  }
0x72: {  	v3 =	vadd.f32 v3, v4;
	v52 =	vadd.f32 v49, v51  }
0x73: {  	v53 =	vld [tilespmem:s19+$0x5980]  }
0x74: {  	v54 =	vld [tilespmem:s17+$0x6D80];
	v3 =	vadd.f32 v9, v3;
	v2 =	vadd.f32 v2, v52  }
0x75: {  	v55 =	vld [tilespmem:s19+$0x5C00]  }
0x76: {  	v56 =	vld [tilespmem:s17+$0x7000];
	v3 =	vadd.f32 v10, v3;
	v1 =	vadd.f32 v1, v2  }
0x77: {  	v2 =	vld [tilespmem:s19+$0x5E80]  }
0x78: {  	v57 =	vld [tilespmem:s17+$0x7280];
	v3 =	vadd.f32 v50, v3;
	v1 =	vadd.f32 v53, v1  }
0x79: {  	v58 =	vld [tilespmem:s19+$0x6100]  }
0x7a: {  	v59 =	vld [tilespmem:s17+$0x7500];
	v3 =	vadd.f32 v54, v3;
	v1 =	vadd.f32 v55, v1  }
0x7b: {  	v60 =	vld [tilespmem:s19+$0x6380]  }
0x7c: {  	v3 =	vadd.f32 v56, v3;
	v1 =	vadd.f32 v2, v1  }
0x7d: {  	v2 =	vld [tilespmem:s19+$0x6600]  }
0x7e: {  	v3 =	vadd.f32 v57, v3;
	v1 =	vadd.f32 v58, v1  }
0x7f: {  	v61 =	vld [tilespmem:s19+$0x6880]  }
0x80: {  	v3 =	vadd.f32 v59, v3;
	v1 =	vadd.f32 v60, v1  }
0x81: {  	v62 =	vld [tilespmem:s19+$0x6B00]  }
0x82: {  	[tilespmem:s17+$0x7780] =	vst v3;
	v1 =	vadd.f32 v2, v1  }
0x83: {  	v2 =	vld [tilespmem:s19+$0x6D80]  }
0x84: {  	v1 =	vadd.f32 v61, v1  }
0x85: {  	v3 =	vld [tilespmem:s19+$0x7000]  }
0x86: {  	v1 =	vadd.f32 v62, v1  }
0x87: {  	v63 =	vld [tilespmem:s19+$0x7280]  }
0x88: {  	v1 =	vadd.f32 v2, v1  }
0x89: {  	v2 =	vld [tilespmem:s19+$0x7500]  }
0x8a: {  	v1 =	vadd.f32 v3, v1;
	_ =	sdelay $0x1  }
0x8b: {  	v1 =	vadd.f32 v63, v1;
	_ =	sdelay $0x1  }
0x8c: {  	s16 =	sadd.s32 $0x1, s16;
	v1 =	vadd.f32 v2, v1  }
0x8d: {  	p1 =	sne.s32 s16, s9  }
.Ltmp2:
0x8e: {  	[tilespmem:s19+$0x7780] =	vst v1;
	(pc) =	sbr.rel @p1 .LBB2_1-.Ltmp2, $4  }
0x8f: {  	[hbm4b:s8+s2] =	stream.linear.scatter [tilespmem:s15], [sflag:$0x1], $0x280, $0x38;
	[tilespmem:$0xA200] =	vst v63  }
0x90: {  	_ =	swait.ge [sflag:s10], $0x280  }
0x91: {  	[sflag:s10] =	ssyncset.done $0x0  }
0x92: {  	[sflag:s10] =	ssyncadd.s32 $0xFFFFFD80  }
0x93: {  	_ =	sfence.sel $0x180000  }
0x94: {  	[bflag:$0x0] =	sbarrier.arrive $0xFFFF  }
0x95: {  	p0 =	sne.s32 s0, $0x0;
	_ =	strace $0x90000047  }
0x96: {  	s0 =	sadd.s32 @!p0 $0x100000, s1;
	[bflag:$0x2] =	sbarrier.arrive $0xFFFF  }
0x97: {  	[sflag:s0] =	ssyncadd.tile.s32 @!p0 $0x1;
	_ =	shalt  }
.Lfunc_end2:
_tile_overlayer_lowered:
.L_overlay_start_2:
0x98: {  	(tag) =	ssettag $0x2  }
0x99: {  	s0 =	rddreg [dreg:$0x0];
	s2 =	stileid.u32  }
0x9a: {  	s1 =	rddreg [dreg:$0x1];
	p0 =	sne.s32 s2, $0x0  }
0x9b: {  	s3 =	rddreg [dreg:$0x2];
	[bflag:$0x3] =	sbarrier.arrive $0xFFFF;
	s2 =	simm.s32 @!p0 $0x1C01  }
0x9c: {  	[timem:s3], [sflag:s2] =	dma.local @!p0 [hbm:s0], s1  }
0x9d: {  	s0 =	simm.s32 @!p0 $0x1  }
0x9e: {  	_ =	swait.ge @!p0 [sflag:s0], s1  }
0x9f: {  	s1 =	ssub.s32 @!p0 $0x0, s1;
	[sflag:s0] =	ssyncset.done @!p0 $0x0  }
0xa0: {  	[sflag:s0] =	ssyncadd.s32 @!p0 s1  }
0xa1: {  	[bflag:$0x3] =	sbarrier.arrive $0xFFFF  }
0xa2: {  	_ =	shalt  }

</sc_bundles>
